<compile_context>
chip_gen: v7x
topology: tpu7x:2x2x1
jax: 0.10.2.dev20260603
libtpu: 0.0.44.dev20260713+nightly
codegen_flags: <defaults>
</compile_context>

<pallas_src>
import functools

import jax
import jax.numpy as jnp
from jax import lax
from jax.experimental import pallas as pl
from jax.experimental.pallas import tpu as pltpu
from jax.experimental.pallas import tpu_sc as plsc

B = 4096
L = 200
EMB = 64
VLM = 768
TXT = 512
VOCAB = 1000000

NC = 2
NS = 16
NW = NC * NS
BPW = B // NW
NBUF = 4
C0 = 128
C1 = L - C0

TBLK = 8192


NBLK = (VOCAB + 2 * TBLK - 1) // (2 * TBLK)
TROWS = 2 * NBLK * TBLK


def _detile_table(embT):

    def body(ina_ref, inb_ref, o_ref):
        o_ref[...] = jnp.concatenate(
            [ina_ref[...].T, inb_ref[...].T], axis=1
        )

    return pl.pallas_call(
        body,
        grid=(NBLK,),
        in_specs=[
            pl.BlockSpec((EMB, TBLK), lambda i: (0, 2 * i)),
            pl.BlockSpec((EMB, TBLK), lambda i: (0, jnp.minimum(2 * i + 1, 122))),
        ],
        out_specs=pl.BlockSpec((TBLK, 2 * EMB), lambda i: (i, 0)),
        out_shape=jax.ShapeDtypeStruct((NBLK * TBLK, 2 * EMB), jnp.float32),
    )(embT, embT)


def _transpose_out(o2):

    def body(in_ref, o_ref):
        o_ref[...] = in_ref[...].T

    RB, CB = 512, 2560
    return pl.pallas_call(
        body,
        grid=(B // RB, (L * EMB) // CB),
        in_specs=[pl.BlockSpec((RB, CB), lambda i, j: (i, j))],
        out_specs=pl.BlockSpec((CB, RB), lambda i, j: (j, i)),
        out_shape=jax.ShapeDtypeStruct((L * EMB, B), jnp.float32),
    )(o2)


def _projection(vlm_emb, text_emb, W1a, W1b, b1_2d):
    blk = 512
    grid = (B // blk,)

    def body(vlm_ref, txt_ref, wa_ref, wb_ref, b1_ref, o_ref):
        acc = jnp.dot(vlm_ref[...], wa_ref[...], preferred_element_type=jnp.float32)
        acc = acc + jnp.dot(txt_ref[...], wb_ref[...], preferred_element_type=jnp.float32)
        o_ref[...] = acc + b1_ref[...]

    return pl.pallas_call(
        body,
        grid=grid,
        in_specs=[
            pl.BlockSpec((blk, VLM), lambda i: (i, 0)),
            pl.BlockSpec((blk, TXT), lambda i: (i, 0)),
            pl.BlockSpec((VLM, EMB), lambda i: (0, 0)),
            pl.BlockSpec((TXT, EMB), lambda i: (0, 0)),
            pl.BlockSpec((1, EMB), lambda i: (0, 0)),
        ],
        out_specs=pl.BlockSpec((blk, EMB), lambda i: (i, 0)),
        out_shape=jax.ShapeDtypeStruct((B, EMB), jnp.float32),
    )(vlm_emb, text_emb, W1a, W1b, b1_2d)


def _gather_add(ids, proj, table):
    mesh = plsc.VectorSubcoreMesh(core_axis_name="c", subcore_axis_name="s")

    @functools.partial(
        pl.kernel,
        out_type=jax.ShapeDtypeStruct((B, L, EMB), jnp.float32),
        mesh=mesh,
        scratch_types=[
            pltpu.VMEM((BPW, L), jnp.int32),
            pltpu.VMEM((BPW, EMB), jnp.float32),
            pltpu.VMEM((NBUF, L, EMB), jnp.float32),
            pltpu.SemaphoreType.DMA((NBUF,)),
            pltpu.SemaphoreType.DMA((NBUF,)),
        ],
        compiler_params=pltpu.CompilerParams(use_tc_tiling_on_sc=False),
    )
    def k(ids_hbm, proj_hbm, table_hbm, out_hbm, idx_v, projs_v, rows_v, gsem, osem):
        wid = lax.axis_index("s") * NC + lax.axis_index("c")
        base = wid * BPW

        pltpu.sync_copy(ids_hbm.at[pl.ds(base, BPW)], idx_v)
        pltpu.sync_copy(proj_hbm.at[pl.ds(base, BPW)], projs_v)

        def start_gather(i, buf):
            pltpu.async_copy(
                table_hbm.at[idx_v.at[i, pl.ds(0, C0)]],
                rows_v.at[buf, pl.ds(0, C0)],
                gsem.at[buf],
            )
            pltpu.async_copy(
                table_hbm.at[idx_v.at[i, pl.ds(C0, C1)]],
                rows_v.at[buf, pl.ds(C0, C1)],
                gsem.at[buf],
            )

        def wait_gather(i, buf):
            pltpu.make_async_copy(
                table_hbm.at[idx_v.at[i, pl.ds(0, C0)]],
                rows_v.at[buf, pl.ds(0, C0)],
                gsem.at[buf],
            ).wait()
            pltpu.make_async_copy(
                table_hbm.at[idx_v.at[i, pl.ds(C0, C1)]],
                rows_v.at[buf, pl.ds(C0, C1)],
                gsem.at[buf],
            ).wait()

        def wait_write(i, buf):
            pltpu.make_async_copy(
                rows_v.at[buf], out_hbm.at[base + i], osem.at[buf]
            ).wait()

        start_gather(0, 0)
        start_gather(1, 1)

        @pl.loop(0, BPW // NBUF)
        def _t(t):
            for kk in range(NBUF):
                i = t * NBUF + kk
                buf = kk
                nbuf = (kk + 2) % NBUF

                @pl.when(i + 2 < BPW)
                def _pf():
                    @pl.when(i >= 2)
                    def _drain():
                        wait_write(i - 2, nbuf)

                    start_gather(i + 2, nbuf)

                wait_gather(i, buf)

                pj0 = projs_v[i, pl.ds(0, 16)]
                pj1 = projs_v[i, pl.ds(16, 16)]
                pj2 = projs_v[i, pl.ds(32, 16)]
                pj3 = projs_v[i, pl.ds(48, 16)]

                @pl.loop(0, L // 4)
                def _r(r4):
                    for rr in range(4):
                        r = r4 * 4 + rr
                        rows_v[buf, r, pl.ds(0, 16)] += pj0
                        rows_v[buf, r, pl.ds(16, 16)] += pj1
                        rows_v[buf, r, pl.ds(32, 16)] += pj2
                        rows_v[buf, r, pl.ds(48, 16)] += pj3

                pltpu.async_copy(rows_v.at[buf], out_hbm.at[base + i], osem.at[buf])

        for kk in range(NBUF):
            wait_write(BPW - NBUF + kk, kk)

    return k(ids, proj, table)


def kernel(vlm_emb, text_emb, input_ids, embedding, W1, b1):
    W1a = W1[:VLM]
    W1b = W1[VLM:]
    proj = _projection(vlm_emb, text_emb, W1a, W1b, b1.reshape(1, EMB))

    table_lin = _detile_table(embedding.T).reshape(TROWS, EMB)
    ids32 = input_ids.astype(jnp.int32)
    g = ids32 >> 13
    idx2 = ((g >> 1) << 14) | ((ids32 & 8191) << 1) | (g & 1)
    out = _gather_add(idx2, proj, table_lin)

    flat = jax.lax.optimization_barrier(out.reshape(B * L * EMB))
    o2 = flat.reshape(B, L * EMB)
    o3 = _transpose_out(o2)
    return o3.reshape(L, EMB, B).transpose(2, 0, 1)

# --- scband reference (transcript-rebuilt; emitter-appended) ---
"""Pipeline reference for scband-basic-llm-90391881712357 (READ-ONLY COPY).

The authoritative reference and input builder live on the scoring server;
editing this copy changes nothing except your own understanding.
"""

import jax, jax.numpy as jnp
import numpy as np

VOCAB = 1000000
EMB = 64
VLM = 768
TXT = 512
B = 4096
L = 200


def setup_inputs(seed: int = 0) -> dict:
    key = jax.random.key(seed)
    k1, k2, k3, k4, k5, k6 = jax.random.split(key, 6)
    vlm_emb = jax.random.normal(k1, (B, VLM), dtype=jnp.float32)
    text_emb = jax.random.normal(k2, (B, TXT), dtype=jnp.float32)
    input_ids = jax.random.randint(k3, (B, L), 0, VOCAB, dtype=jnp.int64 if jax.config.read('jax_enable_x64') else jnp.int32)
    embedding = jax.random.normal(k4, (VOCAB, EMB), dtype=jnp.float32)
    W1 = jax.random.normal(k5, (VLM + TXT, EMB), dtype=jnp.float32) * (1.0 / np.sqrt(VLM + TXT))
    b1 = jax.random.normal(k6, (EMB,), dtype=jnp.float32) * 0.01
    return {"vlm_emb": vlm_emb, "text_emb": text_emb, "input_ids": input_ids,
            "embedding": embedding, "W1": W1, "b1": b1}


def reference(vlm_emb, text_emb, input_ids, embedding, W1, b1):
    # token_emb = self.embedding(input_ids)
    token_emb = jnp.take(embedding, input_ids, axis=0)  # [B, L, EMB]
    # combined_emb = torch.cat([vlm_emb, text_emb], dim=-1)
    combined_emb = jnp.concatenate([vlm_emb, text_emb], axis=-1)  # [B, VLM+TXT]
    # projected_emb = self.linear1(combined_emb)
    projected_emb = combined_emb @ W1 + b1  # [B, EMB]
    # if projected_emb.dim() == 2: unsqueeze(1)
    if projected_emb.ndim == 2:
        projected_emb = projected_emb[:, None, :]  # [B, 1, EMB]
    output = token_emb + projected_emb  # broadcast over L -> [B, L, EMB]
    return output

if __name__ == "__main__":
    import jax
    _d = setup_inputs()
    print(jax.jit(kernel)(*tuple(_d.values())))

</pallas_src>

<mosaic_0001>
#map = affine_map<(d0, d1) -> (0, 0)>
#map1 = affine_map<(d0, d1) -> (0, 0, 0)>
module attributes {stable_mosaic.version = 14 : i64} {
  func.func @k(%arg0: i32, %arg1: i32, %arg2: memref<4096x200xi32, #tpu.memory_space<hbm>>, %arg3: memref<4096x64xf32, #tpu.memory_space<hbm>>, %arg4: memref<1015808x64xf32, #tpu.memory_space<hbm>>, %arg5: memref<4096x200x64xf32, #tpu.memory_space<hbm>>, %arg6: memref<128x200xi32, #tpu.memory_space<vmem>>, %arg7: memref<128x64xf32, #tpu.memory_space<vmem>>, %arg8: memref<4x200x64xf32, #tpu.memory_space<vmem>>, %arg9: memref<4x!tpu.dma_semaphore, #tpu.memory_space<semaphore_mem>>, %arg10: memref<4x!tpu.dma_semaphore, #tpu.memory_space<semaphore_mem>>) attributes {dimension_semantics = [#tpu.dimension_semantics<core_parallel>, #tpu.dimension_semantics<subcore_parallel>], iteration_bounds = array<i64: 2, 16>, scalar_prefetch = 0 : i64, scratch_operands = 5 : i64, tpu.core_type = #tpu.core_type<sc_vector_subcore>, window_params = [{transform_indices = #map}, {transform_indices = #map}, {transform_indices = #map}, {transform_indices = #map1}]} {
    %mul3A = arith.constant 2 : i32
    %mul3A_0 = arith.muli %arg1, %mul3A : i32
    %add3A = arith.addi %mul3A_0, %arg0 : i32
    %mul3A_1 = arith.constant 128 : i32
    %mul3A_2 = arith.muli %add3A, %mul3A_1 : i32
    "tpu.region"() ({
      %run_scoped3A = tpu.sem_alloc : memref<!tpu.dma_semaphore, #tpu.memory_space<semaphore_mem>>
      %dma_start3A_153 = arith.constant 0 : i32
      %dma_start3A_154 = tpu.memref_slice %arg2[%mul3A_2, %dma_start3A_153] : memref<4096x200xi32, #tpu.memory_space<hbm>> -> memref<128x200xi32, #tpu.memory_space<hbm>>
      %dma_start3A_155 = arith.constant 0 : i32
      %dma_start3A_156 = tpu.memref_slice %arg2[%mul3A_2, %dma_start3A_155] : memref<4096x200xi32, #tpu.memory_space<hbm>> -> memref<128x200xi32, #tpu.memory_space<hbm>>
      tpu.enqueue_dma source(%dma_start3A_156 : memref<128x200xi32, #tpu.memory_space<hbm>>) target(%arg6 : memref<128x200xi32, #tpu.memory_space<vmem>>) target_semaphore(%run_scoped3A : memref<!tpu.dma_semaphore, #tpu.memory_space<semaphore_mem>>)
      %dma_wait3A_157 = arith.constant 0 : i32
      %dma_wait3A_158 = tpu.memref_slice %arg2[%mul3A_2, %dma_wait3A_157] : memref<4096x200xi32, #tpu.memory_space<hbm>> -> memref<128x200xi32, #tpu.memory_space<hbm>>
      %dma_wait3A_159 = arith.constant 0 : i32
      %dma_wait3A_160 = tpu.memref_slice %arg2[%mul3A_2, %dma_wait3A_159] : memref<4096x200xi32, #tpu.memory_space<hbm>> -> memref<128x200xi32, #tpu.memory_space<hbm>>
      tpu.wait_dma2 semaphore(%run_scoped3A : memref<!tpu.dma_semaphore, #tpu.memory_space<semaphore_mem>>) src(%dma_wait3A_160 : memref<128x200xi32, #tpu.memory_space<hbm>>) dst(%arg6 : memref<128x200xi32, #tpu.memory_space<vmem>>)
      tpu.yield
    }) : () -> ()
    "tpu.region"() ({
      %run_scoped3A = tpu.sem_alloc : memref<!tpu.dma_semaphore, #tpu.memory_space<semaphore_mem>>
      %dma_start3A_153 = arith.constant 0 : i32
      %dma_start3A_154 = tpu.memref_slice %arg3[%mul3A_2, %dma_start3A_153] : memref<4096x64xf32, #tpu.memory_space<hbm>> -> memref<128x64xf32, #tpu.memory_space<hbm>>
      %dma_start3A_155 = arith.constant 0 : i32
      %dma_start3A_156 = tpu.memref_slice %arg3[%mul3A_2, %dma_start3A_155] : memref<4096x64xf32, #tpu.memory_space<hbm>> -> memref<128x64xf32, #tpu.memory_space<hbm>>
      tpu.enqueue_dma source(%dma_start3A_156 : memref<128x64xf32, #tpu.memory_space<hbm>>) target(%arg7 : memref<128x64xf32, #tpu.memory_space<vmem>>) target_semaphore(%run_scoped3A : memref<!tpu.dma_semaphore, #tpu.memory_space<semaphore_mem>>)
      %dma_wait3A_157 = arith.constant 0 : i32
      %dma_wait3A_158 = tpu.memref_slice %arg3[%mul3A_2, %dma_wait3A_157] : memref<4096x64xf32, #tpu.memory_space<hbm>> -> memref<128x64xf32, #tpu.memory_space<hbm>>
      %dma_wait3A_159 = arith.constant 0 : i32
      %dma_wait3A_160 = tpu.memref_slice %arg3[%mul3A_2, %dma_wait3A_159] : memref<4096x64xf32, #tpu.memory_space<hbm>> -> memref<128x64xf32, #tpu.memory_space<hbm>>
      tpu.wait_dma2 semaphore(%run_scoped3A : memref<!tpu.dma_semaphore, #tpu.memory_space<semaphore_mem>>) src(%dma_wait3A_160 : memref<128x64xf32, #tpu.memory_space<hbm>>) dst(%arg7 : memref<128x64xf32, #tpu.memory_space<vmem>>)
      tpu.yield
    }) : () -> ()
    %dma_start3A = arith.constant 0 : i32
    %dma_start3A_3 = arith.constant 0 : i32
    %dma_start3A_4 = arith.constant 0 : i32
    %dma_start3A_5 = arith.constant 0 : i32
    %dma_start3A_6 = arith.constant 0 : i32
    %dma_start3A_7 = tpu.memref_slice %arg8[%dma_start3A_3, %dma_start3A_5, %dma_start3A_6] : memref<4x200x64xf32, #tpu.memory_space<vmem>> -> memref<1x128x64xf32, #tpu.memory_space<vmem>>
    %dma_start3A_8 = tpu.memref_squeeze %dma_start3A_7 : memref<1x128x64xf32, #tpu.memory_space<vmem>> -> memref<128x64xf32, #tpu.memory_space<vmem>>
    %dma_start3A_9 = arith.constant 0 : i32
    %dma_start3A_10 = tpu.memref_slice %arg6[%dma_start3A, %dma_start3A_9] : memref<128x200xi32, #tpu.memory_space<vmem>> -> memref<1x128xi32, #tpu.memory_space<vmem>>
    %dma_start3A_11 = tpu.memref_squeeze %dma_start3A_10 : memref<1x128xi32, #tpu.memory_space<vmem>> -> memref<128xi32, #tpu.memory_space<vmem>>
    %dma_start3A_12 = arith.constant 0 : i32
    %dma_start3A_13 = arith.constant 0 : i32
    %dma_start3A_14 = tpu.memref_slice %arg4[%dma_start3A_12, %dma_start3A_13] : memref<1015808x64xf32, #tpu.memory_space<hbm>> -> memref<1015808x64xf32, #tpu.memory_space<hbm>>
    %dma_start3A_15 = tpu.memref_slice %arg9[%dma_start3A_4] : memref<4x!tpu.dma_semaphore, #tpu.memory_space<semaphore_mem>> -> memref<1x!tpu.dma_semaphore, #tpu.memory_space<semaphore_mem>>
    %dma_start3A_16 = tpu.memref_squeeze %dma_start3A_15 : memref<1x!tpu.dma_semaphore, #tpu.memory_space<semaphore_mem>> -> memref<!tpu.dma_semaphore, #tpu.memory_space<semaphore_mem>>
    tpu.enqueue_indirect_dma source(%dma_start3A_14 : memref<1015808x64xf32, #tpu.memory_space<hbm>>) target(%dma_start3A_8 : memref<128x64xf32, #tpu.memory_space<vmem>>) offsets(%dma_start3A_11 : memref<128xi32, #tpu.memory_space<vmem>>) semaphore(%dma_start3A_16 : memref<!tpu.dma_semaphore, #tpu.memory_space<semaphore_mem>>)
    %dma_start3A_17 = arith.constant 0 : i32
    %dma_start3A_18 = arith.constant 0 : i32
    %dma_start3A_19 = arith.constant 0 : i32
    %dma_start3A_20 = arith.constant 128 : i32
    %dma_start3A_21 = arith.constant 0 : i32
    %dma_start3A_22 = tpu.memref_slice %arg8[%dma_start3A_18, %dma_start3A_20, %dma_start3A_21] : memref<4x200x64xf32, #tpu.memory_space<vmem>> -> memref<1x72x64xf32, #tpu.memory_space<vmem>>
    %dma_start3A_23 = tpu.memref_squeeze %dma_start3A_22 : memref<1x72x64xf32, #tpu.memory_space<vmem>> -> memref<72x64xf32, #tpu.memory_space<vmem>>
    %dma_start3A_24 = arith.constant 128 : i32
    %dma_start3A_25 = tpu.memref_slice %arg6[%dma_start3A_17, %dma_start3A_24] : memref<128x200xi32, #tpu.memory_space<vmem>> -> memref<1x72xi32, #tpu.memory_space<vmem>>
    %dma_start3A_26 = tpu.memref_squeeze %dma_start3A_25 : memref<1x72xi32, #tpu.memory_space<vmem>> -> memref<72xi32, #tpu.memory_space<vmem>>
    %dma_start3A_27 = arith.constant 0 : i32
    %dma_start3A_28 = arith.constant 0 : i32
    %dma_start3A_29 = tpu.memref_slice %arg4[%dma_start3A_27, %dma_start3A_28] : memref<1015808x64xf32, #tpu.memory_space<hbm>> -> memref<1015808x64xf32, #tpu.memory_space<hbm>>
    %dma_start3A_30 = tpu.memref_slice %arg9[%dma_start3A_19] : memref<4x!tpu.dma_semaphore, #tpu.memory_space<semaphore_mem>> -> memref<1x!tpu.dma_semaphore, #tpu.memory_space<semaphore_mem>>
    %dma_start3A_31 = tpu.memref_squeeze %dma_start3A_30 : memref<1x!tpu.dma_semaphore, #tpu.memory_space<semaphore_mem>> -> memref<!tpu.dma_semaphore, #tpu.memory_space<semaphore_mem>>
    tpu.enqueue_indirect_dma source(%dma_start3A_29 : memref<1015808x64xf32, #tpu.memory_space<hbm>>) target(%dma_start3A_23 : memref<72x64xf32, #tpu.memory_space<vmem>>) offsets(%dma_start3A_26 : memref<72xi32, #tpu.memory_space<vmem>>) semaphore(%dma_start3A_31 : memref<!tpu.dma_semaphore, #tpu.memory_space<semaphore_mem>>)
    %dma_start3A_32 = arith.constant 1 : i32
    %dma_start3A_33 = arith.constant 1 : i32
    %dma_start3A_34 = arith.constant 1 : i32
    %dma_start3A_35 = arith.constant 0 : i32
    %dma_start3A_36 = arith.constant 0 : i32
    %dma_start3A_37 = tpu.memref_slice %arg8[%dma_start3A_33, %dma_start3A_35, %dma_start3A_36] : memref<4x200x64xf32, #tpu.memory_space<vmem>> -> memref<1x128x64xf32, #tpu.memory_space<vmem>>
    %dma_start3A_38 = tpu.memref_squeeze %dma_start3A_37 : memref<1x128x64xf32, #tpu.memory_space<vmem>> -> memref<128x64xf32, #tpu.memory_space<vmem>>
    %dma_start3A_39 = arith.constant 0 : i32
    %dma_start3A_40 = tpu.memref_slice %arg6[%dma_start3A_32, %dma_start3A_39] : memref<128x200xi32, #tpu.memory_space<vmem>> -> memref<1x128xi32, #tpu.memory_space<vmem>>
    %dma_start3A_41 = tpu.memref_squeeze %dma_start3A_40 : memref<1x128xi32, #tpu.memory_space<vmem>> -> memref<128xi32, #tpu.memory_space<vmem>>
    %dma_start3A_42 = arith.constant 0 : i32
    %dma_start3A_43 = arith.constant 0 : i32
    %dma_start3A_44 = tpu.memref_slice %arg4[%dma_start3A_42, %dma_start3A_43] : memref<1015808x64xf32, #tpu.memory_space<hbm>> -> memref<1015808x64xf32, #tpu.memory_space<hbm>>
    %dma_start3A_45 = tpu.memref_slice %arg9[%dma_start3A_34] : memref<4x!tpu.dma_semaphore, #tpu.memory_space<semaphore_mem>> -> memref<1x!tpu.dma_semaphore, #tpu.memory_space<semaphore_mem>>
    %dma_start3A_46 = tpu.memref_squeeze %dma_start3A_45 : memref<1x!tpu.dma_semaphore, #tpu.memory_space<semaphore_mem>> -> memref<!tpu.dma_semaphore, #tpu.memory_space<semaphore_mem>>
    tpu.enqueue_indirect_dma source(%dma_start3A_44 : memref<1015808x64xf32, #tpu.memory_space<hbm>>) target(%dma_start3A_38 : memref<128x64xf32, #tpu.memory_space<vmem>>) offsets(%dma_start3A_41 : memref<128xi32, #tpu.memory_space<vmem>>) semaphore(%dma_start3A_46 : memref<!tpu.dma_semaphore, #tpu.memory_space<semaphore_mem>>)
    %dma_start3A_47 = arith.constant 1 : i32
    %dma_start3A_48 = arith.constant 1 : i32
    %dma_start3A_49 = arith.constant 1 : i32
    %dma_start3A_50 = arith.constant 128 : i32
    %dma_start3A_51 = arith.constant 0 : i32
    %dma_start3A_52 = tpu.memref_slice %arg8[%dma_start3A_48, %dma_start3A_50, %dma_start3A_51] : memref<4x200x64xf32, #tpu.memory_space<vmem>> -> memref<1x72x64xf32, #tpu.memory_space<vmem>>
    %dma_start3A_53 = tpu.memref_squeeze %dma_start3A_52 : memref<1x72x64xf32, #tpu.memory_space<vmem>> -> memref<72x64xf32, #tpu.memory_space<vmem>>
    %dma_start3A_54 = arith.constant 128 : i32
    %dma_start3A_55 = tpu.memref_slice %arg6[%dma_start3A_47, %dma_start3A_54] : memref<128x200xi32, #tpu.memory_space<vmem>> -> memref<1x72xi32, #tpu.memory_space<vmem>>
    %dma_start3A_56 = tpu.memref_squeeze %dma_start3A_55 : memref<1x72xi32, #tpu.memory_space<vmem>> -> memref<72xi32, #tpu.memory_space<vmem>>
    %dma_start3A_57 = arith.constant 0 : i32
    %dma_start3A_58 = arith.constant 0 : i32
    %dma_start3A_59 = tpu.memref_slice %arg4[%dma_start3A_57, %dma_start3A_58] : memref<1015808x64xf32, #tpu.memory_space<hbm>> -> memref<1015808x64xf32, #tpu.memory_space<hbm>>
    %dma_start3A_60 = tpu.memref_slice %arg9[%dma_start3A_49] : memref<4x!tpu.dma_semaphore, #tpu.memory_space<semaphore_mem>> -> memref<1x!tpu.dma_semaphore, #tpu.memory_space<semaphore_mem>>
    %dma_start3A_61 = tpu.memref_squeeze %dma_start3A_60 : memref<1x!tpu.dma_semaphore, #tpu.memory_space<semaphore_mem>> -> memref<!tpu.dma_semaphore, #tpu.memory_space<semaphore_mem>>
    tpu.enqueue_indirect_dma source(%dma_start3A_59 : memref<1015808x64xf32, #tpu.memory_space<hbm>>) target(%dma_start3A_53 : memref<72x64xf32, #tpu.memory_space<vmem>>) offsets(%dma_start3A_56 : memref<72xi32, #tpu.memory_space<vmem>>) semaphore(%dma_start3A_61 : memref<!tpu.dma_semaphore, #tpu.memory_space<semaphore_mem>>)
    %scan3A = arith.constant 0 : i32
    %scan3A_62 = arith.constant 32 : i32
    %scan3A_63 = arith.addi %scan3A, %scan3A_62 : i32
    %scan3A_64 = arith.constant 1 : i32
    scf.for %scan3A_153 = %scan3A to %scan3A_63 step %scan3A_64  : i32 {
      %mul3A_154 = arith.constant 1 : i32
      %mul3A_155 = arith.muli %scan3A_153, %mul3A_154 : i32
      %add3A_156 = arith.constant 0 : i32
      %add3A_157 = arith.addi %add3A_156, %mul3A_155 : i32
      %mul3A_158 = arith.constant 4 : i32
      %mul3A_159 = arith.muli %add3A_157, %mul3A_158 : i32
      %add3A_160 = arith.constant 0 : i32
      %add3A_161 = arith.addi %mul3A_159, %add3A_160 : i32
      %add3A_162 = arith.constant 2 : i32
      %add3A_163 = arith.addi %add3A_161, %add3A_162 : i32
      %lt3A = arith.constant 128 : i32
      %lt3A_164 = arith.cmpi slt, %add3A_163, %lt3A : i32
      %convert_element_type3A = arith.extui %lt3A_164 : i1 to i32
      %cond3A = arith.constant 0 : i32
      %cond3A_165 = arith.cmpi ne, %convert_element_type3A, %cond3A : i32
      scf.if %cond3A_165 {
        %ge3A = arith.constant 2 : i32
        %ge3A_478 = arith.cmpi sge, %add3A_161, %ge3A : i32
        %convert_element_type3A_479 = arith.extui %ge3A_478 : i1 to i32
        %cond3A_480 = arith.constant 0 : i32
        %cond3A_481 = arith.cmpi ne, %convert_element_type3A_479, %cond3A_480 : i32
        scf.if %cond3A_481 {
          %sub3A = arith.constant 2 : i32
          %sub3A_512 = arith.subi %add3A_161, %sub3A : i32
          %add3A_513 = arith.addi %mul3A_2, %sub3A_512 : i32
          %dma_wait3A_514 = arith.constant 2 : i32
          %dma_wait3A_515 = arith.constant 2 : i32
          %dma_wait3A_516 = arith.constant 0 : i32
          %dma_wait3A_517 = arith.constant 0 : i32
          %dma_wait3A_518 = tpu.memref_slice %arg8[%dma_wait3A_514, %dma_wait3A_516, %dma_wait3A_517] : memref<4x200x64xf32, #tpu.memory_space<vmem>> -> memref<1x200x64xf32, #tpu.memory_space<vmem>>
          %dma_wait3A_519 = tpu.memref_squeeze %dma_wait3A_518 : memref<1x200x64xf32, #tpu.memory_space<vmem>> -> memref<200x64xf32, #tpu.memory_space<vmem>>
          %dma_wait3A_520 = arith.constant 0 : i32
          %dma_wait3A_521 = arith.constant 0 : i32
          %dma_wait3A_522 = tpu.memref_slice %arg5[%add3A_513, %dma_wait3A_520, %dma_wait3A_521] : memref<4096x200x64xf32, #tpu.memory_space<hbm>> -> memref<1x200x64xf32, #tpu.memory_space<hbm>>
          %dma_wait3A_523 = tpu.memref_squeeze %dma_wait3A_522 : memref<1x200x64xf32, #tpu.memory_space<hbm>> -> memref<200x64xf32, #tpu.memory_space<hbm>>
          %dma_wait3A_524 = tpu.memref_slice %arg10[%dma_wait3A_515] : memref<4x!tpu.dma_semaphore, #tpu.memory_space<semaphore_mem>> -> memref<1x!tpu.dma_semaphore, #tpu.memory_space<semaphore_mem>>
          %dma_wait3A_525 = tpu.memref_squeeze %dma_wait3A_524 : memref<1x!tpu.dma_semaphore, #tpu.memory_space<semaphore_mem>> -> memref<!tpu.dma_semaphore, #tpu.memory_space<semaphore_mem>>
          %dma_wait3A_526 = arith.constant 0 : i32
          %dma_wait3A_527 = arith.constant 0 : i32
          %dma_wait3A_528 = tpu.memref_slice %arg5[%add3A_513, %dma_wait3A_526, %dma_wait3A_527] : memref<4096x200x64xf32, #tpu.memory_space<hbm>> -> memref<1x200x64xf32, #tpu.memory_space<hbm>>
          %dma_wait3A_529 = tpu.memref_squeeze %dma_wait3A_528 : memref<1x200x64xf32, #tpu.memory_space<hbm>> -> memref<200x64xf32, #tpu.memory_space<hbm>>
          %dma_wait3A_530 = arith.constant 0 : i32
          %dma_wait3A_531 = arith.constant 0 : i32
          %dma_wait3A_532 = tpu.memref_slice %arg8[%dma_wait3A_514, %dma_wait3A_530, %dma_wait3A_531] : memref<4x200x64xf32, #tpu.memory_space<vmem>> -> memref<1x200x64xf32, #tpu.memory_space<vmem>>
          %dma_wait3A_533 = tpu.memref_squeeze %dma_wait3A_532 : memref<1x200x64xf32, #tpu.memory_space<vmem>> -> memref<200x64xf32, #tpu.memory_space<vmem>>
          tpu.wait_dma2 semaphore(%dma_wait3A_525 : memref<!tpu.dma_semaphore, #tpu.memory_space<semaphore_mem>>) src(%dma_wait3A_533 : memref<200x64xf32, #tpu.memory_space<vmem>>) dst(%dma_wait3A_529 : memref<200x64xf32, #tpu.memory_space<hbm>>)
        } else {
        }
        %add3A_482 = arith.constant 2 : i32
        %add3A_483 = arith.addi %add3A_161, %add3A_482 : i32
        %dma_start3A_484 = arith.constant 2 : i32
        %dma_start3A_485 = arith.constant 2 : i32
        %dma_start3A_486 = arith.constant 0 : i32
        %dma_start3A_487 = arith.constant 0 : i32
        %dma_start3A_488 = tpu.memref_slice %arg8[%dma_start3A_484, %dma_start3A_486, %dma_start3A_487] : memref<4x200x64xf32, #tpu.memory_space<vmem>> -> memref<1x128x64xf32, #tpu.memory_space<vmem>>
        %dma_start3A_489 = tpu.memref_squeeze %dma_start3A_488 : memref<1x128x64xf32, #tpu.memory_space<vmem>> -> memref<128x64xf32, #tpu.memory_space<vmem>>
        %dma_start3A_490 = arith.constant 0 : i32
        %dma_start3A_491 = tpu.memref_slice %arg6[%add3A_483, %dma_start3A_490] : memref<128x200xi32, #tpu.memory_space<vmem>> -> memref<1x128xi32, #tpu.memory_space<vmem>>
        %dma_start3A_492 = tpu.memref_squeeze %dma_start3A_491 : memref<1x128xi32, #tpu.memory_space<vmem>> -> memref<128xi32, #tpu.memory_space<vmem>>
        %dma_start3A_493 = arith.constant 0 : i32
        %dma_start3A_494 = arith.constant 0 : i32
        %dma_start3A_495 = tpu.memref_slice %arg4[%dma_start3A_493, %dma_start3A_494] : memref<1015808x64xf32, #tpu.memory_space<hbm>> -> memref<1015808x64xf32, #tpu.memory_space<hbm>>
        %dma_start3A_496 = tpu.memref_slice %arg9[%dma_start3A_485] : memref<4x!tpu.dma_semaphore, #tpu.memory_space<semaphore_mem>> -> memref<1x!tpu.dma_semaphore, #tpu.memory_space<semaphore_mem>>
        %dma_start3A_497 = tpu.memref_squeeze %dma_start3A_496 : memref<1x!tpu.dma_semaphore, #tpu.memory_space<semaphore_mem>> -> memref<!tpu.dma_semaphore, #tpu.memory_space<semaphore_mem>>
        tpu.enqueue_indirect_dma source(%dma_start3A_495 : memref<1015808x64xf32, #tpu.memory_space<hbm>>) target(%dma_start3A_489 : memref<128x64xf32, #tpu.memory_space<vmem>>) offsets(%dma_start3A_492 : memref<128xi32, #tpu.memory_space<vmem>>) semaphore(%dma_start3A_497 : memref<!tpu.dma_semaphore, #tpu.memory_space<semaphore_mem>>)
        %dma_start3A_498 = arith.constant 2 : i32
        %dma_start3A_499 = arith.constant 2 : i32
        %dma_start3A_500 = arith.constant 128 : i32
        %dma_start3A_501 = arith.constant 0 : i32
        %dma_start3A_502 = tpu.memref_slice %arg8[%dma_start3A_498, %dma_start3A_500, %dma_start3A_501] : memref<4x200x64xf32, #tpu.memory_space<vmem>> -> memref<1x72x64xf32, #tpu.memory_space<vmem>>
        %dma_start3A_503 = tpu.memref_squeeze %dma_start3A_502 : memref<1x72x64xf32, #tpu.memory_space<vmem>> -> memref<72x64xf32, #tpu.memory_space<vmem>>
        %dma_start3A_504 = arith.constant 128 : i32
        %dma_start3A_505 = tpu.memref_slice %arg6[%add3A_483, %dma_start3A_504] : memref<128x200xi32, #tpu.memory_space<vmem>> -> memref<1x72xi32, #tpu.memory_space<vmem>>
        %dma_start3A_506 = tpu.memref_squeeze %dma_start3A_505 : memref<1x72xi32, #tpu.memory_space<vmem>> -> memref<72xi32, #tpu.memory_space<vmem>>
        %dma_start3A_507 = arith.constant 0 : i32
        %dma_start3A_508 = arith.constant 0 : i32
        %dma_start3A_509 = tpu.memref_slice %arg4[%dma_start3A_507, %dma_start3A_508] : memref<1015808x64xf32, #tpu.memory_space<hbm>> -> memref<1015808x64xf32, #tpu.memory_space<hbm>>
        %dma_start3A_510 = tpu.memref_slice %arg9[%dma_start3A_499] : memref<4x!tpu.dma_semaphore, #tpu.memory_space<semaphore_mem>> -> memref<1x!tpu.dma_semaphore, #tpu.memory_space<semaphore_mem>>
        %dma_start3A_511 = tpu.memref_squeeze %dma_start3A_510 : memref<1x!tpu.dma_semaphore, #tpu.memory_space<semaphore_mem>> -> memref<!tpu.dma_semaphore, #tpu.memory_space<semaphore_mem>>
        tpu.enqueue_indirect_dma source(%dma_start3A_509 : memref<1015808x64xf32, #tpu.memory_space<hbm>>) target(%dma_start3A_503 : memref<72x64xf32, #tpu.memory_space<vmem>>) offsets(%dma_start3A_506 : memref<72xi32, #tpu.memory_space<vmem>>) semaphore(%dma_start3A_511 : memref<!tpu.dma_semaphore, #tpu.memory_space<semaphore_mem>>)
      } else {
      }
      %dma_wait3A_166 = arith.constant 0 : i32
      %dma_wait3A_167 = arith.constant 0 : i32
      %dma_wait3A_168 = arith.constant 0 : i32
      %dma_wait3A_169 = arith.constant 0 : i32
      %dma_wait3A_170 = tpu.memref_slice %arg8[%dma_wait3A_166, %dma_wait3A_168, %dma_wait3A_169] : memref<4x200x64xf32, #tpu.memory_space<vmem>> -> memref<1x128x64xf32, #tpu.memory_space<vmem>>
      %dma_wait3A_171 = tpu.memref_squeeze %dma_wait3A_170 : memref<1x128x64xf32, #tpu.memory_space<vmem>> -> memref<128x64xf32, #tpu.memory_space<vmem>>
      %dma_wait3A_172 = arith.constant 0 : i32
      %dma_wait3A_173 = tpu.memref_slice %arg6[%add3A_161, %dma_wait3A_172] : memref<128x200xi32, #tpu.memory_space<vmem>> -> memref<1x128xi32, #tpu.memory_space<vmem>>
      %dma_wait3A_174 = tpu.memref_squeeze %dma_wait3A_173 : memref<1x128xi32, #tpu.memory_space<vmem>> -> memref<128xi32, #tpu.memory_space<vmem>>
      %dma_wait3A_175 = arith.constant 0 : i32
      %dma_wait3A_176 = arith.constant 0 : i32
      %dma_wait3A_177 = tpu.memref_slice %arg4[%dma_wait3A_175, %dma_wait3A_176] : memref<1015808x64xf32, #tpu.memory_space<hbm>> -> memref<1015808x64xf32, #tpu.memory_space<hbm>>
      %dma_wait3A_178 = tpu.memref_slice %arg9[%dma_wait3A_167] : memref<4x!tpu.dma_semaphore, #tpu.memory_space<semaphore_mem>> -> memref<1x!tpu.dma_semaphore, #tpu.memory_space<semaphore_mem>>
      %dma_wait3A_179 = tpu.memref_squeeze %dma_wait3A_178 : memref<1x!tpu.dma_semaphore, #tpu.memory_space<semaphore_mem>> -> memref<!tpu.dma_semaphore, #tpu.memory_space<semaphore_mem>>
      tpu.wait_indirect_dma semaphore(%dma_wait3A_179 : memref<!tpu.dma_semaphore, #tpu.memory_space<semaphore_mem>>) src(%dma_wait3A_177 : memref<1015808x64xf32, #tpu.memory_space<hbm>>) dst(%dma_wait3A_171 : memref<128x64xf32, #tpu.memory_space<vmem>>)
      %dma_wait3A_180 = arith.constant 0 : i32
      %dma_wait3A_181 = arith.constant 0 : i32
      %dma_wait3A_182 = arith.constant 128 : i32
      %dma_wait3A_183 = arith.constant 0 : i32
      %dma_wait3A_184 = tpu.memref_slice %arg8[%dma_wait3A_180, %dma_wait3A_182, %dma_wait3A_183] : memref<4x200x64xf32, #tpu.memory_space<vmem>> -> memref<1x72x64xf32, #tpu.memory_space<vmem>>
      %dma_wait3A_185 = tpu.memref_squeeze %dma_wait3A_184 : memref<1x72x64xf32, #tpu.memory_space<vmem>> -> memref<72x64xf32, #tpu.memory_space<vmem>>
      %dma_wait3A_186 = arith.constant 128 : i32
      %dma_wait3A_187 = tpu.memref_slice %arg6[%add3A_161, %dma_wait3A_186] : memref<128x200xi32, #tpu.memory_space<vmem>> -> memref<1x72xi32, #tpu.memory_space<vmem>>
      %dma_wait3A_188 = tpu.memref_squeeze %dma_wait3A_187 : memref<1x72xi32, #tpu.memory_space<vmem>> -> memref<72xi32, #tpu.memory_space<vmem>>
      %dma_wait3A_189 = arith.constant 0 : i32
      %dma_wait3A_190 = arith.constant 0 : i32
      %dma_wait3A_191 = tpu.memref_slice %arg4[%dma_wait3A_189, %dma_wait3A_190] : memref<1015808x64xf32, #tpu.memory_space<hbm>> -> memref<1015808x64xf32, #tpu.memory_space<hbm>>
      %dma_wait3A_192 = tpu.memref_slice %arg9[%dma_wait3A_181] : memref<4x!tpu.dma_semaphore, #tpu.memory_space<semaphore_mem>> -> memref<1x!tpu.dma_semaphore, #tpu.memory_space<semaphore_mem>>
      %dma_wait3A_193 = tpu.memref_squeeze %dma_wait3A_192 : memref<1x!tpu.dma_semaphore, #tpu.memory_space<semaphore_mem>> -> memref<!tpu.dma_semaphore, #tpu.memory_space<semaphore_mem>>
      tpu.wait_indirect_dma semaphore(%dma_wait3A_193 : memref<!tpu.dma_semaphore, #tpu.memory_space<semaphore_mem>>) src(%dma_wait3A_191 : memref<1015808x64xf32, #tpu.memory_space<hbm>>) dst(%dma_wait3A_185 : memref<72x64xf32, #tpu.memory_space<vmem>>)
      %get3A = arith.index_cast %add3A_161 : i32 to index
      %get3A_194 = arith.constant 0 : index
      %get3A_195 = tpu.vector_load %arg7[%get3A, %get3A_194] {strides = array<i32>} : memref<128x64xf32, #tpu.memory_space<vmem>>, vector<1x16xf32>,
      %get3A_196 = vector.shape_cast %get3A_195 : vector<1x16xf32> to vector<16xf32>
      %get3A_197 = arith.index_cast %add3A_161 : i32 to index
      %get3A_198 = arith.constant 16 : index
      %get3A_199 = tpu.vector_load %arg7[%get3A_197, %get3A_198] {strides = array<i32>} : memref<128x64xf32, #tpu.memory_space<vmem>>, vector<1x16xf32>,
      %get3A_200 = vector.shape_cast %get3A_199 : vector<1x16xf32> to vector<16xf32>
      %get3A_201 = arith.index_cast %add3A_161 : i32 to index
      %get3A_202 = arith.constant 32 : index
      %get3A_203 = tpu.vector_load %arg7[%get3A_201, %get3A_202] {strides = array<i32>} : memref<128x64xf32, #tpu.memory_space<vmem>>, vector<1x16xf32>,
      %get3A_204 = vector.shape_cast %get3A_203 : vector<1x16xf32> to vector<16xf32>
      %get3A_205 = arith.index_cast %add3A_161 : i32 to index
      %get3A_206 = arith.constant 48 : index
      %get3A_207 = tpu.vector_load %arg7[%get3A_205, %get3A_206] {strides = array<i32>} : memref<128x64xf32, #tpu.memory_space<vmem>>, vector<1x16xf32>,
      %get3A_208 = vector.shape_cast %get3A_207 : vector<1x16xf32> to vector<16xf32>
      %scan3A_209 = arith.constant 0 : i32
      %scan3A_210 = arith.constant 50 : i32
      %scan3A_211 = arith.addi %scan3A_209, %scan3A_210 : i32
      %scan3A_212 = arith.constant 1 : i32
      scf.for %scan3A_478 = %scan3A_209 to %scan3A_211 step %scan3A_212  : i32 {
        %mul3A_479 = arith.constant 1 : i32
        %mul3A_480 = arith.muli %scan3A_478, %mul3A_479 : i32
        %add3A_481 = arith.constant 0 : i32
        %add3A_482 = arith.addi %add3A_481, %mul3A_480 : i32
        %mul3A_483 = arith.constant 4 : i32
        %mul3A_484 = arith.muli %add3A_482, %mul3A_483 : i32
        %add3A_485 = arith.constant 0 : i32
        %add3A_486 = arith.addi %mul3A_484, %add3A_485 : i32
        %get3A_487 = arith.constant 0 : i32
        %get3A_488 = arith.index_cast %get3A_487 : i32 to index
        %get3A_489 = arith.index_cast %add3A_486 : i32 to index
        %get3A_490 = arith.constant 0 : index
        %get3A_491 = tpu.vector_load %arg8[%get3A_488, %get3A_489, %get3A_490] {strides = array<i32>} : memref<4x200x64xf32, #tpu.memory_space<vmem>>, vector<1x1x16xf32>,
        %get3A_492 = vector.shape_cast %get3A_491 : vector<1x1x16xf32> to vector<16xf32>
        %add3A_493 = arith.addf %get3A_492, %get3A_196 : vector<16xf32>
        %swap3A = arith.constant 0 : i32
        %swap3A_494 = arith.index_cast %swap3A : i32 to index
        %swap3A_495 = arith.index_cast %add3A_486 : i32 to index
        %swap3A_496 = arith.constant 0 : index
        %swap3A_497 = tpu.vector_load %arg8[%swap3A_494, %swap3A_495, %swap3A_496] {strides = array<i32>} : memref<4x200x64xf32, #tpu.memory_space<vmem>>, vector<1x1x16xf32>,
        %swap3A_498 = vector.shape_cast %swap3A_497 : vector<1x1x16xf32> to vector<16xf32>
        %swap3A_499 = vector.shape_cast %add3A_493 : vector<16xf32> to vector<1x1x16xf32>
        tpu.vector_store %arg8[%swap3A_494, %swap3A_495, %swap3A_496], %swap3A_499 {strides = array<i32>} : memref<4x200x64xf32, #tpu.memory_space<vmem>>, vector<1x1x16xf32>,
        %get3A_500 = arith.constant 0 : i32
        %get3A_501 = arith.index_cast %get3A_500 : i32 to index
        %get3A_502 = arith.index_cast %add3A_486 : i32 to index
        %get3A_503 = arith.constant 16 : index
        %get3A_504 = tpu.vector_load %arg8[%get3A_501, %get3A_502, %get3A_503] {strides = array<i32>} : memref<4x200x64xf32, #tpu.memory_space<vmem>>, vector<1x1x16xf32>,
        %get3A_505 = vector.shape_cast %get3A_504 : vector<1x1x16xf32> to vector<16xf32>
        %add3A_506 = arith.addf %get3A_505, %get3A_200 : vector<16xf32>
        %swap3A_507 = arith.constant 0 : i32
        %swap3A_508 = arith.index_cast %swap3A_507 : i32 to index
        %swap3A_509 = arith.index_cast %add3A_486 : i32 to index
        %swap3A_510 = arith.constant 16 : index
        %swap3A_511 = tpu.vector_load %arg8[%swap3A_508, %swap3A_509, %swap3A_510] {strides = array<i32>} : memref<4x200x64xf32, #tpu.memory_space<vmem>>, vector<1x1x16xf32>,
        %swap3A_512 = vector.shape_cast %swap3A_511 : vector<1x1x16xf32> to vector<16xf32>
        %swap3A_513 = vector.shape_cast %add3A_506 : vector<16xf32> to vector<1x1x16xf32>
        tpu.vector_store %arg8[%swap3A_508, %swap3A_509, %swap3A_510], %swap3A_513 {strides = array<i32>} : memref<4x200x64xf32, #tpu.memory_space<vmem>>, vector<1x1x16xf32>,
        %get3A_514 = arith.constant 0 : i32
        %get3A_515 = arith.index_cast %get3A_514 : i32 to index
        %get3A_516 = arith.index_cast %add3A_486 : i32 to index
        %get3A_517 = arith.constant 32 : index
        %get3A_518 = tpu.vector_load %arg8[%get3A_515, %get3A_516, %get3A_517] {strides = array<i32>} : memref<4x200x64xf32, #tpu.memory_space<vmem>>, vector<1x1x16xf32>,
        %get3A_519 = vector.shape_cast %get3A_518 : vector<1x1x16xf32> to vector<16xf32>
        %add3A_520 = arith.addf %get3A_519, %get3A_204 : vector<16xf32>
        %swap3A_521 = arith.constant 0 : i32
        %swap3A_522 = arith.index_cast %swap3A_521 : i32 to index
        %swap3A_523 = arith.index_cast %add3A_486 : i32 to index
        %swap3A_524 = arith.constant 32 : index
        %swap3A_525 = tpu.vector_load %arg8[%swap3A_522, %swap3A_523, %swap3A_524] {strides = array<i32>} : memref<4x200x64xf32, #tpu.memory_space<vmem>>, vector<1x1x16xf32>,
        %swap3A_526 = vector.shape_cast %swap3A_525 : vector<1x1x16xf32> to vector<16xf32>
        %swap3A_527 = vector.shape_cast %add3A_520 : vector<16xf32> to vector<1x1x16xf32>
        tpu.vector_store %arg8[%swap3A_522, %swap3A_523, %swap3A_524], %swap3A_527 {strides = array<i32>} : memref<4x200x64xf32, #tpu.memory_space<vmem>>, vector<1x1x16xf32>,
        %get3A_528 = arith.constant 0 : i32
        %get3A_529 = arith.index_cast %get3A_528 : i32 to index
        %get3A_530 = arith.index_cast %add3A_486 : i32 to index
        %get3A_531 = arith.constant 48 : index
        %get3A_532 = tpu.vector_load %arg8[%get3A_529, %get3A_530, %get3A_531] {strides = array<i32>} : memref<4x200x64xf32, #tpu.memory_space<vmem>>, vector<1x1x16xf32>,
        %get3A_533 = vector.shape_cast %get3A_532 : vector<1x1x16xf32> to vector<16xf32>
        %add3A_534 = arith.addf %get3A_533, %get3A_208 : vector<16xf32>
        %swap3A_535 = arith.constant 0 : i32
        %swap3A_536 = arith.index_cast %swap3A_535 : i32 to index
        %swap3A_537 = arith.index_cast %add3A_486 : i32 to index
        %swap3A_538 = arith.constant 48 : index
        %swap3A_539 = tpu.vector_load %arg8[%swap3A_536, %swap3A_537, %swap3A_538] {strides = array<i32>} : memref<4x200x64xf32, #tpu.memory_space<vmem>>, vector<1x1x16xf32>,
        %swap3A_540 = vector.shape_cast %swap3A_539 : vector<1x1x16xf32> to vector<16xf32>
        %swap3A_541 = vector.shape_cast %add3A_534 : vector<16xf32> to vector<1x1x16xf32>
        tpu.vector_store %arg8[%swap3A_536, %swap3A_537, %swap3A_538], %swap3A_541 {strides = array<i32>} : memref<4x200x64xf32, #tpu.memory_space<vmem>>, vector<1x1x16xf32>,
        %mul3A_542 = arith.constant 4 : i32
        %mul3A_543 = arith.muli %add3A_482, %mul3A_542 : i32
        %add3A_544 = arith.constant 1 : i32
        %add3A_545 = arith.addi %mul3A_543, %add3A_544 : i32
        %get3A_546 = arith.constant 0 : i32
        %get3A_547 = arith.index_cast %get3A_546 : i32 to index
        %get3A_548 = arith.index_cast %add3A_545 : i32 to index
        %get3A_549 = arith.constant 0 : index
        %get3A_550 = tpu.vector_load %arg8[%get3A_547, %get3A_548, %get3A_549] {strides = array<i32>} : memref<4x200x64xf32, #tpu.memory_space<vmem>>, vector<1x1x16xf32>,
        %get3A_551 = vector.shape_cast %get3A_550 : vector<1x1x16xf32> to vector<16xf32>
        %add3A_552 = arith.addf %get3A_551, %get3A_196 : vector<16xf32>
        %swap3A_553 = arith.constant 0 : i32
        %swap3A_554 = arith.index_cast %swap3A_553 : i32 to index
        %swap3A_555 = arith.index_cast %add3A_545 : i32 to index
        %swap3A_556 = arith.constant 0 : index
        %swap3A_557 = tpu.vector_load %arg8[%swap3A_554, %swap3A_555, %swap3A_556] {strides = array<i32>} : memref<4x200x64xf32, #tpu.memory_space<vmem>>, vector<1x1x16xf32>,
        %swap3A_558 = vector.shape_cast %swap3A_557 : vector<1x1x16xf32> to vector<16xf32>
        %swap3A_559 = vector.shape_cast %add3A_552 : vector<16xf32> to vector<1x1x16xf32>
        tpu.vector_store %arg8[%swap3A_554, %swap3A_555, %swap3A_556], %swap3A_559 {strides = array<i32>} : memref<4x200x64xf32, #tpu.memory_space<vmem>>, vector<1x1x16xf32>,
        %get3A_560 = arith.constant 0 : i32
        %get3A_561 = arith.index_cast %get3A_560 : i32 to index
        %get3A_562 = arith.index_cast %add3A_545 : i32 to index
        %get3A_563 = arith.constant 16 : index
        %get3A_564 = tpu.vector_load %arg8[%get3A_561, %get3A_562, %get3A_563] {strides = array<i32>} : memref<4x200x64xf32, #tpu.memory_space<vmem>>, vector<1x1x16xf32>,
        %get3A_565 = vector.shape_cast %get3A_564 : vector<1x1x16xf32> to vector<16xf32>
        %add3A_566 = arith.addf %get3A_565, %get3A_200 : vector<16xf32>
        %swap3A_567 = arith.constant 0 : i32
        %swap3A_568 = arith.index_cast %swap3A_567 : i32 to index
        %swap3A_569 = arith.index_cast %add3A_545 : i32 to index
        %swap3A_570 = arith.constant 16 : index
        %swap3A_571 = tpu.vector_load %arg8[%swap3A_568, %swap3A_569, %swap3A_570] {strides = array<i32>} : memref<4x200x64xf32, #tpu.memory_space<vmem>>, vector<1x1x16xf32>,
        %swap3A_572 = vector.shape_cast %swap3A_571 : vector<1x1x16xf32> to vector<16xf32>
        %swap3A_573 = vector.shape_cast %add3A_566 : vector<16xf32> to vector<1x1x16xf32>
        tpu.vector_store %arg8[%swap3A_568, %swap3A_569, %swap3A_570], %swap3A_573 {strides = array<i32>} : memref<4x200x64xf32, #tpu.memory_space<vmem>>, vector<1x1x16xf32>,
        %get3A_574 = arith.constant 0 : i32
        %get3A_575 = arith.index_cast %get3A_574 : i32 to index
        %get3A_576 = arith.index_cast %add3A_545 : i32 to index
        %get3A_577 = arith.constant 32 : index
        %get3A_578 = tpu.vector_load %arg8[%get3A_575, %get3A_576, %get3A_577] {strides = array<i32>} : memref<4x200x64xf32, #tpu.memory_space<vmem>>, vector<1x1x16xf32>,
        %get3A_579 = vector.shape_cast %get3A_578 : vector<1x1x16xf32> to vector<16xf32>
        %add3A_580 = arith.addf %get3A_579, %get3A_204 : vector<16xf32>
        %swap3A_581 = arith.constant 0 : i32
        %swap3A_582 = arith.index_cast %swap3A_581 : i32 to index
        %swap3A_583 = arith.index_cast %add3A_545 : i32 to index
        %swap3A_584 = arith.constant 32 : index
        %swap3A_585 = tpu.vector_load %arg8[%swap3A_582, %swap3A_583, %swap3A_584] {strides = array<i32>} : memref<4x200x64xf32, #tpu.memory_space<vmem>>, vector<1x1x16xf32>,
        %swap3A_586 = vector.shape_cast %swap3A_585 : vector<1x1x16xf32> to vector<16xf32>
        %swap3A_587 = vector.shape_cast %add3A_580 : vector<16xf32> to vector<1x1x16xf32>
        tpu.vector_store %arg8[%swap3A_582, %swap3A_583, %swap3A_584], %swap3A_587 {strides = array<i32>} : memref<4x200x64xf32, #tpu.memory_space<vmem>>, vector<1x1x16xf32>,
        %get3A_588 = arith.constant 0 : i32
        %get3A_589 = arith.index_cast %get3A_588 : i32 to index
        %get3A_590 = arith.index_cast %add3A_545 : i32 to index
        %get3A_591 = arith.constant 48 : index
        %get3A_592 = tpu.vector_load %arg8[%get3A_589, %get3A_590, %get3A_591] {strides = array<i32>} : memref<4x200x64xf32, #tpu.memory_space<vmem>>, vector<1x1x16xf32>,
        %get3A_593 = vector.shape_cast %get3A_592 : vector<1x1x16xf32> to vector<16xf32>
        %add3A_594 = arith.addf %get3A_593, %get3A_208 : vector<16xf32>
        %swap3A_595 = arith.constant 0 : i32
        %swap3A_596 = arith.index_cast %swap3A_595 : i32 to index
        %swap3A_597 = arith.index_cast %add3A_545 : i32 to index
        %swap3A_598 = arith.constant 48 : index
        %swap3A_599 = tpu.vector_load %arg8[%swap3A_596, %swap3A_597, %swap3A_598] {strides = array<i32>} : memref<4x200x64xf32, #tpu.memory_space<vmem>>, vector<1x1x16xf32>,
        %swap3A_600 = vector.shape_cast %swap3A_599 : vector<1x1x16xf32> to vector<16xf32>
        %swap3A_601 = vector.shape_cast %add3A_594 : vector<16xf32> to vector<1x1x16xf32>
        tpu.vector_store %arg8[%swap3A_596, %swap3A_597, %swap3A_598], %swap3A_601 {strides = array<i32>} : memref<4x200x64xf32, #tpu.memory_space<vmem>>, vector<1x1x16xf32>,
        %mul3A_602 = arith.constant 4 : i32
        %mul3A_603 = arith.muli %add3A_482, %mul3A_602 : i32
        %add3A_604 = arith.constant 2 : i32
        %add3A_605 = arith.addi %mul3A_603, %add3A_604 : i32
        %get3A_606 = arith.constant 0 : i32
        %get3A_607 = arith.index_cast %get3A_606 : i32 to index
        %get3A_608 = arith.index_cast %add3A_605 : i32 to index
        %get3A_609 = arith.constant 0 : index
        %get3A_610 = tpu.vector_load %arg8[%get3A_607, %get3A_608, %get3A_609] {strides = array<i32>} : memref<4x200x64xf32, #tpu.memory_space<vmem>>, vector<1x1x16xf32>,
        %get3A_611 = vector.shape_cast %get3A_610 : vector<1x1x16xf32> to vector<16xf32>
        %add3A_612 = arith.addf %get3A_611, %get3A_196 : vector<16xf32>
        %swap3A_613 = arith.constant 0 : i32
        %swap3A_614 = arith.index_cast %swap3A_613 : i32 to index
        %swap3A_615 = arith.index_cast %add3A_605 : i32 to index
        %swap3A_616 = arith.constant 0 : index
        %swap3A_617 = tpu.vector_load %arg8[%swap3A_614, %swap3A_615, %swap3A_616] {strides = array<i32>} : memref<4x200x64xf32, #tpu.memory_space<vmem>>, vector<1x1x16xf32>,
        %swap3A_618 = vector.shape_cast %swap3A_617 : vector<1x1x16xf32> to vector<16xf32>
        %swap3A_619 = vector.shape_cast %add3A_612 : vector<16xf32> to vector<1x1x16xf32>
        tpu.vector_store %arg8[%swap3A_614, %swap3A_615, %swap3A_616], %swap3A_619 {strides = array<i32>} : memref<4x200x64xf32, #tpu.memory_space<vmem>>, vector<1x1x16xf32>,
        %get3A_620 = arith.constant 0 : i32
        %get3A_621 = arith.index_cast %get3A_620 : i32 to index
        %get3A_622 = arith.index_cast %add3A_605 : i32 to index
        %get3A_623 = arith.constant 16 : index
        %get3A_624 = tpu.vector_load %arg8[%get3A_621, %get3A_622, %get3A_623] {strides = array<i32>} : memref<4x200x64xf32, #tpu.memory_space<vmem>>, vector<1x1x16xf32>,
        %get3A_625 = vector.shape_cast %get3A_624 : vector<1x1x16xf32> to vector<16xf32>
        %add3A_626 = arith.addf %get3A_625, %get3A_200 : vector<16xf32>
        %swap3A_627 = arith.constant 0 : i32
        %swap3A_628 = arith.index_cast %swap3A_627 : i32 to index
        %swap3A_629 = arith.index_cast %add3A_605 : i32 to index
        %swap3A_630 = arith.constant 16 : index
        %swap3A_631 = tpu.vector_load %arg8[%swap3A_628, %swap3A_629, %swap3A_630] {strides = array<i32>} : memref<4x200x64xf32, #tpu.memory_space<vmem>>, vector<1x1x16xf32>,
        %swap3A_632 = vector.shape_cast %swap3A_631 : vector<1x1x16xf32> to vector<16xf32>
        %swap3A_633 = vector.shape_cast %add3A_626 : vector<16xf32> to vector<1x1x16xf32>
        tpu.vector_store %arg8[%swap3A_628, %swap3A_629, %swap3A_630], %swap3A_633 {strides = array<i32>} : memref<4x200x64xf32, #tpu.memory_space<vmem>>, vector<1x1x16xf32>,
        %get3A_634 = arith.constant 0 : i32
        %get3A_635 = arith.index_cast %get3A_634 : i32 to index
        %get3A_636 = arith.index_cast %add3A_605 : i32 to index
        %get3A_637 = arith.constant 32 : index
        %get3A_638 = tpu.vector_load %arg8[%get3A_635, %get3A_636, %get3A_637] {strides = array<i32>} : memref<4x200x64xf32, #tpu.memory_space<vmem>>, vector<1x1x16xf32>,
        %get3A_639 = vector.shape_cast %get3A_638 : vector<1x1x16xf32> to vector<16xf32>
        %add3A_640 = arith.addf %get3A_639, %get3A_204 : vector<16xf32>
        %swap3A_641 = arith.constant 0 : i32
        %swap3A_642 = arith.index_cast %swap3A_641 : i32 to index
        %swap3A_643 = arith.index_cast %add3A_605 : i32 to index
        %swap3A_644 = arith.constant 32 : index
        %swap3A_645 = tpu.vector_load %arg8[%swap3A_642, %swap3A_643, %swap3A_644] {strides = array<i32>} : memref<4x200x64xf32, #tpu.memory_space<vmem>>, vector<1x1x16xf32>,
        %swap3A_646 = vector.shape_cast %swap3A_645 : vector<1x1x16xf32> to vector<16xf32>
        %swap3A_647 = vector.shape_cast %add3A_640 : vector<16xf32> to vector<1x1x16xf32>
        tpu.vector_store %arg8[%swap3A_642, %swap3A_643, %swap3A_644], %swap3A_647 {strides = array<i32>} : memref<4x200x64xf32, #tpu.memory_space<vmem>>, vector<1x1x16xf32>,
        %get3A_648 = arith.constant 0 : i32
        %get3A_649 = arith.index_cast %get3A_648 : i32 to index
        %get3A_650 = arith.index_cast %add3A_605 : i32 to index
        %get3A_651 = arith.constant 48 : index
        %get3A_652 = tpu.vector_load %arg8[%get3A_649, %get3A_650, %get3A_651] {strides = array<i32>} : memref<4x200x64xf32, #tpu.memory_space<vmem>>, vector<1x1x16xf32>,
        %get3A_653 = vector.shape_cast %get3A_652 : vector<1x1x16xf32> to vector<16xf32>
        %add3A_654 = arith.addf %get3A_653, %get3A_208 : vector<16xf32>
        %swap3A_655 = arith.constant 0 : i32
        %swap3A_656 = arith.index_cast %swap3A_655 : i32 to index
        %swap3A_657 = arith.index_cast %add3A_605 : i32 to index
        %swap3A_658 = arith.constant 48 : index
        %swap3A_659 = tpu.vector_load %arg8[%swap3A_656, %swap3A_657, %swap3A_658] {strides = array<i32>} : memref<4x200x64xf32, #tpu.memory_space<vmem>>, vector<1x1x16xf32>,
        %swap3A_660 = vector.shape_cast %swap3A_659 : vector<1x1x16xf32> to vector<16xf32>
        %swap3A_661 = vector.shape_cast %add3A_654 : vector<16xf32> to vector<1x1x16xf32>
        tpu.vector_store %arg8[%swap3A_656, %swap3A_657, %swap3A_658], %swap3A_661 {strides = array<i32>} : memref<4x200x64xf32, #tpu.memory_space<vmem>>, vector<1x1x16xf32>,
        %mul3A_662 = arith.constant 4 : i32
        %mul3A_663 = arith.muli %add3A_482, %mul3A_662 : i32
        %add3A_664 = arith.constant 3 : i32
        %add3A_665 = arith.addi %mul3A_663, %add3A_664 : i32
        %get3A_666 = arith.constant 0 : i32
        %get3A_667 = arith.index_cast %get3A_666 : i32 to index
        %get3A_668 = arith.index_cast %add3A_665 : i32 to index
        %get3A_669 = arith.constant 0 : index
        %get3A_670 = tpu.vector_load %arg8[%get3A_667, %get3A_668, %get3A_669] {strides = array<i32>} : memref<4x200x64xf32, #tpu.memory_space<vmem>>, vector<1x1x16xf32>,
        %get3A_671 = vector.shape_cast %get3A_670 : vector<1x1x16xf32> to vector<16xf32>
        %add3A_672 = arith.addf %get3A_671, %get3A_196 : vector<16xf32>
        %swap3A_673 = arith.constant 0 : i32
        %swap3A_674 = arith.index_cast %swap3A_673 : i32 to index
        %swap3A_675 = arith.index_cast %add3A_665 : i32 to index
        %swap3A_676 = arith.constant 0 : index
        %swap3A_677 = tpu.vector_load %arg8[%swap3A_674, %swap3A_675, %swap3A_676] {strides = array<i32>} : memref<4x200x64xf32, #tpu.memory_space<vmem>>, vector<1x1x16xf32>,
        %swap3A_678 = vector.shape_cast %swap3A_677 : vector<1x1x16xf32> to vector<16xf32>
        %swap3A_679 = vector.shape_cast %add3A_672 : vector<16xf32> to vector<1x1x16xf32>
        tpu.vector_store %arg8[%swap3A_674, %swap3A_675, %swap3A_676], %swap3A_679 {strides = array<i32>} : memref<4x200x64xf32, #tpu.memory_space<vmem>>, vector<1x1x16xf32>,
        %get3A_680 = arith.constant 0 : i32
        %get3A_681 = arith.index_cast %get3A_680 : i32 to index
        %get3A_682 = arith.index_cast %add3A_665 : i32 to index
        %get3A_683 = arith.constant 16 : index
        %get3A_684 = tpu.vector_load %arg8[%get3A_681, %get3A_682, %get3A_683] {strides = array<i32>} : memref<4x200x64xf32, #tpu.memory_space<vmem>>, vector<1x1x16xf32>,
        %get3A_685 = vector.shape_cast %get3A_684 : vector<1x1x16xf32> to vector<16xf32>
        %add3A_686 = arith.addf %get3A_685, %get3A_200 : vector<16xf32>
        %swap3A_687 = arith.constant 0 : i32
        %swap3A_688 = arith.index_cast %swap3A_687 : i32 to index
        %swap3A_689 = arith.index_cast %add3A_665 : i32 to index
        %swap3A_690 = arith.constant 16 : index
        %swap3A_691 = tpu.vector_load %arg8[%swap3A_688, %swap3A_689, %swap3A_690] {strides = array<i32>} : memref<4x200x64xf32, #tpu.memory_space<vmem>>, vector<1x1x16xf32>,
        %swap3A_692 = vector.shape_cast %swap3A_691 : vector<1x1x16xf32> to vector<16xf32>
        %swap3A_693 = vector.shape_cast %add3A_686 : vector<16xf32> to vector<1x1x16xf32>
        tpu.vector_store %arg8[%swap3A_688, %swap3A_689, %swap3A_690], %swap3A_693 {strides = array<i32>} : memref<4x200x64xf32, #tpu.memory_space<vmem>>, vector<1x1x16xf32>,
        %get3A_694 = arith.constant 0 : i32
        %get3A_695 = arith.index_cast %get3A_694 : i32 to index
        %get3A_696 = arith.index_cast %add3A_665 : i32 to index
        %get3A_697 = arith.constant 32 : index
        %get3A_698 = tpu.vector_load %arg8[%get3A_695, %get3A_696, %get3A_697] {strides = array<i32>} : memref<4x200x64xf32, #tpu.memory_space<vmem>>, vector<1x1x16xf32>,
        %get3A_699 = vector.shape_cast %get3A_698 : vector<1x1x16xf32> to vector<16xf32>
        %add3A_700 = arith.addf %get3A_699, %get3A_204 : vector<16xf32>
        %swap3A_701 = arith.constant 0 : i32
        %swap3A_702 = arith.index_cast %swap3A_701 : i32 to index
        %swap3A_703 = arith.index_cast %add3A_665 : i32 to index
        %swap3A_704 = arith.constant 32 : index
        %swap3A_705 = tpu.vector_load %arg8[%swap3A_702, %swap3A_703, %swap3A_704] {strides = array<i32>} : memref<4x200x64xf32, #tpu.memory_space<vmem>>, vector<1x1x16xf32>,
        %swap3A_706 = vector.shape_cast %swap3A_705 : vector<1x1x16xf32> to vector<16xf32>
        %swap3A_707 = vector.shape_cast %add3A_700 : vector<16xf32> to vector<1x1x16xf32>
        tpu.vector_store %arg8[%swap3A_702, %swap3A_703, %swap3A_704], %swap3A_707 {strides = array<i32>} : memref<4x200x64xf32, #tpu.memory_space<vmem>>, vector<1x1x16xf32>,
        %get3A_708 = arith.constant 0 : i32
        %get3A_709 = arith.index_cast %get3A_708 : i32 to index
        %get3A_710 = arith.index_cast %add3A_665 : i32 to index
        %get3A_711 = arith.constant 48 : index
        %get3A_712 = tpu.vector_load %arg8[%get3A_709, %get3A_710, %get3A_711] {strides = array<i32>} : memref<4x200x64xf32, #tpu.memory_space<vmem>>, vector<1x1x16xf32>,
        %get3A_713 = vector.shape_cast %get3A_712 : vector<1x1x16xf32> to vector<16xf32>
        %add3A_714 = arith.addf %get3A_713, %get3A_208 : vector<16xf32>
        %swap3A_715 = arith.constant 0 : i32
        %swap3A_716 = arith.index_cast %swap3A_715 : i32 to index
        %swap3A_717 = arith.index_cast %add3A_665 : i32 to index
        %swap3A_718 = arith.constant 48 : index
        %swap3A_719 = tpu.vector_load %arg8[%swap3A_716, %swap3A_717, %swap3A_718] {strides = array<i32>} : memref<4x200x64xf32, #tpu.memory_space<vmem>>, vector<1x1x16xf32>,
        %swap3A_720 = vector.shape_cast %swap3A_719 : vector<1x1x16xf32> to vector<16xf32>
        %swap3A_721 = vector.shape_cast %add3A_714 : vector<16xf32> to vector<1x1x16xf32>
        tpu.vector_store %arg8[%swap3A_716, %swap3A_717, %swap3A_718], %swap3A_721 {strides = array<i32>} : memref<4x200x64xf32, #tpu.memory_space<vmem>>, vector<1x1x16xf32>,
      }
      %scan3A_213 = arith.constant 50 : i32
      %add3A_214 = arith.addi %mul3A_2, %add3A_161 : i32
      %dma_start3A_215 = arith.constant 0 : i32
      %dma_start3A_216 = arith.constant 0 : i32
      %dma_start3A_217 = arith.constant 0 : i32
      %dma_start3A_218 = arith.constant 0 : i32
      %dma_start3A_219 = tpu.memref_slice %arg8[%dma_start3A_215, %dma_start3A_217, %dma_start3A_218] : memref<4x200x64xf32, #tpu.memory_space<vmem>> -> memref<1x200x64xf32, #tpu.memory_space<vmem>>
      %dma_start3A_220 = tpu.memref_squeeze %dma_start3A_219 : memref<1x200x64xf32, #tpu.memory_space<vmem>> -> memref<200x64xf32, #tpu.memory_space<vmem>>
      %dma_start3A_221 = arith.constant 0 : i32
      %dma_start3A_222 = arith.constant 0 : i32
      %dma_start3A_223 = tpu.memref_slice %arg5[%add3A_214, %dma_start3A_221, %dma_start3A_222] : memref<4096x200x64xf32, #tpu.memory_space<hbm>> -> memref<1x200x64xf32, #tpu.memory_space<hbm>>
      %dma_start3A_224 = tpu.memref_squeeze %dma_start3A_223 : memref<1x200x64xf32, #tpu.memory_space<hbm>> -> memref<200x64xf32, #tpu.memory_space<hbm>>
      %dma_start3A_225 = tpu.memref_slice %arg10[%dma_start3A_216] : memref<4x!tpu.dma_semaphore, #tpu.memory_space<semaphore_mem>> -> memref<1x!tpu.dma_semaphore, #tpu.memory_space<semaphore_mem>>
      %dma_start3A_226 = tpu.memref_squeeze %dma_start3A_225 : memref<1x!tpu.dma_semaphore, #tpu.memory_space<semaphore_mem>> -> memref<!tpu.dma_semaphore, #tpu.memory_space<semaphore_mem>>
      %dma_start3A_227 = arith.constant 0 : i32
      %dma_start3A_228 = arith.constant 0 : i32
      %dma_start3A_229 = tpu.memref_slice %arg5[%add3A_214, %dma_start3A_227, %dma_start3A_228] : memref<4096x200x64xf32, #tpu.memory_space<hbm>> -> memref<1x200x64xf32, #tpu.memory_space<hbm>>
      %dma_start3A_230 = tpu.memref_squeeze %dma_start3A_229 : memref<1x200x64xf32, #tpu.memory_space<hbm>> -> memref<200x64xf32, #tpu.memory_space<hbm>>
      %dma_start3A_231 = arith.constant 0 : i32
      %dma_start3A_232 = arith.constant 0 : i32
      %dma_start3A_233 = tpu.memref_slice %arg8[%dma_start3A_215, %dma_start3A_231, %dma_start3A_232] : memref<4x200x64xf32, #tpu.memory_space<vmem>> -> memref<1x200x64xf32, #tpu.memory_space<vmem>>
      %dma_start3A_234 = tpu.memref_squeeze %dma_start3A_233 : memref<1x200x64xf32, #tpu.memory_space<vmem>> -> memref<200x64xf32, #tpu.memory_space<vmem>>
      tpu.enqueue_dma source(%dma_start3A_234 : memref<200x64xf32, #tpu.memory_space<vmem>>) target(%dma_start3A_230 : memref<200x64xf32, #tpu.memory_space<hbm>>) target_semaphore(%dma_start3A_226 : memref<!tpu.dma_semaphore, #tpu.memory_space<semaphore_mem>>)
      %mul3A_235 = arith.constant 4 : i32
      %mul3A_236 = arith.muli %add3A_157, %mul3A_235 : i32
      %add3A_237 = arith.constant 1 : i32
      %add3A_238 = arith.addi %mul3A_236, %add3A_237 : i32
      %add3A_239 = arith.constant 2 : i32
      %add3A_240 = arith.addi %add3A_238, %add3A_239 : i32
      %lt3A_241 = arith.constant 128 : i32
      %lt3A_242 = arith.cmpi slt, %add3A_240, %lt3A_241 : i32
      %convert_element_type3A_243 = arith.extui %lt3A_242 : i1 to i32
      %cond3A_244 = arith.constant 0 : i32
      %cond3A_245 = arith.cmpi ne, %convert_element_type3A_243, %cond3A_244 : i32
      scf.if %cond3A_245 {
        %ge3A = arith.constant 2 : i32
        %ge3A_478 = arith.cmpi sge, %add3A_238, %ge3A : i32
        %convert_element_type3A_479 = arith.extui %ge3A_478 : i1 to i32
        %cond3A_480 = arith.constant 0 : i32
        %cond3A_481 = arith.cmpi ne, %convert_element_type3A_479, %cond3A_480 : i32
        scf.if %cond3A_481 {
          %sub3A = arith.constant 2 : i32
          %sub3A_512 = arith.subi %add3A_238, %sub3A : i32
          %add3A_513 = arith.addi %mul3A_2, %sub3A_512 : i32
          %dma_wait3A_514 = arith.constant 3 : i32
          %dma_wait3A_515 = arith.constant 3 : i32
          %dma_wait3A_516 = arith.constant 0 : i32
          %dma_wait3A_517 = arith.constant 0 : i32
          %dma_wait3A_518 = tpu.memref_slice %arg8[%dma_wait3A_514, %dma_wait3A_516, %dma_wait3A_517] : memref<4x200x64xf32, #tpu.memory_space<vmem>> -> memref<1x200x64xf32, #tpu.memory_space<vmem>>
          %dma_wait3A_519 = tpu.memref_squeeze %dma_wait3A_518 : memref<1x200x64xf32, #tpu.memory_space<vmem>> -> memref<200x64xf32, #tpu.memory_space<vmem>>
          %dma_wait3A_520 = arith.constant 0 : i32
          %dma_wait3A_521 = arith.constant 0 : i32
          %dma_wait3A_522 = tpu.memref_slice %arg5[%add3A_513, %dma_wait3A_520, %dma_wait3A_521] : memref<4096x200x64xf32, #tpu.memory_space<hbm>> -> memref<1x200x64xf32, #tpu.memory_space<hbm>>
          %dma_wait3A_523 = tpu.memref_squeeze %dma_wait3A_522 : memref<1x200x64xf32, #tpu.memory_space<hbm>> -> memref<200x64xf32, #tpu.memory_space<hbm>>
          %dma_wait3A_524 = tpu.memref_slice %arg10[%dma_wait3A_515] : memref<4x!tpu.dma_semaphore, #tpu.memory_space<semaphore_mem>> -> memref<1x!tpu.dma_semaphore, #tpu.memory_space<semaphore_mem>>
          %dma_wait3A_525 = tpu.memref_squeeze %dma_wait3A_524 : memref<1x!tpu.dma_semaphore, #tpu.memory_space<semaphore_mem>> -> memref<!tpu.dma_semaphore, #tpu.memory_space<semaphore_mem>>
          %dma_wait3A_526 = arith.constant 0 : i32
          %dma_wait3A_527 = arith.constant 0 : i32
          %dma_wait3A_528 = tpu.memref_slice %arg5[%add3A_513, %dma_wait3A_526, %dma_wait3A_527] : memref<4096x200x64xf32, #tpu.memory_space<hbm>> -> memref<1x200x64xf32, #tpu.memory_space<hbm>>
          %dma_wait3A_529 = tpu.memref_squeeze %dma_wait3A_528 : memref<1x200x64xf32, #tpu.memory_space<hbm>> -> memref<200x64xf32, #tpu.memory_space<hbm>>
          %dma_wait3A_530 = arith.constant 0 : i32
          %dma_wait3A_531 = arith.constant 0 : i32
          %dma_wait3A_532 = tpu.memref_slice %arg8[%dma_wait3A_514, %dma_wait3A_530, %dma_wait3A_531] : memref<4x200x64xf32, #tpu.memory_space<vmem>> -> memref<1x200x64xf32, #tpu.memory_space<vmem>>
          %dma_wait3A_533 = tpu.memref_squeeze %dma_wait3A_532 : memref<1x200x64xf32, #tpu.memory_space<vmem>> -> memref<200x64xf32, #tpu.memory_space<vmem>>
          tpu.wait_dma2 semaphore(%dma_wait3A_525 : memref<!tpu.dma_semaphore, #tpu.memory_space<semaphore_mem>>) src(%dma_wait3A_533 : memref<200x64xf32, #tpu.memory_space<vmem>>) dst(%dma_wait3A_529 : memref<200x64xf32, #tpu.memory_space<hbm>>)
        } else {
        }
        %add3A_482 = arith.constant 2 : i32
        %add3A_483 = arith.addi %add3A_238, %add3A_482 : i32
        %dma_start3A_484 = arith.constant 3 : i32
        %dma_start3A_485 = arith.constant 3 : i32
        %dma_start3A_486 = arith.constant 0 : i32
        %dma_start3A_487 = arith.constant 0 : i32
        %dma_start3A_488 = tpu.memref_slice %arg8[%dma_start3A_484, %dma_start3A_486, %dma_start3A_487] : memref<4x200x64xf32, #tpu.memory_space<vmem>> -> memref<1x128x64xf32, #tpu.memory_space<vmem>>
        %dma_start3A_489 = tpu.memref_squeeze %dma_start3A_488 : memref<1x128x64xf32, #tpu.memory_space<vmem>> -> memref<128x64xf32, #tpu.memory_space<vmem>>
        %dma_start3A_490 = arith.constant 0 : i32
        %dma_start3A_491 = tpu.memref_slice %arg6[%add3A_483, %dma_start3A_490] : memref<128x200xi32, #tpu.memory_space<vmem>> -> memref<1x128xi32, #tpu.memory_space<vmem>>
        %dma_start3A_492 = tpu.memref_squeeze %dma_start3A_491 : memref<1x128xi32, #tpu.memory_space<vmem>> -> memref<128xi32, #tpu.memory_space<vmem>>
        %dma_start3A_493 = arith.constant 0 : i32
        %dma_start3A_494 = arith.constant 0 : i32
        %dma_start3A_495 = tpu.memref_slice %arg4[%dma_start3A_493, %dma_start3A_494] : memref<1015808x64xf32, #tpu.memory_space<hbm>> -> memref<1015808x64xf32, #tpu.memory_space<hbm>>
        %dma_start3A_496 = tpu.memref_slice %arg9[%dma_start3A_485] : memref<4x!tpu.dma_semaphore, #tpu.memory_space<semaphore_mem>> -> memref<1x!tpu.dma_semaphore, #tpu.memory_space<semaphore_mem>>
        %dma_start3A_497 = tpu.memref_squeeze %dma_start3A_496 : memref<1x!tpu.dma_semaphore, #tpu.memory_space<semaphore_mem>> -> memref<!tpu.dma_semaphore, #tpu.memory_space<semaphore_mem>>
        tpu.enqueue_indirect_dma source(%dma_start3A_495 : memref<1015808x64xf32, #tpu.memory_space<hbm>>) target(%dma_start3A_489 : memref<128x64xf32, #tpu.memory_space<vmem>>) offsets(%dma_start3A_492 : memref<128xi32, #tpu.memory_space<vmem>>) semaphore(%dma_start3A_497 : memref<!tpu.dma_semaphore, #tpu.memory_space<semaphore_mem>>)
        %dma_start3A_498 = arith.constant 3 : i32
        %dma_start3A_499 = arith.constant 3 : i32
        %dma_start3A_500 = arith.constant 128 : i32
        %dma_start3A_501 = arith.constant 0 : i32
        %dma_start3A_502 = tpu.memref_slice %arg8[%dma_start3A_498, %dma_start3A_500, %dma_start3A_501] : memref<4x200x64xf32, #tpu.memory_space<vmem>> -> memref<1x72x64xf32, #tpu.memory_space<vmem>>
        %dma_start3A_503 = tpu.memref_squeeze %dma_start3A_502 : memref<1x72x64xf32, #tpu.memory_space<vmem>> -> memref<72x64xf32, #tpu.memory_space<vmem>>
        %dma_start3A_504 = arith.constant 128 : i32
        %dma_start3A_505 = tpu.memref_slice %arg6[%add3A_483, %dma_start3A_504] : memref<128x200xi32, #tpu.memory_space<vmem>> -> memref<1x72xi32, #tpu.memory_space<vmem>>
        %dma_start3A_506 = tpu.memref_squeeze %dma_start3A_505 : memref<1x72xi32, #tpu.memory_space<vmem>> -> memref<72xi32, #tpu.memory_space<vmem>>
        %dma_start3A_507 = arith.constant 0 : i32
        %dma_start3A_508 = arith.constant 0 : i32
        %dma_start3A_509 = tpu.memref_slice %arg4[%dma_start3A_507, %dma_start3A_508] : memref<1015808x64xf32, #tpu.memory_space<hbm>> -> memref<1015808x64xf32, #tpu.memory_space<hbm>>
        %dma_start3A_510 = tpu.memref_slice %arg9[%dma_start3A_499] : memref<4x!tpu.dma_semaphore, #tpu.memory_space<semaphore_mem>> -> memref<1x!tpu.dma_semaphore, #tpu.memory_space<semaphore_mem>>
        %dma_start3A_511 = tpu.memref_squeeze %dma_start3A_510 : memref<1x!tpu.dma_semaphore, #tpu.memory_space<semaphore_mem>> -> memref<!tpu.dma_semaphore, #tpu.memory_space<semaphore_mem>>
        tpu.enqueue_indirect_dma source(%dma_start3A_509 : memref<1015808x64xf32, #tpu.memory_space<hbm>>) target(%dma_start3A_503 : memref<72x64xf32, #tpu.memory_space<vmem>>) offsets(%dma_start3A_506 : memref<72xi32, #tpu.memory_space<vmem>>) semaphore(%dma_start3A_511 : memref<!tpu.dma_semaphore, #tpu.memory_space<semaphore_mem>>)
      } else {
      }
      %dma_wait3A_246 = arith.constant 1 : i32
      %dma_wait3A_247 = arith.constant 1 : i32
      %dma_wait3A_248 = arith.constant 0 : i32
      %dma_wait3A_249 = arith.constant 0 : i32
      %dma_wait3A_250 = tpu.memref_slice %arg8[%dma_wait3A_246, %dma_wait3A_248, %dma_wait3A_249] : memref<4x200x64xf32, #tpu.memory_space<vmem>> -> memref<1x128x64xf32, #tpu.memory_space<vmem>>
      %dma_wait3A_251 = tpu.memref_squeeze %dma_wait3A_250 : memref<1x128x64xf32, #tpu.memory_space<vmem>> -> memref<128x64xf32, #tpu.memory_space<vmem>>
      %dma_wait3A_252 = arith.constant 0 : i32
      %dma_wait3A_253 = tpu.memref_slice %arg6[%add3A_238, %dma_wait3A_252] : memref<128x200xi32, #tpu.memory_space<vmem>> -> memref<1x128xi32, #tpu.memory_space<vmem>>
      %dma_wait3A_254 = tpu.memref_squeeze %dma_wait3A_253 : memref<1x128xi32, #tpu.memory_space<vmem>> -> memref<128xi32, #tpu.memory_space<vmem>>
      %dma_wait3A_255 = arith.constant 0 : i32
      %dma_wait3A_256 = arith.constant 0 : i32
      %dma_wait3A_257 = tpu.memref_slice %arg4[%dma_wait3A_255, %dma_wait3A_256] : memref<1015808x64xf32, #tpu.memory_space<hbm>> -> memref<1015808x64xf32, #tpu.memory_space<hbm>>
      %dma_wait3A_258 = tpu.memref_slice %arg9[%dma_wait3A_247] : memref<4x!tpu.dma_semaphore, #tpu.memory_space<semaphore_mem>> -> memref<1x!tpu.dma_semaphore, #tpu.memory_space<semaphore_mem>>
      %dma_wait3A_259 = tpu.memref_squeeze %dma_wait3A_258 : memref<1x!tpu.dma_semaphore, #tpu.memory_space<semaphore_mem>> -> memref<!tpu.dma_semaphore, #tpu.memory_space<semaphore_mem>>
      tpu.wait_indirect_dma semaphore(%dma_wait3A_259 : memref<!tpu.dma_semaphore, #tpu.memory_space<semaphore_mem>>) src(%dma_wait3A_257 : memref<1015808x64xf32, #tpu.memory_space<hbm>>) dst(%dma_wait3A_251 : memref<128x64xf32, #tpu.memory_space<vmem>>)
      %dma_wait3A_260 = arith.constant 1 : i32
      %dma_wait3A_261 = arith.constant 1 : i32
      %dma_wait3A_262 = arith.constant 128 : i32
      %dma_wait3A_263 = arith.constant 0 : i32
      %dma_wait3A_264 = tpu.memref_slice %arg8[%dma_wait3A_260, %dma_wait3A_262, %dma_wait3A_263] : memref<4x200x64xf32, #tpu.memory_space<vmem>> -> memref<1x72x64xf32, #tpu.memory_space<vmem>>
      %dma_wait3A_265 = tpu.memref_squeeze %dma_wait3A_264 : memref<1x72x64xf32, #tpu.memory_space<vmem>> -> memref<72x64xf32, #tpu.memory_space<vmem>>
      %dma_wait3A_266 = arith.constant 128 : i32
      %dma_wait3A_267 = tpu.memref_slice %arg6[%add3A_238, %dma_wait3A_266] : memref<128x200xi32, #tpu.memory_space<vmem>> -> memref<1x72xi32, #tpu.memory_space<vmem>>
      %dma_wait3A_268 = tpu.memref_squeeze %dma_wait3A_267 : memref<1x72xi32, #tpu.memory_space<vmem>> -> memref<72xi32, #tpu.memory_space<vmem>>
      %dma_wait3A_269 = arith.constant 0 : i32
      %dma_wait3A_270 = arith.constant 0 : i32
      %dma_wait3A_271 = tpu.memref_slice %arg4[%dma_wait3A_269, %dma_wait3A_270] : memref<1015808x64xf32, #tpu.memory_space<hbm>> -> memref<1015808x64xf32, #tpu.memory_space<hbm>>
      %dma_wait3A_272 = tpu.memref_slice %arg9[%dma_wait3A_261] : memref<4x!tpu.dma_semaphore, #tpu.memory_space<semaphore_mem>> -> memref<1x!tpu.dma_semaphore, #tpu.memory_space<semaphore_mem>>
      %dma_wait3A_273 = tpu.memref_squeeze %dma_wait3A_272 : memref<1x!tpu.dma_semaphore, #tpu.memory_space<semaphore_mem>> -> memref<!tpu.dma_semaphore, #tpu.memory_space<semaphore_mem>>
      tpu.wait_indirect_dma semaphore(%dma_wait3A_273 : memref<!tpu.dma_semaphore, #tpu.memory_space<semaphore_mem>>) src(%dma_wait3A_271 : memref<1015808x64xf32, #tpu.memory_space<hbm>>) dst(%dma_wait3A_265 : memref<72x64xf32, #tpu.memory_space<vmem>>)
      %get3A_274 = arith.index_cast %add3A_238 : i32 to index
      %get3A_275 = arith.constant 0 : index
      %get3A_276 = tpu.vector_load %arg7[%get3A_274, %get3A_275] {strides = array<i32>} : memref<128x64xf32, #tpu.memory_space<vmem>>, vector<1x16xf32>,
      %get3A_277 = vector.shape_cast %get3A_276 : vector<1x16xf32> to vector<16xf32>
      %get3A_278 = arith.index_cast %add3A_238 : i32 to index
      %get3A_279 = arith.constant 16 : index
      %get3A_280 = tpu.vector_load %arg7[%get3A_278, %get3A_279] {strides = array<i32>} : memref<128x64xf32, #tpu.memory_space<vmem>>, vector<1x16xf32>,
      %get3A_281 = vector.shape_cast %get3A_280 : vector<1x16xf32> to vector<16xf32>
      %get3A_282 = arith.index_cast %add3A_238 : i32 to index
      %get3A_283 = arith.constant 32 : index
      %get3A_284 = tpu.vector_load %arg7[%get3A_282, %get3A_283] {strides = array<i32>} : memref<128x64xf32, #tpu.memory_space<vmem>>, vector<1x16xf32>,
      %get3A_285 = vector.shape_cast %get3A_284 : vector<1x16xf32> to vector<16xf32>
      %get3A_286 = arith.index_cast %add3A_238 : i32 to index
      %get3A_287 = arith.constant 48 : index
      %get3A_288 = tpu.vector_load %arg7[%get3A_286, %get3A_287] {strides = array<i32>} : memref<128x64xf32, #tpu.memory_space<vmem>>, vector<1x16xf32>,
      %get3A_289 = vector.shape_cast %get3A_288 : vector<1x16xf32> to vector<16xf32>
      %scan3A_290 = arith.constant 0 : i32
      %scan3A_291 = arith.constant 50 : i32
      %scan3A_292 = arith.addi %scan3A_290, %scan3A_291 : i32
      %scan3A_293 = arith.constant 1 : i32
      scf.for %scan3A_478 = %scan3A_290 to %scan3A_292 step %scan3A_293  : i32 {
        %mul3A_479 = arith.constant 1 : i32
        %mul3A_480 = arith.muli %scan3A_478, %mul3A_479 : i32
        %add3A_481 = arith.constant 0 : i32
        %add3A_482 = arith.addi %add3A_481, %mul3A_480 : i32
        %mul3A_483 = arith.constant 4 : i32
        %mul3A_484 = arith.muli %add3A_482, %mul3A_483 : i32
        %add3A_485 = arith.constant 0 : i32
        %add3A_486 = arith.addi %mul3A_484, %add3A_485 : i32
        %get3A_487 = arith.constant 1 : i32
        %get3A_488 = arith.index_cast %get3A_487 : i32 to index
        %get3A_489 = arith.index_cast %add3A_486 : i32 to index
        %get3A_490 = arith.constant 0 : index
        %get3A_491 = tpu.vector_load %arg8[%get3A_488, %get3A_489, %get3A_490] {strides = array<i32>} : memref<4x200x64xf32, #tpu.memory_space<vmem>>, vector<1x1x16xf32>,
        %get3A_492 = vector.shape_cast %get3A_491 : vector<1x1x16xf32> to vector<16xf32>
        %add3A_493 = arith.addf %get3A_492, %get3A_277 : vector<16xf32>
        %swap3A = arith.constant 1 : i32
        %swap3A_494 = arith.index_cast %swap3A : i32 to index
        %swap3A_495 = arith.index_cast %add3A_486 : i32 to index
        %swap3A_496 = arith.constant 0 : index
        %swap3A_497 = tpu.vector_load %arg8[%swap3A_494, %swap3A_495, %swap3A_496] {strides = array<i32>} : memref<4x200x64xf32, #tpu.memory_space<vmem>>, vector<1x1x16xf32>,
        %swap3A_498 = vector.shape_cast %swap3A_497 : vector<1x1x16xf32> to vector<16xf32>
        %swap3A_499 = vector.shape_cast %add3A_493 : vector<16xf32> to vector<1x1x16xf32>
        tpu.vector_store %arg8[%swap3A_494, %swap3A_495, %swap3A_496], %swap3A_499 {strides = array<i32>} : memref<4x200x64xf32, #tpu.memory_space<vmem>>, vector<1x1x16xf32>,
        %get3A_500 = arith.constant 1 : i32
        %get3A_501 = arith.index_cast %get3A_500 : i32 to index
        %get3A_502 = arith.index_cast %add3A_486 : i32 to index
        %get3A_503 = arith.constant 16 : index
        %get3A_504 = tpu.vector_load %arg8[%get3A_501, %get3A_502, %get3A_503] {strides = array<i32>} : memref<4x200x64xf32, #tpu.memory_space<vmem>>, vector<1x1x16xf32>,
        %get3A_505 = vector.shape_cast %get3A_504 : vector<1x1x16xf32> to vector<16xf32>
        %add3A_506 = arith.addf %get3A_505, %get3A_281 : vector<16xf32>
        %swap3A_507 = arith.constant 1 : i32
        %swap3A_508 = arith.index_cast %swap3A_507 : i32 to index
        %swap3A_509 = arith.index_cast %add3A_486 : i32 to index
        %swap3A_510 = arith.constant 16 : index
        %swap3A_511 = tpu.vector_load %arg8[%swap3A_508, %swap3A_509, %swap3A_510] {strides = array<i32>} : memref<4x200x64xf32, #tpu.memory_space<vmem>>, vector<1x1x16xf32>,
        %swap3A_512 = vector.shape_cast %swap3A_511 : vector<1x1x16xf32> to vector<16xf32>
        %swap3A_513 = vector.shape_cast %add3A_506 : vector<16xf32> to vector<1x1x16xf32>
        tpu.vector_store %arg8[%swap3A_508, %swap3A_509, %swap3A_510], %swap3A_513 {strides = array<i32>} : memref<4x200x64xf32, #tpu.memory_space<vmem>>, vector<1x1x16xf32>,
        %get3A_514 = arith.constant 1 : i32
        %get3A_515 = arith.index_cast %get3A_514 : i32 to index
        %get3A_516 = arith.index_cast %add3A_486 : i32 to index
        %get3A_517 = arith.constant 32 : index
        %get3A_518 = tpu.vector_load %arg8[%get3A_515, %get3A_516, %get3A_517] {strides = array<i32>} : memref<4x200x64xf32, #tpu.memory_space<vmem>>, vector<1x1x16xf32>,
        %get3A_519 = vector.shape_cast %get3A_518 : vector<1x1x16xf32> to vector<16xf32>
        %add3A_520 = arith.addf %get3A_519, %get3A_285 : vector<16xf32>
        %swap3A_521 = arith.constant 1 : i32
        %swap3A_522 = arith.index_cast %swap3A_521 : i32 to index
        %swap3A_523 = arith.index_cast %add3A_486 : i32 to index
        %swap3A_524 = arith.constant 32 : index
        %swap3A_525 = tpu.vector_load %arg8[%swap3A_522, %swap3A_523, %swap3A_524] {strides = array<i32>} : memref<4x200x64xf32, #tpu.memory_space<vmem>>, vector<1x1x16xf32>,
        %swap3A_526 = vector.shape_cast %swap3A_525 : vector<1x1x16xf32> to vector<16xf32>
        %swap3A_527 = vector.shape_cast %add3A_520 : vector<16xf32> to vector<1x1x16xf32>
        tpu.vector_store %arg8[%swap3A_522, %swap3A_523, %swap3A_524], %swap3A_527 {strides = array<i32>} : memref<4x200x64xf32, #tpu.memory_space<vmem>>, vector<1x1x16xf32>,
        %get3A_528 = arith.constant 1 : i32
        %get3A_529 = arith.index_cast %get3A_528 : i32 to index
        %get3A_530 = arith.index_cast %add3A_486 : i32 to index
        %get3A_531 = arith.constant 48 : index
        %get3A_532 = tpu.vector_load %arg8[%get3A_529, %get3A_530, %get3A_531] {strides = array<i32>} : memref<4x200x64xf32, #tpu.memory_space<vmem>>, vector<1x1x16xf32>,
        %get3A_533 = vector.shape_cast %get3A_532 : vector<1x1x16xf32> to vector<16xf32>
        %add3A_534 = arith.addf %get3A_533, %get3A_289 : vector<16xf32>
        %swap3A_535 = arith.constant 1 : i32
        %swap3A_536 = arith.index_cast %swap3A_535 : i32 to index
        %swap3A_537 = arith.index_cast %add3A_486 : i32 to index
        %swap3A_538 = arith.constant 48 : index
        %swap3A_539 = tpu.vector_load %arg8[%swap3A_536, %swap3A_537, %swap3A_538] {strides = array<i32>} : memref<4x200x64xf32, #tpu.memory_space<vmem>>, vector<1x1x16xf32>,
        %swap3A_540 = vector.shape_cast %swap3A_539 : vector<1x1x16xf32> to vector<16xf32>
        %swap3A_541 = vector.shape_cast %add3A_534 : vector<16xf32> to vector<1x1x16xf32>
        tpu.vector_store %arg8[%swap3A_536, %swap3A_537, %swap3A_538], %swap3A_541 {strides = array<i32>} : memref<4x200x64xf32, #tpu.memory_space<vmem>>, vector<1x1x16xf32>,
        %mul3A_542 = arith.constant 4 : i32
        %mul3A_543 = arith.muli %add3A_482, %mul3A_542 : i32
        %add3A_544 = arith.constant 1 : i32
        %add3A_545 = arith.addi %mul3A_543, %add3A_544 : i32
        %get3A_546 = arith.constant 1 : i32
        %get3A_547 = arith.index_cast %get3A_546 : i32 to index
        %get3A_548 = arith.index_cast %add3A_545 : i32 to index
        %get3A_549 = arith.constant 0 : index
        %get3A_550 = tpu.vector_load %arg8[%get3A_547, %get3A_548, %get3A_549] {strides = array<i32>} : memref<4x200x64xf32, #tpu.memory_space<vmem>>, vector<1x1x16xf32>,
        %get3A_551 = vector.shape_cast %get3A_550 : vector<1x1x16xf32> to vector<16xf32>
        %add3A_552 = arith.addf %get3A_551, %get3A_277 : vector<16xf32>
        %swap3A_553 = arith.constant 1 : i32
        %swap3A_554 = arith.index_cast %swap3A_553 : i32 to index
        %swap3A_555 = arith.index_cast %add3A_545 : i32 to index
        %swap3A_556 = arith.constant 0 : index
        %swap3A_557 = tpu.vector_load %arg8[%swap3A_554, %swap3A_555, %swap3A_556] {strides = array<i32>} : memref<4x200x64xf32, #tpu.memory_space<vmem>>, vector<1x1x16xf32>,
        %swap3A_558 = vector.shape_cast %swap3A_557 : vector<1x1x16xf32> to vector<16xf32>
        %swap3A_559 = vector.shape_cast %add3A_552 : vector<16xf32> to vector<1x1x16xf32>
        tpu.vector_store %arg8[%swap3A_554, %swap3A_555, %swap3A_556], %swap3A_559 {strides = array<i32>} : memref<4x200x64xf32, #tpu.memory_space<vmem>>, vector<1x1x16xf32>,
        %get3A_560 = arith.constant 1 : i32
        %get3A_561 = arith.index_cast %get3A_560 : i32 to index
        %get3A_562 = arith.index_cast %add3A_545 : i32 to index
        %get3A_563 = arith.constant 16 : index
        %get3A_564 = tpu.vector_load %arg8[%get3A_561, %get3A_562, %get3A_563] {strides = array<i32>} : memref<4x200x64xf32, #tpu.memory_space<vmem>>, vector<1x1x16xf32>,
        %get3A_565 = vector.shape_cast %get3A_564 : vector<1x1x16xf32> to vector<16xf32>
        %add3A_566 = arith.addf %get3A_565, %get3A_281 : vector<16xf32>
        %swap3A_567 = arith.constant 1 : i32
        %swap3A_568 = arith.index_cast %swap3A_567 : i32 to index
        %swap3A_569 = arith.index_cast %add3A_545 : i32 to index
        %swap3A_570 = arith.constant 16 : index
        %swap3A_571 = tpu.vector_load %arg8[%swap3A_568, %swap3A_569, %swap3A_570] {strides = array<i32>} : memref<4x200x64xf32, #tpu.memory_space<vmem>>, vector<1x1x16xf32>,
        %swap3A_572 = vector.shape_cast %swap3A_571 : vector<1x1x16xf32> to vector<16xf32>
        %swap3A_573 = vector.shape_cast %add3A_566 : vector<16xf32> to vector<1x1x16xf32>
        tpu.vector_store %arg8[%swap3A_568, %swap3A_569, %swap3A_570], %swap3A_573 {strides = array<i32>} : memref<4x200x64xf32, #tpu.memory_space<vmem>>, vector<1x1x16xf32>,
        %get3A_574 = arith.constant 1 : i32
        %get3A_575 = arith.index_cast %get3A_574 : i32 to index
        %get3A_576 = arith.index_cast %add3A_545 : i32 to index
        %get3A_577 = arith.constant 32 : index
        %get3A_578 = tpu.vector_load %arg8[%get3A_575, %get3A_576, %get3A_577] {strides = array<i32>} : memref<4x200x64xf32, #tpu.memory_space<vmem>>, vector<1x1x16xf32>,
        %get3A_579 = vector.shape_cast %get3A_578 : vector<1x1x16xf32> to vector<16xf32>
        %add3A_580 = arith.addf %get3A_579, %get3A_285 : vector<16xf32>
        %swap3A_581 = arith.constant 1 : i32
        %swap3A_582 = arith.index_cast %swap3A_581 : i32 to index
        %swap3A_583 = arith.index_cast %add3A_545 : i32 to index
        %swap3A_584 = arith.constant 32 : index
        %swap3A_585 = tpu.vector_load %arg8[%swap3A_582, %swap3A_583, %swap3A_584] {strides = array<i32>} : memref<4x200x64xf32, #tpu.memory_space<vmem>>, vector<1x1x16xf32>,
        %swap3A_586 = vector.shape_cast %swap3A_585 : vector<1x1x16xf32> to vector<16xf32>
        %swap3A_587 = vector.shape_cast %add3A_580 : vector<16xf32> to vector<1x1x16xf32>
        tpu.vector_store %arg8[%swap3A_582, %swap3A_583, %swap3A_584], %swap3A_587 {strides = array<i32>} : memref<4x200x64xf32, #tpu.memory_space<vmem>>, vector<1x1x16xf32>,
        %get3A_588 = arith.constant 1 : i32
        %get3A_589 = arith.index_cast %get3A_588 : i32 to index
        %get3A_590 = arith.index_cast %add3A_545 : i32 to index
        %get3A_591 = arith.constant 48 : index
        %get3A_592 = tpu.vector_load %arg8[%get3A_589, %get3A_590, %get3A_591] {strides = array<i32>} : memref<4x200x64xf32, #tpu.memory_space<vmem>>, vector<1x1x16xf32>,
        %get3A_593 = vector.shape_cast %get3A_592 : vector<1x1x16xf32> to vector<16xf32>
        %add3A_594 = arith.addf %get3A_593, %get3A_289 : vector<16xf32>
        %swap3A_595 = arith.constant 1 : i32
        %swap3A_596 = arith.index_cast %swap3A_595 : i32 to index
        %swap3A_597 = arith.index_cast %add3A_545 : i32 to index
        %swap3A_598 = arith.constant 48 : index
        %swap3A_599 = tpu.vector_load %arg8[%swap3A_596, %swap3A_597, %swap3A_598] {strides = array<i32>} : memref<4x200x64xf32, #tpu.memory_space<vmem>>, vector<1x1x16xf32>,
        %swap3A_600 = vector.shape_cast %swap3A_599 : vector<1x1x16xf32> to vector<16xf32>
        %swap3A_601 = vector.shape_cast %add3A_594 : vector<16xf32> to vector<1x1x16xf32>
        tpu.vector_store %arg8[%swap3A_596, %swap3A_597, %swap3A_598], %swap3A_601 {strides = array<i32>} : memref<4x200x64xf32, #tpu.memory_space<vmem>>, vector<1x1x16xf32>,
        %mul3A_602 = arith.constant 4 : i32
        %mul3A_603 = arith.muli %add3A_482, %mul3A_602 : i32
        %add3A_604 = arith.constant 2 : i32
        %add3A_605 = arith.addi %mul3A_603, %add3A_604 : i32
        %get3A_606 = arith.constant 1 : i32
        %get3A_607 = arith.index_cast %get3A_606 : i32 to index
        %get3A_608 = arith.index_cast %add3A_605 : i32 to index
        %get3A_609 = arith.constant 0 : index
        %get3A_610 = tpu.vector_load %arg8[%get3A_607, %get3A_608, %get3A_609] {strides = array<i32>} : memref<4x200x64xf32, #tpu.memory_space<vmem>>, vector<1x1x16xf32>,
        %get3A_611 = vector.shape_cast %get3A_610 : vector<1x1x16xf32> to vector<16xf32>
        %add3A_612 = arith.addf %get3A_611, %get3A_277 : vector<16xf32>
        %swap3A_613 = arith.constant 1 : i32
        %swap3A_614 = arith.index_cast %swap3A_613 : i32 to index
        %swap3A_615 = arith.index_cast %add3A_605 : i32 to index
        %swap3A_616 = arith.constant 0 : index
        %swap3A_617 = tpu.vector_load %arg8[%swap3A_614, %swap3A_615, %swap3A_616] {strides = array<i32>} : memref<4x200x64xf32, #tpu.memory_space<vmem>>, vector<1x1x16xf32>,
        %swap3A_618 = vector.shape_cast %swap3A_617 : vector<1x1x16xf32> to vector<16xf32>
        %swap3A_619 = vector.shape_cast %add3A_612 : vector<16xf32> to vector<1x1x16xf32>
        tpu.vector_store %arg8[%swap3A_614, %swap3A_615, %swap3A_616], %swap3A_619 {strides = array<i32>} : memref<4x200x64xf32, #tpu.memory_space<vmem>>, vector<1x1x16xf32>,
        %get3A_620 = arith.constant 1 : i32
        %get3A_621 = arith.index_cast %get3A_620 : i32 to index
        %get3A_622 = arith.index_cast %add3A_605 : i32 to index
        %get3A_623 = arith.constant 16 : index
        %get3A_624 = tpu.vector_load %arg8[%get3A_621, %get3A_622, %get3A_623] {strides = array<i32>} : memref<4x200x64xf32, #tpu.memory_space<vmem>>, vector<1x1x16xf32>,
        %get3A_625 = vector.shape_cast %get3A_624 : vector<1x1x16xf32> to vector<16xf32>
        %add3A_626 = arith.addf %get3A_625, %get3A_281 : vector<16xf32>
        %swap3A_627 = arith.constant 1 : i32
        %swap3A_628 = arith.index_cast %swap3A_627 : i32 to index
        %swap3A_629 = arith.index_cast %add3A_605 : i32 to index
        %swap3A_630 = arith.constant 16 : index
        %swap3A_631 = tpu.vector_load %arg8[%swap3A_628, %swap3A_629, %swap3A_630] {strides = array<i32>} : memref<4x200x64xf32, #tpu.memory_space<vmem>>, vector<1x1x16xf32>,
        %swap3A_632 = vector.shape_cast %swap3A_631 : vector<1x1x16xf32> to vector<16xf32>
        %swap3A_633 = vector.shape_cast %add3A_626 : vector<16xf32> to vector<1x1x16xf32>
        tpu.vector_store %arg8[%swap3A_628, %swap3A_629, %swap3A_630], %swap3A_633 {strides = array<i32>} : memref<4x200x64xf32, #tpu.memory_space<vmem>>, vector<1x1x16xf32>,
        %get3A_634 = arith.constant 1 : i32
        %get3A_635 = arith.index_cast %get3A_634 : i32 to index
        %get3A_636 = arith.index_cast %add3A_605 : i32 to index
        %get3A_637 = arith.constant 32 : index
        %get3A_638 = tpu.vector_load %arg8[%get3A_635, %get3A_636, %get3A_637] {strides = array<i32>} : memref<4x200x64xf32, #tpu.memory_space<vmem>>, vector<1x1x16xf32>,
        %get3A_639 = vector.shape_cast %get3A_638 : vector<1x1x16xf32> to vector<16xf32>
        %add3A_640 = arith.addf %get3A_639, %get3A_285 : vector<16xf32>
        %swap3A_641 = arith.constant 1 : i32
        %swap3A_642 = arith.index_cast %swap3A_641 : i32 to index
        %swap3A_643 = arith.index_cast %add3A_605 : i32 to index
        %swap3A_644 = arith.constant 32 : index
        %swap3A_645 = tpu.vector_load %arg8[%swap3A_642, %swap3A_643, %swap3A_644] {strides = array<i32>} : memref<4x200x64xf32, #tpu.memory_space<vmem>>, vector<1x1x16xf32>,
        %swap3A_646 = vector.shape_cast %swap3A_645 : vector<1x1x16xf32> to vector<16xf32>
        %swap3A_647 = vector.shape_cast %add3A_640 : vector<16xf32> to vector<1x1x16xf32>
        tpu.vector_store %arg8[%swap3A_642, %swap3A_643, %swap3A_644], %swap3A_647 {strides = array<i32>} : memref<4x200x64xf32, #tpu.memory_space<vmem>>, vector<1x1x16xf32>,
        %get3A_648 = arith.constant 1 : i32
        %get3A_649 = arith.index_cast %get3A_648 : i32 to index
        %get3A_650 = arith.index_cast %add3A_605 : i32 to index
        %get3A_651 = arith.constant 48 : index
        %get3A_652 = tpu.vector_load %arg8[%get3A_649, %get3A_650, %get3A_651] {strides = array<i32>} : memref<4x200x64xf32, #tpu.memory_space<vmem>>, vector<1x1x16xf32>,
        %get3A_653 = vector.shape_cast %get3A_652 : vector<1x1x16xf32> to vector<16xf32>
        %add3A_654 = arith.addf %get3A_653, %get3A_289 : vector<16xf32>
        %swap3A_655 = arith.constant 1 : i32
        %swap3A_656 = arith.index_cast %swap3A_655 : i32 to index
        %swap3A_657 = arith.index_cast %add3A_605 : i32 to index
        %swap3A_658 = arith.constant 48 : index
        %swap3A_659 = tpu.vector_load %arg8[%swap3A_656, %swap3A_657, %swap3A_658] {strides = array<i32>} : memref<4x200x64xf32, #tpu.memory_space<vmem>>, vector<1x1x16xf32>,
        %swap3A_660 = vector.shape_cast %swap3A_659 : vector<1x1x16xf32> to vector<16xf32>
        %swap3A_661 = vector.shape_cast %add3A_654 : vector<16xf32> to vector<1x1x16xf32>
        tpu.vector_store %arg8[%swap3A_656, %swap3A_657, %swap3A_658], %swap3A_661 {strides = array<i32>} : memref<4x200x64xf32, #tpu.memory_space<vmem>>, vector<1x1x16xf32>,
        %mul3A_662 = arith.constant 4 : i32
        %mul3A_663 = arith.muli %add3A_482, %mul3A_662 : i32
        %add3A_664 = arith.constant 3 : i32
        %add3A_665 = arith.addi %mul3A_663, %add3A_664 : i32
        %get3A_666 = arith.constant 1 : i32
        %get3A_667 = arith.index_cast %get3A_666 : i32 to index
        %get3A_668 = arith.index_cast %add3A_665 : i32 to index
        %get3A_669 = arith.constant 0 : index
        %get3A_670 = tpu.vector_load %arg8[%get3A_667, %get3A_668, %get3A_669] {strides = array<i32>} : memref<4x200x64xf32, #tpu.memory_space<vmem>>, vector<1x1x16xf32>,
        %get3A_671 = vector.shape_cast %get3A_670 : vector<1x1x16xf32> to vector<16xf32>
        %add3A_672 = arith.addf %get3A_671, %get3A_277 : vector<16xf32>
        %swap3A_673 = arith.constant 1 : i32
        %swap3A_674 = arith.index_cast %swap3A_673 : i32 to index
        %swap3A_675 = arith.index_cast %add3A_665 : i32 to index
        %swap3A_676 = arith.constant 0 : index
        %swap3A_677 = tpu.vector_load %arg8[%swap3A_674, %swap3A_675, %swap3A_676] {strides = array<i32>} : memref<4x200x64xf32, #tpu.memory_space<vmem>>, vector<1x1x16xf32>,
        %swap3A_678 = vector.shape_cast %swap3A_677 : vector<1x1x16xf32> to vector<16xf32>
        %swap3A_679 = vector.shape_cast %add3A_672 : vector<16xf32> to vector<1x1x16xf32>
        tpu.vector_store %arg8[%swap3A_674, %swap3A_675, %swap3A_676], %swap3A_679 {strides = array<i32>} : memref<4x200x64xf32, #tpu.memory_space<vmem>>, vector<1x1x16xf32>,
        %get3A_680 = arith.constant 1 : i32
        %get3A_681 = arith.index_cast %get3A_680 : i32 to index
        %get3A_682 = arith.index_cast %add3A_665 : i32 to index
        %get3A_683 = arith.constant 16 : index
        %get3A_684 = tpu.vector_load %arg8[%get3A_681, %get3A_682, %get3A_683] {strides = array<i32>} : memref<4x200x64xf32, #tpu.memory_space<vmem>>, vector<1x1x16xf32>,
        %get3A_685 = vector.shape_cast %get3A_684 : vector<1x1x16xf32> to vector<16xf32>
        %add3A_686 = arith.addf %get3A_685, %get3A_281 : vector<16xf32>
        %swap3A_687 = arith.constant 1 : i32
        %swap3A_688 = arith.index_cast %swap3A_687 : i32 to index
        %swap3A_689 = arith.index_cast %add3A_665 : i32 to index
        %swap3A_690 = arith.constant 16 : index
        %swap3A_691 = tpu.vector_load %arg8[%swap3A_688, %swap3A_689, %swap3A_690] {strides = array<i32>} : memref<4x200x64xf32, #tpu.memory_space<vmem>>, vector<1x1x16xf32>,
        %swap3A_692 = vector.shape_cast %swap3A_691 : vector<1x1x16xf32> to vector<16xf32>
        %swap3A_693 = vector.shape_cast %add3A_686 : vector<16xf32> to vector<1x1x16xf32>
        tpu.vector_store %arg8[%swap3A_688, %swap3A_689, %swap3A_690], %swap3A_693 {strides = array<i32>} : memref<4x200x64xf32, #tpu.memory_space<vmem>>, vector<1x1x16xf32>,
        %get3A_694 = arith.constant 1 : i32
        %get3A_695 = arith.index_cast %get3A_694 : i32 to index
        %get3A_696 = arith.index_cast %add3A_665 : i32 to index
        %get3A_697 = arith.constant 32 : index
        %get3A_698 = tpu.vector_load %arg8[%get3A_695, %get3A_696, %get3A_697] {strides = array<i32>} : memref<4x200x64xf32, #tpu.memory_space<vmem>>, vector<1x1x16xf32>,
        %get3A_699 = vector.shape_cast %get3A_698 : vector<1x1x16xf32> to vector<16xf32>
        %add3A_700 = arith.addf %get3A_699, %get3A_285 : vector<16xf32>
        %swap3A_701 = arith.constant 1 : i32
        %swap3A_702 = arith.index_cast %swap3A_701 : i32 to index
        %swap3A_703 = arith.index_cast %add3A_665 : i32 to index
        %swap3A_704 = arith.constant 32 : index
        %swap3A_705 = tpu.vector_load %arg8[%swap3A_702, %swap3A_703, %swap3A_704] {strides = array<i32>} : memref<4x200x64xf32, #tpu.memory_space<vmem>>, vector<1x1x16xf32>,
        %swap3A_706 = vector.shape_cast %swap3A_705 : vector<1x1x16xf32> to vector<16xf32>
        %swap3A_707 = vector.shape_cast %add3A_700 : vector<16xf32> to vector<1x1x16xf32>
        tpu.vector_store %arg8[%swap3A_702, %swap3A_703, %swap3A_704], %swap3A_707 {strides = array<i32>} : memref<4x200x64xf32, #tpu.memory_space<vmem>>, vector<1x1x16xf32>,
        %get3A_708 = arith.constant 1 : i32
        %get3A_709 = arith.index_cast %get3A_708 : i32 to index
        %get3A_710 = arith.index_cast %add3A_665 : i32 to index
        %get3A_711 = arith.constant 48 : index
        %get3A_712 = tpu.vector_load %arg8[%get3A_709, %get3A_710, %get3A_711] {strides = array<i32>} : memref<4x200x64xf32, #tpu.memory_space<vmem>>, vector<1x1x16xf32>,
        %get3A_713 = vector.shape_cast %get3A_712 : vector<1x1x16xf32> to vector<16xf32>
        %add3A_714 = arith.addf %get3A_713, %get3A_289 : vector<16xf32>
        %swap3A_715 = arith.constant 1 : i32
        %swap3A_716 = arith.index_cast %swap3A_715 : i32 to index
        %swap3A_717 = arith.index_cast %add3A_665 : i32 to index
        %swap3A_718 = arith.constant 48 : index
        %swap3A_719 = tpu.vector_load %arg8[%swap3A_716, %swap3A_717, %swap3A_718] {strides = array<i32>} : memref<4x200x64xf32, #tpu.memory_space<vmem>>, vector<1x1x16xf32>,
        %swap3A_720 = vector.shape_cast %swap3A_719 : vector<1x1x16xf32> to vector<16xf32>
        %swap3A_721 = vector.shape_cast %add3A_714 : vector<16xf32> to vector<1x1x16xf32>
        tpu.vector_store %arg8[%swap3A_716, %swap3A_717, %swap3A_718], %swap3A_721 {strides = array<i32>} : memref<4x200x64xf32, #tpu.memory_space<vmem>>, vector<1x1x16xf32>,
      }
      %scan3A_294 = arith.constant 50 : i32
      %add3A_295 = arith.addi %mul3A_2, %add3A_238 : i32
      %dma_start3A_296 = arith.constant 1 : i32
      %dma_start3A_297 = arith.constant 1 : i32
      %dma_start3A_298 = arith.constant 0 : i32
      %dma_start3A_299 = arith.constant 0 : i32
      %dma_start3A_300 = tpu.memref_slice %arg8[%dma_start3A_296, %dma_start3A_298, %dma_start3A_299] : memref<4x200x64xf32, #tpu.memory_space<vmem>> -> memref<1x200x64xf32, #tpu.memory_space<vmem>>
      %dma_start3A_301 = tpu.memref_squeeze %dma_start3A_300 : memref<1x200x64xf32, #tpu.memory_space<vmem>> -> memref<200x64xf32, #tpu.memory_space<vmem>>
      %dma_start3A_302 = arith.constant 0 : i32
      %dma_start3A_303 = arith.constant 0 : i32
      %dma_start3A_304 = tpu.memref_slice %arg5[%add3A_295, %dma_start3A_302, %dma_start3A_303] : memref<4096x200x64xf32, #tpu.memory_space<hbm>> -> memref<1x200x64xf32, #tpu.memory_space<hbm>>
      %dma_start3A_305 = tpu.memref_squeeze %dma_start3A_304 : memref<1x200x64xf32, #tpu.memory_space<hbm>> -> memref<200x64xf32, #tpu.memory_space<hbm>>
      %dma_start3A_306 = tpu.memref_slice %arg10[%dma_start3A_297] : memref<4x!tpu.dma_semaphore, #tpu.memory_space<semaphore_mem>> -> memref<1x!tpu.dma_semaphore, #tpu.memory_space<semaphore_mem>>
      %dma_start3A_307 = tpu.memref_squeeze %dma_start3A_306 : memref<1x!tpu.dma_semaphore, #tpu.memory_space<semaphore_mem>> -> memref<!tpu.dma_semaphore, #tpu.memory_space<semaphore_mem>>
      %dma_start3A_308 = arith.constant 0 : i32
      %dma_start3A_309 = arith.constant 0 : i32
      %dma_start3A_310 = tpu.memref_slice %arg5[%add3A_295, %dma_start3A_308, %dma_start3A_309] : memref<4096x200x64xf32, #tpu.memory_space<hbm>> -> memref<1x200x64xf32, #tpu.memory_space<hbm>>
      %dma_start3A_311 = tpu.memref_squeeze %dma_start3A_310 : memref<1x200x64xf32, #tpu.memory_space<hbm>> -> memref<200x64xf32, #tpu.memory_space<hbm>>
      %dma_start3A_312 = arith.constant 0 : i32
      %dma_start3A_313 = arith.constant 0 : i32
      %dma_start3A_314 = tpu.memref_slice %arg8[%dma_start3A_296, %dma_start3A_312, %dma_start3A_313] : memref<4x200x64xf32, #tpu.memory_space<vmem>> -> memref<1x200x64xf32, #tpu.memory_space<vmem>>
      %dma_start3A_315 = tpu.memref_squeeze %dma_start3A_314 : memref<1x200x64xf32, #tpu.memory_space<vmem>> -> memref<200x64xf32, #tpu.memory_space<vmem>>
      tpu.enqueue_dma source(%dma_start3A_315 : memref<200x64xf32, #tpu.memory_space<vmem>>) target(%dma_start3A_311 : memref<200x64xf32, #tpu.memory_space<hbm>>) target_semaphore(%dma_start3A_307 : memref<!tpu.dma_semaphore, #tpu.memory_space<semaphore_mem>>)
      %mul3A_316 = arith.constant 4 : i32
      %mul3A_317 = arith.muli %add3A_157, %mul3A_316 : i32
      %add3A_318 = arith.constant 2 : i32
      %add3A_319 = arith.addi %mul3A_317, %add3A_318 : i32
      %add3A_320 = arith.constant 2 : i32
      %add3A_321 = arith.addi %add3A_319, %add3A_320 : i32
      %lt3A_322 = arith.constant 128 : i32
      %lt3A_323 = arith.cmpi slt, %add3A_321, %lt3A_322 : i32
      %convert_element_type3A_324 = arith.extui %lt3A_323 : i1 to i32
      %cond3A_325 = arith.constant 0 : i32
      %cond3A_326 = arith.cmpi ne, %convert_element_type3A_324, %cond3A_325 : i32
      scf.if %cond3A_326 {
        %ge3A = arith.constant 2 : i32
        %ge3A_478 = arith.cmpi sge, %add3A_319, %ge3A : i32
        %convert_element_type3A_479 = arith.extui %ge3A_478 : i1 to i32
        %cond3A_480 = arith.constant 0 : i32
        %cond3A_481 = arith.cmpi ne, %convert_element_type3A_479, %cond3A_480 : i32
        scf.if %cond3A_481 {
          %sub3A = arith.constant 2 : i32
          %sub3A_512 = arith.subi %add3A_319, %sub3A : i32
          %add3A_513 = arith.addi %mul3A_2, %sub3A_512 : i32
          %dma_wait3A_514 = arith.constant 0 : i32
          %dma_wait3A_515 = arith.constant 0 : i32
          %dma_wait3A_516 = arith.constant 0 : i32
          %dma_wait3A_517 = arith.constant 0 : i32
          %dma_wait3A_518 = tpu.memref_slice %arg8[%dma_wait3A_514, %dma_wait3A_516, %dma_wait3A_517] : memref<4x200x64xf32, #tpu.memory_space<vmem>> -> memref<1x200x64xf32, #tpu.memory_space<vmem>>
          %dma_wait3A_519 = tpu.memref_squeeze %dma_wait3A_518 : memref<1x200x64xf32, #tpu.memory_space<vmem>> -> memref<200x64xf32, #tpu.memory_space<vmem>>
          %dma_wait3A_520 = arith.constant 0 : i32
          %dma_wait3A_521 = arith.constant 0 : i32
          %dma_wait3A_522 = tpu.memref_slice %arg5[%add3A_513, %dma_wait3A_520, %dma_wait3A_521] : memref<4096x200x64xf32, #tpu.memory_space<hbm>> -> memref<1x200x64xf32, #tpu.memory_space<hbm>>
          %dma_wait3A_523 = tpu.memref_squeeze %dma_wait3A_522 : memref<1x200x64xf32, #tpu.memory_space<hbm>> -> memref<200x64xf32, #tpu.memory_space<hbm>>
          %dma_wait3A_524 = tpu.memref_slice %arg10[%dma_wait3A_515] : memref<4x!tpu.dma_semaphore, #tpu.memory_space<semaphore_mem>> -> memref<1x!tpu.dma_semaphore, #tpu.memory_space<semaphore_mem>>
          %dma_wait3A_525 = tpu.memref_squeeze %dma_wait3A_524 : memref<1x!tpu.dma_semaphore, #tpu.memory_space<semaphore_mem>> -> memref<!tpu.dma_semaphore, #tpu.memory_space<semaphore_mem>>
          %dma_wait3A_526 = arith.constant 0 : i32
          %dma_wait3A_527 = arith.constant 0 : i32
          %dma_wait3A_528 = tpu.memref_slice %arg5[%add3A_513, %dma_wait3A_526, %dma_wait3A_527] : memref<4096x200x64xf32, #tpu.memory_space<hbm>> -> memref<1x200x64xf32, #tpu.memory_space<hbm>>
          %dma_wait3A_529 = tpu.memref_squeeze %dma_wait3A_528 : memref<1x200x64xf32, #tpu.memory_space<hbm>> -> memref<200x64xf32, #tpu.memory_space<hbm>>
          %dma_wait3A_530 = arith.constant 0 : i32
          %dma_wait3A_531 = arith.constant 0 : i32
          %dma_wait3A_532 = tpu.memref_slice %arg8[%dma_wait3A_514, %dma_wait3A_530, %dma_wait3A_531] : memref<4x200x64xf32, #tpu.memory_space<vmem>> -> memref<1x200x64xf32, #tpu.memory_space<vmem>>
          %dma_wait3A_533 = tpu.memref_squeeze %dma_wait3A_532 : memref<1x200x64xf32, #tpu.memory_space<vmem>> -> memref<200x64xf32, #tpu.memory_space<vmem>>
          tpu.wait_dma2 semaphore(%dma_wait3A_525 : memref<!tpu.dma_semaphore, #tpu.memory_space<semaphore_mem>>) src(%dma_wait3A_533 : memref<200x64xf32, #tpu.memory_space<vmem>>) dst(%dma_wait3A_529 : memref<200x64xf32, #tpu.memory_space<hbm>>)
        } else {
        }
        %add3A_482 = arith.constant 2 : i32
        %add3A_483 = arith.addi %add3A_319, %add3A_482 : i32
        %dma_start3A_484 = arith.constant 0 : i32
        %dma_start3A_485 = arith.constant 0 : i32
        %dma_start3A_486 = arith.constant 0 : i32
        %dma_start3A_487 = arith.constant 0 : i32
        %dma_start3A_488 = tpu.memref_slice %arg8[%dma_start3A_484, %dma_start3A_486, %dma_start3A_487] : memref<4x200x64xf32, #tpu.memory_space<vmem>> -> memref<1x128x64xf32, #tpu.memory_space<vmem>>
        %dma_start3A_489 = tpu.memref_squeeze %dma_start3A_488 : memref<1x128x64xf32, #tpu.memory_space<vmem>> -> memref<128x64xf32, #tpu.memory_space<vmem>>
        %dma_start3A_490 = arith.constant 0 : i32
        %dma_start3A_491 = tpu.memref_slice %arg6[%add3A_483, %dma_start3A_490] : memref<128x200xi32, #tpu.memory_space<vmem>> -> memref<1x128xi32, #tpu.memory_space<vmem>>
        %dma_start3A_492 = tpu.memref_squeeze %dma_start3A_491 : memref<1x128xi32, #tpu.memory_space<vmem>> -> memref<128xi32, #tpu.memory_space<vmem>>
        %dma_start3A_493 = arith.constant 0 : i32
        %dma_start3A_494 = arith.constant 0 : i32
        %dma_start3A_495 = tpu.memref_slice %arg4[%dma_start3A_493, %dma_start3A_494] : memref<1015808x64xf32, #tpu.memory_space<hbm>> -> memref<1015808x64xf32, #tpu.memory_space<hbm>>
        %dma_start3A_496 = tpu.memref_slice %arg9[%dma_start3A_485] : memref<4x!tpu.dma_semaphore, #tpu.memory_space<semaphore_mem>> -> memref<1x!tpu.dma_semaphore, #tpu.memory_space<semaphore_mem>>
        %dma_start3A_497 = tpu.memref_squeeze %dma_start3A_496 : memref<1x!tpu.dma_semaphore, #tpu.memory_space<semaphore_mem>> -> memref<!tpu.dma_semaphore, #tpu.memory_space<semaphore_mem>>
        tpu.enqueue_indirect_dma source(%dma_start3A_495 : memref<1015808x64xf32, #tpu.memory_space<hbm>>) target(%dma_start3A_489 : memref<128x64xf32, #tpu.memory_space<vmem>>) offsets(%dma_start3A_492 : memref<128xi32, #tpu.memory_space<vmem>>) semaphore(%dma_start3A_497 : memref<!tpu.dma_semaphore, #tpu.memory_space<semaphore_mem>>)
        %dma_start3A_498 = arith.constant 0 : i32
        %dma_start3A_499 = arith.constant 0 : i32
        %dma_start3A_500 = arith.constant 128 : i32
        %dma_start3A_501 = arith.constant 0 : i32
        %dma_start3A_502 = tpu.memref_slice %arg8[%dma_start3A_498, %dma_start3A_500, %dma_start3A_501] : memref<4x200x64xf32, #tpu.memory_space<vmem>> -> memref<1x72x64xf32, #tpu.memory_space<vmem>>
        %dma_start3A_503 = tpu.memref_squeeze %dma_start3A_502 : memref<1x72x64xf32, #tpu.memory_space<vmem>> -> memref<72x64xf32, #tpu.memory_space<vmem>>
        %dma_start3A_504 = arith.constant 128 : i32
        %dma_start3A_505 = tpu.memref_slice %arg6[%add3A_483, %dma_start3A_504] : memref<128x200xi32, #tpu.memory_space<vmem>> -> memref<1x72xi32, #tpu.memory_space<vmem>>
        %dma_start3A_506 = tpu.memref_squeeze %dma_start3A_505 : memref<1x72xi32, #tpu.memory_space<vmem>> -> memref<72xi32, #tpu.memory_space<vmem>>
        %dma_start3A_507 = arith.constant 0 : i32
        %dma_start3A_508 = arith.constant 0 : i32
        %dma_start3A_509 = tpu.memref_slice %arg4[%dma_start3A_507, %dma_start3A_508] : memref<1015808x64xf32, #tpu.memory_space<hbm>> -> memref<1015808x64xf32, #tpu.memory_space<hbm>>
        %dma_start3A_510 = tpu.memref_slice %arg9[%dma_start3A_499] : memref<4x!tpu.dma_semaphore, #tpu.memory_space<semaphore_mem>> -> memref<1x!tpu.dma_semaphore, #tpu.memory_space<semaphore_mem>>
        %dma_start3A_511 = tpu.memref_squeeze %dma_start3A_510 : memref<1x!tpu.dma_semaphore, #tpu.memory_space<semaphore_mem>> -> memref<!tpu.dma_semaphore, #tpu.memory_space<semaphore_mem>>
        tpu.enqueue_indirect_dma source(%dma_start3A_509 : memref<1015808x64xf32, #tpu.memory_space<hbm>>) target(%dma_start3A_503 : memref<72x64xf32, #tpu.memory_space<vmem>>) offsets(%dma_start3A_506 : memref<72xi32, #tpu.memory_space<vmem>>) semaphore(%dma_start3A_511 : memref<!tpu.dma_semaphore, #tpu.memory_space<semaphore_mem>>)
      } else {
      }
      %dma_wait3A_327 = arith.constant 2 : i32
      %dma_wait3A_328 = arith.constant 2 : i32
      %dma_wait3A_329 = arith.constant 0 : i32
      %dma_wait3A_330 = arith.constant 0 : i32
      %dma_wait3A_331 = tpu.memref_slice %arg8[%dma_wait3A_327, %dma_wait3A_329, %dma_wait3A_330] : memref<4x200x64xf32, #tpu.memory_space<vmem>> -> memref<1x128x64xf32, #tpu.memory_space<vmem>>
      %dma_wait3A_332 = tpu.memref_squeeze %dma_wait3A_331 : memref<1x128x64xf32, #tpu.memory_space<vmem>> -> memref<128x64xf32, #tpu.memory_space<vmem>>
      %dma_wait3A_333 = arith.constant 0 : i32
      %dma_wait3A_334 = tpu.memref_slice %arg6[%add3A_319, %dma_wait3A_333] : memref<128x200xi32, #tpu.memory_space<vmem>> -> memref<1x128xi32, #tpu.memory_space<vmem>>
      %dma_wait3A_335 = tpu.memref_squeeze %dma_wait3A_334 : memref<1x128xi32, #tpu.memory_space<vmem>> -> memref<128xi32, #tpu.memory_space<vmem>>
      %dma_wait3A_336 = arith.constant 0 : i32
      %dma_wait3A_337 = arith.constant 0 : i32
      %dma_wait3A_338 = tpu.memref_slice %arg4[%dma_wait3A_336, %dma_wait3A_337] : memref<1015808x64xf32, #tpu.memory_space<hbm>> -> memref<1015808x64xf32, #tpu.memory_space<hbm>>
      %dma_wait3A_339 = tpu.memref_slice %arg9[%dma_wait3A_328] : memref<4x!tpu.dma_semaphore, #tpu.memory_space<semaphore_mem>> -> memref<1x!tpu.dma_semaphore, #tpu.memory_space<semaphore_mem>>
      %dma_wait3A_340 = tpu.memref_squeeze %dma_wait3A_339 : memref<1x!tpu.dma_semaphore, #tpu.memory_space<semaphore_mem>> -> memref<!tpu.dma_semaphore, #tpu.memory_space<semaphore_mem>>
      tpu.wait_indirect_dma semaphore(%dma_wait3A_340 : memref<!tpu.dma_semaphore, #tpu.memory_space<semaphore_mem>>) src(%dma_wait3A_338 : memref<1015808x64xf32, #tpu.memory_space<hbm>>) dst(%dma_wait3A_332 : memref<128x64xf32, #tpu.memory_space<vmem>>)
      %dma_wait3A_341 = arith.constant 2 : i32
      %dma_wait3A_342 = arith.constant 2 : i32
      %dma_wait3A_343 = arith.constant 128 : i32
      %dma_wait3A_344 = arith.constant 0 : i32
      %dma_wait3A_345 = tpu.memref_slice %arg8[%dma_wait3A_341, %dma_wait3A_343, %dma_wait3A_344] : memref<4x200x64xf32, #tpu.memory_space<vmem>> -> memref<1x72x64xf32, #tpu.memory_space<vmem>>
      %dma_wait3A_346 = tpu.memref_squeeze %dma_wait3A_345 : memref<1x72x64xf32, #tpu.memory_space<vmem>> -> memref<72x64xf32, #tpu.memory_space<vmem>>
      %dma_wait3A_347 = arith.constant 128 : i32
      %dma_wait3A_348 = tpu.memref_slice %arg6[%add3A_319, %dma_wait3A_347] : memref<128x200xi32, #tpu.memory_space<vmem>> -> memref<1x72xi32, #tpu.memory_space<vmem>>
      %dma_wait3A_349 = tpu.memref_squeeze %dma_wait3A_348 : memref<1x72xi32, #tpu.memory_space<vmem>> -> memref<72xi32, #tpu.memory_space<vmem>>
      %dma_wait3A_350 = arith.constant 0 : i32
      %dma_wait3A_351 = arith.constant 0 : i32
      %dma_wait3A_352 = tpu.memref_slice %arg4[%dma_wait3A_350, %dma_wait3A_351] : memref<1015808x64xf32, #tpu.memory_space<hbm>> -> memref<1015808x64xf32, #tpu.memory_space<hbm>>
      %dma_wait3A_353 = tpu.memref_slice %arg9[%dma_wait3A_342] : memref<4x!tpu.dma_semaphore, #tpu.memory_space<semaphore_mem>> -> memref<1x!tpu.dma_semaphore, #tpu.memory_space<semaphore_mem>>
      %dma_wait3A_354 = tpu.memref_squeeze %dma_wait3A_353 : memref<1x!tpu.dma_semaphore, #tpu.memory_space<semaphore_mem>> -> memref<!tpu.dma_semaphore, #tpu.memory_space<semaphore_mem>>
      tpu.wait_indirect_dma semaphore(%dma_wait3A_354 : memref<!tpu.dma_semaphore, #tpu.memory_space<semaphore_mem>>) src(%dma_wait3A_352 : memref<1015808x64xf32, #tpu.memory_space<hbm>>) dst(%dma_wait3A_346 : memref<72x64xf32, #tpu.memory_space<vmem>>)
      %get3A_355 = arith.index_cast %add3A_319 : i32 to index
      %get3A_356 = arith.constant 0 : index
      %get3A_357 = tpu.vector_load %arg7[%get3A_355, %get3A_356] {strides = array<i32>} : memref<128x64xf32, #tpu.memory_space<vmem>>, vector<1x16xf32>,
      %get3A_358 = vector.shape_cast %get3A_357 : vector<1x16xf32> to vector<16xf32>
      %get3A_359 = arith.index_cast %add3A_319 : i32 to index
      %get3A_360 = arith.constant 16 : index
      %get3A_361 = tpu.vector_load %arg7[%get3A_359, %get3A_360] {strides = array<i32>} : memref<128x64xf32, #tpu.memory_space<vmem>>, vector<1x16xf32>,
      %get3A_362 = vector.shape_cast %get3A_361 : vector<1x16xf32> to vector<16xf32>
      %get3A_363 = arith.index_cast %add3A_319 : i32 to index
      %get3A_364 = arith.constant 32 : index
      %get3A_365 = tpu.vector_load %arg7[%get3A_363, %get3A_364] {strides = array<i32>} : memref<128x64xf32, #tpu.memory_space<vmem>>, vector<1x16xf32>,
      %get3A_366 = vector.shape_cast %get3A_365 : vector<1x16xf32> to vector<16xf32>
      %get3A_367 = arith.index_cast %add3A_319 : i32 to index
      %get3A_368 = arith.constant 48 : index
      %get3A_369 = tpu.vector_load %arg7[%get3A_367, %get3A_368] {strides = array<i32>} : memref<128x64xf32, #tpu.memory_space<vmem>>, vector<1x16xf32>,
      %get3A_370 = vector.shape_cast %get3A_369 : vector<1x16xf32> to vector<16xf32>
      %scan3A_371 = arith.constant 0 : i32
      %scan3A_372 = arith.constant 50 : i32
      %scan3A_373 = arith.addi %scan3A_371, %scan3A_372 : i32
      %scan3A_374 = arith.constant 1 : i32
      scf.for %scan3A_478 = %scan3A_371 to %scan3A_373 step %scan3A_374  : i32 {
        %mul3A_479 = arith.constant 1 : i32
        %mul3A_480 = arith.muli %scan3A_478, %mul3A_479 : i32
        %add3A_481 = arith.constant 0 : i32
        %add3A_482 = arith.addi %add3A_481, %mul3A_480 : i32
        %mul3A_483 = arith.constant 4 : i32
        %mul3A_484 = arith.muli %add3A_482, %mul3A_483 : i32
        %add3A_485 = arith.constant 0 : i32
        %add3A_486 = arith.addi %mul3A_484, %add3A_485 : i32
        %get3A_487 = arith.constant 2 : i32
        %get3A_488 = arith.index_cast %get3A_487 : i32 to index
        %get3A_489 = arith.index_cast %add3A_486 : i32 to index
        %get3A_490 = arith.constant 0 : index
        %get3A_491 = tpu.vector_load %arg8[%get3A_488, %get3A_489, %get3A_490] {strides = array<i32>} : memref<4x200x64xf32, #tpu.memory_space<vmem>>, vector<1x1x16xf32>,
        %get3A_492 = vector.shape_cast %get3A_491 : vector<1x1x16xf32> to vector<16xf32>
        %add3A_493 = arith.addf %get3A_492, %get3A_358 : vector<16xf32>
        %swap3A = arith.constant 2 : i32
        %swap3A_494 = arith.index_cast %swap3A : i32 to index
        %swap3A_495 = arith.index_cast %add3A_486 : i32 to index
        %swap3A_496 = arith.constant 0 : index
        %swap3A_497 = tpu.vector_load %arg8[%swap3A_494, %swap3A_495, %swap3A_496] {strides = array<i32>} : memref<4x200x64xf32, #tpu.memory_space<vmem>>, vector<1x1x16xf32>,
        %swap3A_498 = vector.shape_cast %swap3A_497 : vector<1x1x16xf32> to vector<16xf32>
        %swap3A_499 = vector.shape_cast %add3A_493 : vector<16xf32> to vector<1x1x16xf32>
        tpu.vector_store %arg8[%swap3A_494, %swap3A_495, %swap3A_496], %swap3A_499 {strides = array<i32>} : memref<4x200x64xf32, #tpu.memory_space<vmem>>, vector<1x1x16xf32>,
        %get3A_500 = arith.constant 2 : i32
        %get3A_501 = arith.index_cast %get3A_500 : i32 to index
        %get3A_502 = arith.index_cast %add3A_486 : i32 to index
        %get3A_503 = arith.constant 16 : index
        %get3A_504 = tpu.vector_load %arg8[%get3A_501, %get3A_502, %get3A_503] {strides = array<i32>} : memref<4x200x64xf32, #tpu.memory_space<vmem>>, vector<1x1x16xf32>,
        %get3A_505 = vector.shape_cast %get3A_504 : vector<1x1x16xf32> to vector<16xf32>
        %add3A_506 = arith.addf %get3A_505, %get3A_362 : vector<16xf32>
        %swap3A_507 = arith.constant 2 : i32
        %swap3A_508 = arith.index_cast %swap3A_507 : i32 to index
        %swap3A_509 = arith.index_cast %add3A_486 : i32 to index
        %swap3A_510 = arith.constant 16 : index
        %swap3A_511 = tpu.vector_load %arg8[%swap3A_508, %swap3A_509, %swap3A_510] {strides = array<i32>} : memref<4x200x64xf32, #tpu.memory_space<vmem>>, vector<1x1x16xf32>,
        %swap3A_512 = vector.shape_cast %swap3A_511 : vector<1x1x16xf32> to vector<16xf32>
        %swap3A_513 = vector.shape_cast %add3A_506 : vector<16xf32> to vector<1x1x16xf32>
        tpu.vector_store %arg8[%swap3A_508, %swap3A_509, %swap3A_510], %swap3A_513 {strides = array<i32>} : memref<4x200x64xf32, #tpu.memory_space<vmem>>, vector<1x1x16xf32>,
        %get3A_514 = arith.constant 2 : i32
        %get3A_515 = arith.index_cast %get3A_514 : i32 to index
        %get3A_516 = arith.index_cast %add3A_486 : i32 to index
        %get3A_517 = arith.constant 32 : index
        %get3A_518 = tpu.vector_load %arg8[%get3A_515, %get3A_516, %get3A_517] {strides = array<i32>} : memref<4x200x64xf32, #tpu.memory_space<vmem>>, vector<1x1x16xf32>,
        %get3A_519 = vector.shape_cast %get3A_518 : vector<1x1x16xf32> to vector<16xf32>
        %add3A_520 = arith.addf %get3A_519, %get3A_366 : vector<16xf32>
        %swap3A_521 = arith.constant 2 : i32
        %swap3A_522 = arith.index_cast %swap3A_521 : i32 to index
        %swap3A_523 = arith.index_cast %add3A_486 : i32 to index
        %swap3A_524 = arith.constant 32 : index
        %swap3A_525 = tpu.vector_load %arg8[%swap3A_522, %swap3A_523, %swap3A_524] {strides = array<i32>} : memref<4x200x64xf32, #tpu.memory_space<vmem>>, vector<1x1x16xf32>,
        %swap3A_526 = vector.shape_cast %swap3A_525 : vector<1x1x16xf32> to vector<16xf32>
        %swap3A_527 = vector.shape_cast %add3A_520 : vector<16xf32> to vector<1x1x16xf32>
        tpu.vector_store %arg8[%swap3A_522, %swap3A_523, %swap3A_524], %swap3A_527 {strides = array<i32>} : memref<4x200x64xf32, #tpu.memory_space<vmem>>, vector<1x1x16xf32>,
        %get3A_528 = arith.constant 2 : i32
        %get3A_529 = arith.index_cast %get3A_528 : i32 to index
        %get3A_530 = arith.index_cast %add3A_486 : i32 to index
        %get3A_531 = arith.constant 48 : index
        %get3A_532 = tpu.vector_load %arg8[%get3A_529, %get3A_530, %get3A_531] {strides = array<i32>} : memref<4x200x64xf32, #tpu.memory_space<vmem>>, vector<1x1x16xf32>,
        %get3A_533 = vector.shape_cast %get3A_532 : vector<1x1x16xf32> to vector<16xf32>
        %add3A_534 = arith.addf %get3A_533, %get3A_370 : vector<16xf32>
        %swap3A_535 = arith.constant 2 : i32
        %swap3A_536 = arith.index_cast %swap3A_535 : i32 to index
        %swap3A_537 = arith.index_cast %add3A_486 : i32 to index
        %swap3A_538 = arith.constant 48 : index
        %swap3A_539 = tpu.vector_load %arg8[%swap3A_536, %swap3A_537, %swap3A_538] {strides = array<i32>} : memref<4x200x64xf32, #tpu.memory_space<vmem>>, vector<1x1x16xf32>,
        %swap3A_540 = vector.shape_cast %swap3A_539 : vector<1x1x16xf32> to vector<16xf32>
        %swap3A_541 = vector.shape_cast %add3A_534 : vector<16xf32> to vector<1x1x16xf32>
        tpu.vector_store %arg8[%swap3A_536, %swap3A_537, %swap3A_538], %swap3A_541 {strides = array<i32>} : memref<4x200x64xf32, #tpu.memory_space<vmem>>, vector<1x1x16xf32>,
        %mul3A_542 = arith.constant 4 : i32
        %mul3A_543 = arith.muli %add3A_482, %mul3A_542 : i32
        %add3A_544 = arith.constant 1 : i32
        %add3A_545 = arith.addi %mul3A_543, %add3A_544 : i32
        %get3A_546 = arith.constant 2 : i32
        %get3A_547 = arith.index_cast %get3A_546 : i32 to index
        %get3A_548 = arith.index_cast %add3A_545 : i32 to index
        %get3A_549 = arith.constant 0 : index
        %get3A_550 = tpu.vector_load %arg8[%get3A_547, %get3A_548, %get3A_549] {strides = array<i32>} : memref<4x200x64xf32, #tpu.memory_space<vmem>>, vector<1x1x16xf32>,
        %get3A_551 = vector.shape_cast %get3A_550 : vector<1x1x16xf32> to vector<16xf32>
        %add3A_552 = arith.addf %get3A_551, %get3A_358 : vector<16xf32>
        %swap3A_553 = arith.constant 2 : i32
        %swap3A_554 = arith.index_cast %swap3A_553 : i32 to index
        %swap3A_555 = arith.index_cast %add3A_545 : i32 to index
        %swap3A_556 = arith.constant 0 : index
        %swap3A_557 = tpu.vector_load %arg8[%swap3A_554, %swap3A_555, %swap3A_556] {strides = array<i32>} : memref<4x200x64xf32, #tpu.memory_space<vmem>>, vector<1x1x16xf32>,
        %swap3A_558 = vector.shape_cast %swap3A_557 : vector<1x1x16xf32> to vector<16xf32>
        %swap3A_559 = vector.shape_cast %add3A_552 : vector<16xf32> to vector<1x1x16xf32>
        tpu.vector_store %arg8[%swap3A_554, %swap3A_555, %swap3A_556], %swap3A_559 {strides = array<i32>} : memref<4x200x64xf32, #tpu.memory_space<vmem>>, vector<1x1x16xf32>,
        %get3A_560 = arith.constant 2 : i32
        %get3A_561 = arith.index_cast %get3A_560 : i32 to index
        %get3A_562 = arith.index_cast %add3A_545 : i32 to index
        %get3A_563 = arith.constant 16 : index
        %get3A_564 = tpu.vector_load %arg8[%get3A_561, %get3A_562, %get3A_563] {strides = array<i32>} : memref<4x200x64xf32, #tpu.memory_space<vmem>>, vector<1x1x16xf32>,
        %get3A_565 = vector.shape_cast %get3A_564 : vector<1x1x16xf32> to vector<16xf32>
        %add3A_566 = arith.addf %get3A_565, %get3A_362 : vector<16xf32>
        %swap3A_567 = arith.constant 2 : i32
        %swap3A_568 = arith.index_cast %swap3A_567 : i32 to index
        %swap3A_569 = arith.index_cast %add3A_545 : i32 to index
        %swap3A_570 = arith.constant 16 : index
        %swap3A_571 = tpu.vector_load %arg8[%swap3A_568, %swap3A_569, %swap3A_570] {strides = array<i32>} : memref<4x200x64xf32, #tpu.memory_space<vmem>>, vector<1x1x16xf32>,
        %swap3A_572 = vector.shape_cast %swap3A_571 : vector<1x1x16xf32> to vector<16xf32>
        %swap3A_573 = vector.shape_cast %add3A_566 : vector<16xf32> to vector<1x1x16xf32>
        tpu.vector_store %arg8[%swap3A_568, %swap3A_569, %swap3A_570], %swap3A_573 {strides = array<i32>} : memref<4x200x64xf32, #tpu.memory_space<vmem>>, vector<1x1x16xf32>,
        %get3A_574 = arith.constant 2 : i32
        %get3A_575 = arith.index_cast %get3A_574 : i32 to index
        %get3A_576 = arith.index_cast %add3A_545 : i32 to index
        %get3A_577 = arith.constant 32 : index
        %get3A_578 = tpu.vector_load %arg8[%get3A_575, %get3A_576, %get3A_577] {strides = array<i32>} : memref<4x200x64xf32, #tpu.memory_space<vmem>>, vector<1x1x16xf32>,
        %get3A_579 = vector.shape_cast %get3A_578 : vector<1x1x16xf32> to vector<16xf32>
        %add3A_580 = arith.addf %get3A_579, %get3A_366 : vector<16xf32>
        %swap3A_581 = arith.constant 2 : i32
        %swap3A_582 = arith.index_cast %swap3A_581 : i32 to index
        %swap3A_583 = arith.index_cast %add3A_545 : i32 to index
        %swap3A_584 = arith.constant 32 : index
        %swap3A_585 = tpu.vector_load %arg8[%swap3A_582, %swap3A_583, %swap3A_584] {strides = array<i32>} : memref<4x200x64xf32, #tpu.memory_space<vmem>>, vector<1x1x16xf32>,
        %swap3A_586 = vector.shape_cast %swap3A_585 : vector<1x1x16xf32> to vector<16xf32>
        %swap3A_587 = vector.shape_cast %add3A_580 : vector<16xf32> to vector<1x1x16xf32>
        tpu.vector_store %arg8[%swap3A_582, %swap3A_583, %swap3A_584], %swap3A_587 {strides = array<i32>} : memref<4x200x64xf32, #tpu.memory_space<vmem>>, vector<1x1x16xf32>,
        %get3A_588 = arith.constant 2 : i32
        %get3A_589 = arith.index_cast %get3A_588 : i32 to index
        %get3A_590 = arith.index_cast %add3A_545 : i32 to index
        %get3A_591 = arith.constant 48 : index
        %get3A_592 = tpu.vector_load %arg8[%get3A_589, %get3A_590, %get3A_591] {strides = array<i32>} : memref<4x200x64xf32, #tpu.memory_space<vmem>>, vector<1x1x16xf32>,
        %get3A_593 = vector.shape_cast %get3A_592 : vector<1x1x16xf32> to vector<16xf32>
        %add3A_594 = arith.addf %get3A_593, %get3A_370 : vector<16xf32>
        %swap3A_595 = arith.constant 2 : i32
        %swap3A_596 = arith.index_cast %swap3A_595 : i32 to index
        %swap3A_597 = arith.index_cast %add3A_545 : i32 to index
        %swap3A_598 = arith.constant 48 : index
        %swap3A_599 = tpu.vector_load %arg8[%swap3A_596, %swap3A_597, %swap3A_598] {strides = array<i32>} : memref<4x200x64xf32, #tpu.memory_space<vmem>>, vector<1x1x16xf32>,
        %swap3A_600 = vector.shape_cast %swap3A_599 : vector<1x1x16xf32> to vector<16xf32>
        %swap3A_601 = vector.shape_cast %add3A_594 : vector<16xf32> to vector<1x1x16xf32>
        tpu.vector_store %arg8[%swap3A_596, %swap3A_597, %swap3A_598], %swap3A_601 {strides = array<i32>} : memref<4x200x64xf32, #tpu.memory_space<vmem>>, vector<1x1x16xf32>,
        %mul3A_602 = arith.constant 4 : i32
        %mul3A_603 = arith.muli %add3A_482, %mul3A_602 : i32
        %add3A_604 = arith.constant 2 : i32
        %add3A_605 = arith.addi %mul3A_603, %add3A_604 : i32
        %get3A_606 = arith.constant 2 : i32
        %get3A_607 = arith.index_cast %get3A_606 : i32 to index
        %get3A_608 = arith.index_cast %add3A_605 : i32 to index
        %get3A_609 = arith.constant 0 : index
        %get3A_610 = tpu.vector_load %arg8[%get3A_607, %get3A_608, %get3A_609] {strides = array<i32>} : memref<4x200x64xf32, #tpu.memory_space<vmem>>, vector<1x1x16xf32>,
        %get3A_611 = vector.shape_cast %get3A_610 : vector<1x1x16xf32> to vector<16xf32>
        %add3A_612 = arith.addf %get3A_611, %get3A_358 : vector<16xf32>
        %swap3A_613 = arith.constant 2 : i32
        %swap3A_614 = arith.index_cast %swap3A_613 : i32 to index
        %swap3A_615 = arith.index_cast %add3A_605 : i32 to index
        %swap3A_616 = arith.constant 0 : index
        %swap3A_617 = tpu.vector_load %arg8[%swap3A_614, %swap3A_615, %swap3A_616] {strides = array<i32>} : memref<4x200x64xf32, #tpu.memory_space<vmem>>, vector<1x1x16xf32>,
        %swap3A_618 = vector.shape_cast %swap3A_617 : vector<1x1x16xf32> to vector<16xf32>
        %swap3A_619 = vector.shape_cast %add3A_612 : vector<16xf32> to vector<1x1x16xf32>
        tpu.vector_store %arg8[%swap3A_614, %swap3A_615, %swap3A_616], %swap3A_619 {strides = array<i32>} : memref<4x200x64xf32, #tpu.memory_space<vmem>>, vector<1x1x16xf32>,
        %get3A_620 = arith.constant 2 : i32
        %get3A_621 = arith.index_cast %get3A_620 : i32 to index
        %get3A_622 = arith.index_cast %add3A_605 : i32 to index
        %get3A_623 = arith.constant 16 : index
        %get3A_624 = tpu.vector_load %arg8[%get3A_621, %get3A_622, %get3A_623] {strides = array<i32>} : memref<4x200x64xf32, #tpu.memory_space<vmem>>, vector<1x1x16xf32>,
        %get3A_625 = vector.shape_cast %get3A_624 : vector<1x1x16xf32> to vector<16xf32>
        %add3A_626 = arith.addf %get3A_625, %get3A_362 : vector<16xf32>
        %swap3A_627 = arith.constant 2 : i32
        %swap3A_628 = arith.index_cast %swap3A_627 : i32 to index
        %swap3A_629 = arith.index_cast %add3A_605 : i32 to index
        %swap3A_630 = arith.constant 16 : index
        %swap3A_631 = tpu.vector_load %arg8[%swap3A_628, %swap3A_629, %swap3A_630] {strides = array<i32>} : memref<4x200x64xf32, #tpu.memory_space<vmem>>, vector<1x1x16xf32>,
        %swap3A_632 = vector.shape_cast %swap3A_631 : vector<1x1x16xf32> to vector<16xf32>
        %swap3A_633 = vector.shape_cast %add3A_626 : vector<16xf32> to vector<1x1x16xf32>
        tpu.vector_store %arg8[%swap3A_628, %swap3A_629, %swap3A_630], %swap3A_633 {strides = array<i32>} : memref<4x200x64xf32, #tpu.memory_space<vmem>>, vector<1x1x16xf32>,
        %get3A_634 = arith.constant 2 : i32
        %get3A_635 = arith.index_cast %get3A_634 : i32 to index
        %get3A_636 = arith.index_cast %add3A_605 : i32 to index
        %get3A_637 = arith.constant 32 : index
        %get3A_638 = tpu.vector_load %arg8[%get3A_635, %get3A_636, %get3A_637] {strides = array<i32>} : memref<4x200x64xf32, #tpu.memory_space<vmem>>, vector<1x1x16xf32>,
        %get3A_639 = vector.shape_cast %get3A_638 : vector<1x1x16xf32> to vector<16xf32>
        %add3A_640 = arith.addf %get3A_639, %get3A_366 : vector<16xf32>
        %swap3A_641 = arith.constant 2 : i32
        %swap3A_642 = arith.index_cast %swap3A_641 : i32 to index
        %swap3A_643 = arith.index_cast %add3A_605 : i32 to index
        %swap3A_644 = arith.constant 32 : index
        %swap3A_645 = tpu.vector_load %arg8[%swap3A_642, %swap3A_643, %swap3A_644] {strides = array<i32>} : memref<4x200x64xf32, #tpu.memory_space<vmem>>, vector<1x1x16xf32>,
        %swap3A_646 = vector.shape_cast %swap3A_645 : vector<1x1x16xf32> to vector<16xf32>
        %swap3A_647 = vector.shape_cast %add3A_640 : vector<16xf32> to vector<1x1x16xf32>
        tpu.vector_store %arg8[%swap3A_642, %swap3A_643, %swap3A_644], %swap3A_647 {strides = array<i32>} : memref<4x200x64xf32, #tpu.memory_space<vmem>>, vector<1x1x16xf32>,
        %get3A_648 = arith.constant 2 : i32
        %get3A_649 = arith.index_cast %get3A_648 : i32 to index
        %get3A_650 = arith.index_cast %add3A_605 : i32 to index
        %get3A_651 = arith.constant 48 : index
        %get3A_652 = tpu.vector_load %arg8[%get3A_649, %get3A_650, %get3A_651] {strides = array<i32>} : memref<4x200x64xf32, #tpu.memory_space<vmem>>, vector<1x1x16xf32>,
        %get3A_653 = vector.shape_cast %get3A_652 : vector<1x1x16xf32> to vector<16xf32>
        %add3A_654 = arith.addf %get3A_653, %get3A_370 : vector<16xf32>
        %swap3A_655 = arith.constant 2 : i32
        %swap3A_656 = arith.index_cast %swap3A_655 : i32 to index
        %swap3A_657 = arith.index_cast %add3A_605 : i32 to index
        %swap3A_658 = arith.constant 48 : index
        %swap3A_659 = tpu.vector_load %arg8[%swap3A_656, %swap3A_657, %swap3A_658] {strides = array<i32>} : memref<4x200x64xf32, #tpu.memory_space<vmem>>, vector<1x1x16xf32>,
        %swap3A_660 = vector.shape_cast %swap3A_659 : vector<1x1x16xf32> to vector<16xf32>
        %swap3A_661 = vector.shape_cast %add3A_654 : vector<16xf32> to vector<1x1x16xf32>
        tpu.vector_store %arg8[%swap3A_656, %swap3A_657, %swap3A_658], %swap3A_661 {strides = array<i32>} : memref<4x200x64xf32, #tpu.memory_space<vmem>>, vector<1x1x16xf32>,
        %mul3A_662 = arith.constant 4 : i32
        %mul3A_663 = arith.muli %add3A_482, %mul3A_662 : i32
        %add3A_664 = arith.constant 3 : i32
        %add3A_665 = arith.addi %mul3A_663, %add3A_664 : i32
        %get3A_666 = arith.constant 2 : i32
        %get3A_667 = arith.index_cast %get3A_666 : i32 to index
        %get3A_668 = arith.index_cast %add3A_665 : i32 to index
        %get3A_669 = arith.constant 0 : index
        %get3A_670 = tpu.vector_load %arg8[%get3A_667, %get3A_668, %get3A_669] {strides = array<i32>} : memref<4x200x64xf32, #tpu.memory_space<vmem>>, vector<1x1x16xf32>,
        %get3A_671 = vector.shape_cast %get3A_670 : vector<1x1x16xf32> to vector<16xf32>
        %add3A_672 = arith.addf %get3A_671, %get3A_358 : vector<16xf32>
        %swap3A_673 = arith.constant 2 : i32
        %swap3A_674 = arith.index_cast %swap3A_673 : i32 to index
        %swap3A_675 = arith.index_cast %add3A_665 : i32 to index
        %swap3A_676 = arith.constant 0 : index
        %swap3A_677 = tpu.vector_load %arg8[%swap3A_674, %swap3A_675, %swap3A_676] {strides = array<i32>} : memref<4x200x64xf32, #tpu.memory_space<vmem>>, vector<1x1x16xf32>,
        %swap3A_678 = vector.shape_cast %swap3A_677 : vector<1x1x16xf32> to vector<16xf32>
        %swap3A_679 = vector.shape_cast %add3A_672 : vector<16xf32> to vector<1x1x16xf32>
        tpu.vector_store %arg8[%swap3A_674, %swap3A_675, %swap3A_676], %swap3A_679 {strides = array<i32>} : memref<4x200x64xf32, #tpu.memory_space<vmem>>, vector<1x1x16xf32>,
        %get3A_680 = arith.constant 2 : i32
        %get3A_681 = arith.index_cast %get3A_680 : i32 to index
        %get3A_682 = arith.index_cast %add3A_665 : i32 to index
        %get3A_683 = arith.constant 16 : index
        %get3A_684 = tpu.vector_load %arg8[%get3A_681, %get3A_682, %get3A_683] {strides = array<i32>} : memref<4x200x64xf32, #tpu.memory_space<vmem>>, vector<1x1x16xf32>,
        %get3A_685 = vector.shape_cast %get3A_684 : vector<1x1x16xf32> to vector<16xf32>
        %add3A_686 = arith.addf %get3A_685, %get3A_362 : vector<16xf32>
        %swap3A_687 = arith.constant 2 : i32
        %swap3A_688 = arith.index_cast %swap3A_687 : i32 to index
        %swap3A_689 = arith.index_cast %add3A_665 : i32 to index
        %swap3A_690 = arith.constant 16 : index
        %swap3A_691 = tpu.vector_load %arg8[%swap3A_688, %swap3A_689, %swap3A_690] {strides = array<i32>} : memref<4x200x64xf32, #tpu.memory_space<vmem>>, vector<1x1x16xf32>,
        %swap3A_692 = vector.shape_cast %swap3A_691 : vector<1x1x16xf32> to vector<16xf32>
        %swap3A_693 = vector.shape_cast %add3A_686 : vector<16xf32> to vector<1x1x16xf32>
        tpu.vector_store %arg8[%swap3A_688, %swap3A_689, %swap3A_690], %swap3A_693 {strides = array<i32>} : memref<4x200x64xf32, #tpu.memory_space<vmem>>, vector<1x1x16xf32>,
        %get3A_694 = arith.constant 2 : i32
        %get3A_695 = arith.index_cast %get3A_694 : i32 to index
        %get3A_696 = arith.index_cast %add3A_665 : i32 to index
        %get3A_697 = arith.constant 32 : index
        %get3A_698 = tpu.vector_load %arg8[%get3A_695, %get3A_696, %get3A_697] {strides = array<i32>} : memref<4x200x64xf32, #tpu.memory_space<vmem>>, vector<1x1x16xf32>,
        %get3A_699 = vector.shape_cast %get3A_698 : vector<1x1x16xf32> to vector<16xf32>
        %add3A_700 = arith.addf %get3A_699, %get3A_366 : vector<16xf32>
        %swap3A_701 = arith.constant 2 : i32
        %swap3A_702 = arith.index_cast %swap3A_701 : i32 to index
        %swap3A_703 = arith.index_cast %add3A_665 : i32 to index
        %swap3A_704 = arith.constant 32 : index
        %swap3A_705 = tpu.vector_load %arg8[%swap3A_702, %swap3A_703, %swap3A_704] {strides = array<i32>} : memref<4x200x64xf32, #tpu.memory_space<vmem>>, vector<1x1x16xf32>,
        %swap3A_706 = vector.shape_cast %swap3A_705 : vector<1x1x16xf32> to vector<16xf32>
        %swap3A_707 = vector.shape_cast %add3A_700 : vector<16xf32> to vector<1x1x16xf32>
        tpu.vector_store %arg8[%swap3A_702, %swap3A_703, %swap3A_704], %swap3A_707 {strides = array<i32>} : memref<4x200x64xf32, #tpu.memory_space<vmem>>, vector<1x1x16xf32>,
        %get3A_708 = arith.constant 2 : i32
        %get3A_709 = arith.index_cast %get3A_708 : i32 to index
        %get3A_710 = arith.index_cast %add3A_665 : i32 to index
        %get3A_711 = arith.constant 48 : index
        %get3A_712 = tpu.vector_load %arg8[%get3A_709, %get3A_710, %get3A_711] {strides = array<i32>} : memref<4x200x64xf32, #tpu.memory_space<vmem>>, vector<1x1x16xf32>,
        %get3A_713 = vector.shape_cast %get3A_712 : vector<1x1x16xf32> to vector<16xf32>
        %add3A_714 = arith.addf %get3A_713, %get3A_370 : vector<16xf32>
        %swap3A_715 = arith.constant 2 : i32
        %swap3A_716 = arith.index_cast %swap3A_715 : i32 to index
        %swap3A_717 = arith.index_cast %add3A_665 : i32 to index
        %swap3A_718 = arith.constant 48 : index
        %swap3A_719 = tpu.vector_load %arg8[%swap3A_716, %swap3A_717, %swap3A_718] {strides = array<i32>} : memref<4x200x64xf32, #tpu.memory_space<vmem>>, vector<1x1x16xf32>,
        %swap3A_720 = vector.shape_cast %swap3A_719 : vector<1x1x16xf32> to vector<16xf32>
        %swap3A_721 = vector.shape_cast %add3A_714 : vector<16xf32> to vector<1x1x16xf32>
        tpu.vector_store %arg8[%swap3A_716, %swap3A_717, %swap3A_718], %swap3A_721 {strides = array<i32>} : memref<4x200x64xf32, #tpu.memory_space<vmem>>, vector<1x1x16xf32>,
      }
      %scan3A_375 = arith.constant 50 : i32
      %add3A_376 = arith.addi %mul3A_2, %add3A_319 : i32
      %dma_start3A_377 = arith.constant 2 : i32
      %dma_start3A_378 = arith.constant 2 : i32
      %dma_start3A_379 = arith.constant 0 : i32
      %dma_start3A_380 = arith.constant 0 : i32
      %dma_start3A_381 = tpu.memref_slice %arg8[%dma_start3A_377, %dma_start3A_379, %dma_start3A_380] : memref<4x200x64xf32, #tpu.memory_space<vmem>> -> memref<1x200x64xf32, #tpu.memory_space<vmem>>
      %dma_start3A_382 = tpu.memref_squeeze %dma_start3A_381 : memref<1x200x64xf32, #tpu.memory_space<vmem>> -> memref<200x64xf32, #tpu.memory_space<vmem>>
      %dma_start3A_383 = arith.constant 0 : i32
      %dma_start3A_384 = arith.constant 0 : i32
      %dma_start3A_385 = tpu.memref_slice %arg5[%add3A_376, %dma_start3A_383, %dma_start3A_384] : memref<4096x200x64xf32, #tpu.memory_space<hbm>> -> memref<1x200x64xf32, #tpu.memory_space<hbm>>
      %dma_start3A_386 = tpu.memref_squeeze %dma_start3A_385 : memref<1x200x64xf32, #tpu.memory_space<hbm>> -> memref<200x64xf32, #tpu.memory_space<hbm>>
      %dma_start3A_387 = tpu.memref_slice %arg10[%dma_start3A_378] : memref<4x!tpu.dma_semaphore, #tpu.memory_space<semaphore_mem>> -> memref<1x!tpu.dma_semaphore, #tpu.memory_space<semaphore_mem>>
      %dma_start3A_388 = tpu.memref_squeeze %dma_start3A_387 : memref<1x!tpu.dma_semaphore, #tpu.memory_space<semaphore_mem>> -> memref<!tpu.dma_semaphore, #tpu.memory_space<semaphore_mem>>
      %dma_start3A_389 = arith.constant 0 : i32
      %dma_start3A_390 = arith.constant 0 : i32
      %dma_start3A_391 = tpu.memref_slice %arg5[%add3A_376, %dma_start3A_389, %dma_start3A_390] : memref<4096x200x64xf32, #tpu.memory_space<hbm>> -> memref<1x200x64xf32, #tpu.memory_space<hbm>>
      %dma_start3A_392 = tpu.memref_squeeze %dma_start3A_391 : memref<1x200x64xf32, #tpu.memory_space<hbm>> -> memref<200x64xf32, #tpu.memory_space<hbm>>
      %dma_start3A_393 = arith.constant 0 : i32
      %dma_start3A_394 = arith.constant 0 : i32
      %dma_start3A_395 = tpu.memref_slice %arg8[%dma_start3A_377, %dma_start3A_393, %dma_start3A_394] : memref<4x200x64xf32, #tpu.memory_space<vmem>> -> memref<1x200x64xf32, #tpu.memory_space<vmem>>
      %dma_start3A_396 = tpu.memref_squeeze %dma_start3A_395 : memref<1x200x64xf32, #tpu.memory_space<vmem>> -> memref<200x64xf32, #tpu.memory_space<vmem>>
      tpu.enqueue_dma source(%dma_start3A_396 : memref<200x64xf32, #tpu.memory_space<vmem>>) target(%dma_start3A_392 : memref<200x64xf32, #tpu.memory_space<hbm>>) target_semaphore(%dma_start3A_388 : memref<!tpu.dma_semaphore, #tpu.memory_space<semaphore_mem>>)
      %mul3A_397 = arith.constant 4 : i32
      %mul3A_398 = arith.muli %add3A_157, %mul3A_397 : i32
      %add3A_399 = arith.constant 3 : i32
      %add3A_400 = arith.addi %mul3A_398, %add3A_399 : i32
      %add3A_401 = arith.constant 2 : i32
      %add3A_402 = arith.addi %add3A_400, %add3A_401 : i32
      %lt3A_403 = arith.constant 128 : i32
      %lt3A_404 = arith.cmpi slt, %add3A_402, %lt3A_403 : i32
      %convert_element_type3A_405 = arith.extui %lt3A_404 : i1 to i32
      %cond3A_406 = arith.constant 0 : i32
      %cond3A_407 = arith.cmpi ne, %convert_element_type3A_405, %cond3A_406 : i32
      scf.if %cond3A_407 {
        %ge3A = arith.constant 2 : i32
        %ge3A_478 = arith.cmpi sge, %add3A_400, %ge3A : i32
        %convert_element_type3A_479 = arith.extui %ge3A_478 : i1 to i32
        %cond3A_480 = arith.constant 0 : i32
        %cond3A_481 = arith.cmpi ne, %convert_element_type3A_479, %cond3A_480 : i32
        scf.if %cond3A_481 {
          %sub3A = arith.constant 2 : i32
          %sub3A_512 = arith.subi %add3A_400, %sub3A : i32
          %add3A_513 = arith.addi %mul3A_2, %sub3A_512 : i32
          %dma_wait3A_514 = arith.constant 1 : i32
          %dma_wait3A_515 = arith.constant 1 : i32
          %dma_wait3A_516 = arith.constant 0 : i32
          %dma_wait3A_517 = arith.constant 0 : i32
          %dma_wait3A_518 = tpu.memref_slice %arg8[%dma_wait3A_514, %dma_wait3A_516, %dma_wait3A_517] : memref<4x200x64xf32, #tpu.memory_space<vmem>> -> memref<1x200x64xf32, #tpu.memory_space<vmem>>
          %dma_wait3A_519 = tpu.memref_squeeze %dma_wait3A_518 : memref<1x200x64xf32, #tpu.memory_space<vmem>> -> memref<200x64xf32, #tpu.memory_space<vmem>>
          %dma_wait3A_520 = arith.constant 0 : i32
          %dma_wait3A_521 = arith.constant 0 : i32
          %dma_wait3A_522 = tpu.memref_slice %arg5[%add3A_513, %dma_wait3A_520, %dma_wait3A_521] : memref<4096x200x64xf32, #tpu.memory_space<hbm>> -> memref<1x200x64xf32, #tpu.memory_space<hbm>>
          %dma_wait3A_523 = tpu.memref_squeeze %dma_wait3A_522 : memref<1x200x64xf32, #tpu.memory_space<hbm>> -> memref<200x64xf32, #tpu.memory_space<hbm>>
          %dma_wait3A_524 = tpu.memref_slice %arg10[%dma_wait3A_515] : memref<4x!tpu.dma_semaphore, #tpu.memory_space<semaphore_mem>> -> memref<1x!tpu.dma_semaphore, #tpu.memory_space<semaphore_mem>>
          %dma_wait3A_525 = tpu.memref_squeeze %dma_wait3A_524 : memref<1x!tpu.dma_semaphore, #tpu.memory_space<semaphore_mem>> -> memref<!tpu.dma_semaphore, #tpu.memory_space<semaphore_mem>>
          %dma_wait3A_526 = arith.constant 0 : i32
          %dma_wait3A_527 = arith.constant 0 : i32
          %dma_wait3A_528 = tpu.memref_slice %arg5[%add3A_513, %dma_wait3A_526, %dma_wait3A_527] : memref<4096x200x64xf32, #tpu.memory_space<hbm>> -> memref<1x200x64xf32, #tpu.memory_space<hbm>>
          %dma_wait3A_529 = tpu.memref_squeeze %dma_wait3A_528 : memref<1x200x64xf32, #tpu.memory_space<hbm>> -> memref<200x64xf32, #tpu.memory_space<hbm>>
          %dma_wait3A_530 = arith.constant 0 : i32
          %dma_wait3A_531 = arith.constant 0 : i32
          %dma_wait3A_532 = tpu.memref_slice %arg8[%dma_wait3A_514, %dma_wait3A_530, %dma_wait3A_531] : memref<4x200x64xf32, #tpu.memory_space<vmem>> -> memref<1x200x64xf32, #tpu.memory_space<vmem>>
          %dma_wait3A_533 = tpu.memref_squeeze %dma_wait3A_532 : memref<1x200x64xf32, #tpu.memory_space<vmem>> -> memref<200x64xf32, #tpu.memory_space<vmem>>
          tpu.wait_dma2 semaphore(%dma_wait3A_525 : memref<!tpu.dma_semaphore, #tpu.memory_space<semaphore_mem>>) src(%dma_wait3A_533 : memref<200x64xf32, #tpu.memory_space<vmem>>) dst(%dma_wait3A_529 : memref<200x64xf32, #tpu.memory_space<hbm>>)
        } else {
        }
        %add3A_482 = arith.constant 2 : i32
        %add3A_483 = arith.addi %add3A_400, %add3A_482 : i32
        %dma_start3A_484 = arith.constant 1 : i32
        %dma_start3A_485 = arith.constant 1 : i32
        %dma_start3A_486 = arith.constant 0 : i32
        %dma_start3A_487 = arith.constant 0 : i32
        %dma_start3A_488 = tpu.memref_slice %arg8[%dma_start3A_484, %dma_start3A_486, %dma_start3A_487] : memref<4x200x64xf32, #tpu.memory_space<vmem>> -> memref<1x128x64xf32, #tpu.memory_space<vmem>>
        %dma_start3A_489 = tpu.memref_squeeze %dma_start3A_488 : memref<1x128x64xf32, #tpu.memory_space<vmem>> -> memref<128x64xf32, #tpu.memory_space<vmem>>
        %dma_start3A_490 = arith.constant 0 : i32
        %dma_start3A_491 = tpu.memref_slice %arg6[%add3A_483, %dma_start3A_490] : memref<128x200xi32, #tpu.memory_space<vmem>> -> memref<1x128xi32, #tpu.memory_space<vmem>>
        %dma_start3A_492 = tpu.memref_squeeze %dma_start3A_491 : memref<1x128xi32, #tpu.memory_space<vmem>> -> memref<128xi32, #tpu.memory_space<vmem>>
        %dma_start3A_493 = arith.constant 0 : i32
        %dma_start3A_494 = arith.constant 0 : i32
        %dma_start3A_495 = tpu.memref_slice %arg4[%dma_start3A_493, %dma_start3A_494] : memref<1015808x64xf32, #tpu.memory_space<hbm>> -> memref<1015808x64xf32, #tpu.memory_space<hbm>>
        %dma_start3A_496 = tpu.memref_slice %arg9[%dma_start3A_485] : memref<4x!tpu.dma_semaphore, #tpu.memory_space<semaphore_mem>> -> memref<1x!tpu.dma_semaphore, #tpu.memory_space<semaphore_mem>>
        %dma_start3A_497 = tpu.memref_squeeze %dma_start3A_496 : memref<1x!tpu.dma_semaphore, #tpu.memory_space<semaphore_mem>> -> memref<!tpu.dma_semaphore, #tpu.memory_space<semaphore_mem>>
        tpu.enqueue_indirect_dma source(%dma_start3A_495 : memref<1015808x64xf32, #tpu.memory_space<hbm>>) target(%dma_start3A_489 : memref<128x64xf32, #tpu.memory_space<vmem>>) offsets(%dma_start3A_492 : memref<128xi32, #tpu.memory_space<vmem>>) semaphore(%dma_start3A_497 : memref<!tpu.dma_semaphore, #tpu.memory_space<semaphore_mem>>)
        %dma_start3A_498 = arith.constant 1 : i32
        %dma_start3A_499 = arith.constant 1 : i32
        %dma_start3A_500 = arith.constant 128 : i32
        %dma_start3A_501 = arith.constant 0 : i32
        %dma_start3A_502 = tpu.memref_slice %arg8[%dma_start3A_498, %dma_start3A_500, %dma_start3A_501] : memref<4x200x64xf32, #tpu.memory_space<vmem>> -> memref<1x72x64xf32, #tpu.memory_space<vmem>>
        %dma_start3A_503 = tpu.memref_squeeze %dma_start3A_502 : memref<1x72x64xf32, #tpu.memory_space<vmem>> -> memref<72x64xf32, #tpu.memory_space<vmem>>
        %dma_start3A_504 = arith.constant 128 : i32
        %dma_start3A_505 = tpu.memref_slice %arg6[%add3A_483, %dma_start3A_504] : memref<128x200xi32, #tpu.memory_space<vmem>> -> memref<1x72xi32, #tpu.memory_space<vmem>>
        %dma_start3A_506 = tpu.memref_squeeze %dma_start3A_505 : memref<1x72xi32, #tpu.memory_space<vmem>> -> memref<72xi32, #tpu.memory_space<vmem>>
        %dma_start3A_507 = arith.constant 0 : i32
        %dma_start3A_508 = arith.constant 0 : i32
        %dma_start3A_509 = tpu.memref_slice %arg4[%dma_start3A_507, %dma_start3A_508] : memref<1015808x64xf32, #tpu.memory_space<hbm>> -> memref<1015808x64xf32, #tpu.memory_space<hbm>>
        %dma_start3A_510 = tpu.memref_slice %arg9[%dma_start3A_499] : memref<4x!tpu.dma_semaphore, #tpu.memory_space<semaphore_mem>> -> memref<1x!tpu.dma_semaphore, #tpu.memory_space<semaphore_mem>>
        %dma_start3A_511 = tpu.memref_squeeze %dma_start3A_510 : memref<1x!tpu.dma_semaphore, #tpu.memory_space<semaphore_mem>> -> memref<!tpu.dma_semaphore, #tpu.memory_space<semaphore_mem>>
        tpu.enqueue_indirect_dma source(%dma_start3A_509 : memref<1015808x64xf32, #tpu.memory_space<hbm>>) target(%dma_start3A_503 : memref<72x64xf32, #tpu.memory_space<vmem>>) offsets(%dma_start3A_506 : memref<72xi32, #tpu.memory_space<vmem>>) semaphore(%dma_start3A_511 : memref<!tpu.dma_semaphore, #tpu.memory_space<semaphore_mem>>)
      } else {
      }
      %dma_wait3A_408 = arith.constant 3 : i32
      %dma_wait3A_409 = arith.constant 3 : i32
      %dma_wait3A_410 = arith.constant 0 : i32
      %dma_wait3A_411 = arith.constant 0 : i32
      %dma_wait3A_412 = tpu.memref_slice %arg8[%dma_wait3A_408, %dma_wait3A_410, %dma_wait3A_411] : memref<4x200x64xf32, #tpu.memory_space<vmem>> -> memref<1x128x64xf32, #tpu.memory_space<vmem>>
      %dma_wait3A_413 = tpu.memref_squeeze %dma_wait3A_412 : memref<1x128x64xf32, #tpu.memory_space<vmem>> -> memref<128x64xf32, #tpu.memory_space<vmem>>
      %dma_wait3A_414 = arith.constant 0 : i32
      %dma_wait3A_415 = tpu.memref_slice %arg6[%add3A_400, %dma_wait3A_414] : memref<128x200xi32, #tpu.memory_space<vmem>> -> memref<1x128xi32, #tpu.memory_space<vmem>>
      %dma_wait3A_416 = tpu.memref_squeeze %dma_wait3A_415 : memref<1x128xi32, #tpu.memory_space<vmem>> -> memref<128xi32, #tpu.memory_space<vmem>>
      %dma_wait3A_417 = arith.constant 0 : i32
      %dma_wait3A_418 = arith.constant 0 : i32
      %dma_wait3A_419 = tpu.memref_slice %arg4[%dma_wait3A_417, %dma_wait3A_418] : memref<1015808x64xf32, #tpu.memory_space<hbm>> -> memref<1015808x64xf32, #tpu.memory_space<hbm>>
      %dma_wait3A_420 = tpu.memref_slice %arg9[%dma_wait3A_409] : memref<4x!tpu.dma_semaphore, #tpu.memory_space<semaphore_mem>> -> memref<1x!tpu.dma_semaphore, #tpu.memory_space<semaphore_mem>>
      %dma_wait3A_421 = tpu.memref_squeeze %dma_wait3A_420 : memref<1x!tpu.dma_semaphore, #tpu.memory_space<semaphore_mem>> -> memref<!tpu.dma_semaphore, #tpu.memory_space<semaphore_mem>>
      tpu.wait_indirect_dma semaphore(%dma_wait3A_421 : memref<!tpu.dma_semaphore, #tpu.memory_space<semaphore_mem>>) src(%dma_wait3A_419 : memref<1015808x64xf32, #tpu.memory_space<hbm>>) dst(%dma_wait3A_413 : memref<128x64xf32, #tpu.memory_space<vmem>>)
      %dma_wait3A_422 = arith.constant 3 : i32
      %dma_wait3A_423 = arith.constant 3 : i32
      %dma_wait3A_424 = arith.constant 128 : i32
      %dma_wait3A_425 = arith.constant 0 : i32
      %dma_wait3A_426 = tpu.memref_slice %arg8[%dma_wait3A_422, %dma_wait3A_424, %dma_wait3A_425] : memref<4x200x64xf32, #tpu.memory_space<vmem>> -> memref<1x72x64xf32, #tpu.memory_space<vmem>>
      %dma_wait3A_427 = tpu.memref_squeeze %dma_wait3A_426 : memref<1x72x64xf32, #tpu.memory_space<vmem>> -> memref<72x64xf32, #tpu.memory_space<vmem>>
      %dma_wait3A_428 = arith.constant 128 : i32
      %dma_wait3A_429 = tpu.memref_slice %arg6[%add3A_400, %dma_wait3A_428] : memref<128x200xi32, #tpu.memory_space<vmem>> -> memref<1x72xi32, #tpu.memory_space<vmem>>
      %dma_wait3A_430 = tpu.memref_squeeze %dma_wait3A_429 : memref<1x72xi32, #tpu.memory_space<vmem>> -> memref<72xi32, #tpu.memory_space<vmem>>
      %dma_wait3A_431 = arith.constant 0 : i32
      %dma_wait3A_432 = arith.constant 0 : i32
      %dma_wait3A_433 = tpu.memref_slice %arg4[%dma_wait3A_431, %dma_wait3A_432] : memref<1015808x64xf32, #tpu.memory_space<hbm>> -> memref<1015808x64xf32, #tpu.memory_space<hbm>>
      %dma_wait3A_434 = tpu.memref_slice %arg9[%dma_wait3A_423] : memref<4x!tpu.dma_semaphore, #tpu.memory_space<semaphore_mem>> -> memref<1x!tpu.dma_semaphore, #tpu.memory_space<semaphore_mem>>
      %dma_wait3A_435 = tpu.memref_squeeze %dma_wait3A_434 : memref<1x!tpu.dma_semaphore, #tpu.memory_space<semaphore_mem>> -> memref<!tpu.dma_semaphore, #tpu.memory_space<semaphore_mem>>
      tpu.wait_indirect_dma semaphore(%dma_wait3A_435 : memref<!tpu.dma_semaphore, #tpu.memory_space<semaphore_mem>>) src(%dma_wait3A_433 : memref<1015808x64xf32, #tpu.memory_space<hbm>>) dst(%dma_wait3A_427 : memref<72x64xf32, #tpu.memory_space<vmem>>)
      %get3A_436 = arith.index_cast %add3A_400 : i32 to index
      %get3A_437 = arith.constant 0 : index
      %get3A_438 = tpu.vector_load %arg7[%get3A_436, %get3A_437] {strides = array<i32>} : memref<128x64xf32, #tpu.memory_space<vmem>>, vector<1x16xf32>,
      %get3A_439 = vector.shape_cast %get3A_438 : vector<1x16xf32> to vector<16xf32>
      %get3A_440 = arith.index_cast %add3A_400 : i32 to index
      %get3A_441 = arith.constant 16 : index
      %get3A_442 = tpu.vector_load %arg7[%get3A_440, %get3A_441] {strides = array<i32>} : memref<128x64xf32, #tpu.memory_space<vmem>>, vector<1x16xf32>,
      %get3A_443 = vector.shape_cast %get3A_442 : vector<1x16xf32> to vector<16xf32>
      %get3A_444 = arith.index_cast %add3A_400 : i32 to index
      %get3A_445 = arith.constant 32 : index
      %get3A_446 = tpu.vector_load %arg7[%get3A_444, %get3A_445] {strides = array<i32>} : memref<128x64xf32, #tpu.memory_space<vmem>>, vector<1x16xf32>,
      %get3A_447 = vector.shape_cast %get3A_446 : vector<1x16xf32> to vector<16xf32>
      %get3A_448 = arith.index_cast %add3A_400 : i32 to index
      %get3A_449 = arith.constant 48 : index
      %get3A_450 = tpu.vector_load %arg7[%get3A_448, %get3A_449] {strides = array<i32>} : memref<128x64xf32, #tpu.memory_space<vmem>>, vector<1x16xf32>,
      %get3A_451 = vector.shape_cast %get3A_450 : vector<1x16xf32> to vector<16xf32>
      %scan3A_452 = arith.constant 0 : i32
      %scan3A_453 = arith.constant 50 : i32
      %scan3A_454 = arith.addi %scan3A_452, %scan3A_453 : i32
      %scan3A_455 = arith.constant 1 : i32
      scf.for %scan3A_478 = %scan3A_452 to %scan3A_454 step %scan3A_455  : i32 {
        %mul3A_479 = arith.constant 1 : i32
        %mul3A_480 = arith.muli %scan3A_478, %mul3A_479 : i32
        %add3A_481 = arith.constant 0 : i32
        %add3A_482 = arith.addi %add3A_481, %mul3A_480 : i32
        %mul3A_483 = arith.constant 4 : i32
        %mul3A_484 = arith.muli %add3A_482, %mul3A_483 : i32
        %add3A_485 = arith.constant 0 : i32
        %add3A_486 = arith.addi %mul3A_484, %add3A_485 : i32
        %get3A_487 = arith.constant 3 : i32
        %get3A_488 = arith.index_cast %get3A_487 : i32 to index
        %get3A_489 = arith.index_cast %add3A_486 : i32 to index
        %get3A_490 = arith.constant 0 : index
        %get3A_491 = tpu.vector_load %arg8[%get3A_488, %get3A_489, %get3A_490] {strides = array<i32>} : memref<4x200x64xf32, #tpu.memory_space<vmem>>, vector<1x1x16xf32>,
        %get3A_492 = vector.shape_cast %get3A_491 : vector<1x1x16xf32> to vector<16xf32>
        %add3A_493 = arith.addf %get3A_492, %get3A_439 : vector<16xf32>
        %swap3A = arith.constant 3 : i32
        %swap3A_494 = arith.index_cast %swap3A : i32 to index
        %swap3A_495 = arith.index_cast %add3A_486 : i32 to index
        %swap3A_496 = arith.constant 0 : index
        %swap3A_497 = tpu.vector_load %arg8[%swap3A_494, %swap3A_495, %swap3A_496] {strides = array<i32>} : memref<4x200x64xf32, #tpu.memory_space<vmem>>, vector<1x1x16xf32>,
        %swap3A_498 = vector.shape_cast %swap3A_497 : vector<1x1x16xf32> to vector<16xf32>
        %swap3A_499 = vector.shape_cast %add3A_493 : vector<16xf32> to vector<1x1x16xf32>
        tpu.vector_store %arg8[%swap3A_494, %swap3A_495, %swap3A_496], %swap3A_499 {strides = array<i32>} : memref<4x200x64xf32, #tpu.memory_space<vmem>>, vector<1x1x16xf32>,
        %get3A_500 = arith.constant 3 : i32
        %get3A_501 = arith.index_cast %get3A_500 : i32 to index
        %get3A_502 = arith.index_cast %add3A_486 : i32 to index
        %get3A_503 = arith.constant 16 : index
        %get3A_504 = tpu.vector_load %arg8[%get3A_501, %get3A_502, %get3A_503] {strides = array<i32>} : memref<4x200x64xf32, #tpu.memory_space<vmem>>, vector<1x1x16xf32>,
        %get3A_505 = vector.shape_cast %get3A_504 : vector<1x1x16xf32> to vector<16xf32>
        %add3A_506 = arith.addf %get3A_505, %get3A_443 : vector<16xf32>
        %swap3A_507 = arith.constant 3 : i32
        %swap3A_508 = arith.index_cast %swap3A_507 : i32 to index
        %swap3A_509 = arith.index_cast %add3A_486 : i32 to index
        %swap3A_510 = arith.constant 16 : index
        %swap3A_511 = tpu.vector_load %arg8[%swap3A_508, %swap3A_509, %swap3A_510] {strides = array<i32>} : memref<4x200x64xf32, #tpu.memory_space<vmem>>, vector<1x1x16xf32>,
        %swap3A_512 = vector.shape_cast %swap3A_511 : vector<1x1x16xf32> to vector<16xf32>
        %swap3A_513 = vector.shape_cast %add3A_506 : vector<16xf32> to vector<1x1x16xf32>
        tpu.vector_store %arg8[%swap3A_508, %swap3A_509, %swap3A_510], %swap3A_513 {strides = array<i32>} : memref<4x200x64xf32, #tpu.memory_space<vmem>>, vector<1x1x16xf32>,
        %get3A_514 = arith.constant 3 : i32
        %get3A_515 = arith.index_cast %get3A_514 : i32 to index
        %get3A_516 = arith.index_cast %add3A_486 : i32 to index
        %get3A_517 = arith.constant 32 : index
        %get3A_518 = tpu.vector_load %arg8[%get3A_515, %get3A_516, %get3A_517] {strides = array<i32>} : memref<4x200x64xf32, #tpu.memory_space<vmem>>, vector<1x1x16xf32>,
        %get3A_519 = vector.shape_cast %get3A_518 : vector<1x1x16xf32> to vector<16xf32>
        %add3A_520 = arith.addf %get3A_519, %get3A_447 : vector<16xf32>
        %swap3A_521 = arith.constant 3 : i32
        %swap3A_522 = arith.index_cast %swap3A_521 : i32 to index
        %swap3A_523 = arith.index_cast %add3A_486 : i32 to index
        %swap3A_524 = arith.constant 32 : index
        %swap3A_525 = tpu.vector_load %arg8[%swap3A_522, %swap3A_523, %swap3A_524] {strides = array<i32>} : memref<4x200x64xf32, #tpu.memory_space<vmem>>, vector<1x1x16xf32>,
        %swap3A_526 = vector.shape_cast %swap3A_525 : vector<1x1x16xf32> to vector<16xf32>
        %swap3A_527 = vector.shape_cast %add3A_520 : vector<16xf32> to vector<1x1x16xf32>
        tpu.vector_store %arg8[%swap3A_522, %swap3A_523, %swap3A_524], %swap3A_527 {strides = array<i32>} : memref<4x200x64xf32, #tpu.memory_space<vmem>>, vector<1x1x16xf32>,
        %get3A_528 = arith.constant 3 : i32
        %get3A_529 = arith.index_cast %get3A_528 : i32 to index
        %get3A_530 = arith.index_cast %add3A_486 : i32 to index
        %get3A_531 = arith.constant 48 : index
        %get3A_532 = tpu.vector_load %arg8[%get3A_529, %get3A_530, %get3A_531] {strides = array<i32>} : memref<4x200x64xf32, #tpu.memory_space<vmem>>, vector<1x1x16xf32>,
        %get3A_533 = vector.shape_cast %get3A_532 : vector<1x1x16xf32> to vector<16xf32>
        %add3A_534 = arith.addf %get3A_533, %get3A_451 : vector<16xf32>
        %swap3A_535 = arith.constant 3 : i32
        %swap3A_536 = arith.index_cast %swap3A_535 : i32 to index
        %swap3A_537 = arith.index_cast %add3A_486 : i32 to index
        %swap3A_538 = arith.constant 48 : index
        %swap3A_539 = tpu.vector_load %arg8[%swap3A_536, %swap3A_537, %swap3A_538] {strides = array<i32>} : memref<4x200x64xf32, #tpu.memory_space<vmem>>, vector<1x1x16xf32>,
        %swap3A_540 = vector.shape_cast %swap3A_539 : vector<1x1x16xf32> to vector<16xf32>
        %swap3A_541 = vector.shape_cast %add3A_534 : vector<16xf32> to vector<1x1x16xf32>
        tpu.vector_store %arg8[%swap3A_536, %swap3A_537, %swap3A_538], %swap3A_541 {strides = array<i32>} : memref<4x200x64xf32, #tpu.memory_space<vmem>>, vector<1x1x16xf32>,
        %mul3A_542 = arith.constant 4 : i32
        %mul3A_543 = arith.muli %add3A_482, %mul3A_542 : i32
        %add3A_544 = arith.constant 1 : i32
        %add3A_545 = arith.addi %mul3A_543, %add3A_544 : i32
        %get3A_546 = arith.constant 3 : i32
        %get3A_547 = arith.index_cast %get3A_546 : i32 to index
        %get3A_548 = arith.index_cast %add3A_545 : i32 to index
        %get3A_549 = arith.constant 0 : index
        %get3A_550 = tpu.vector_load %arg8[%get3A_547, %get3A_548, %get3A_549] {strides = array<i32>} : memref<4x200x64xf32, #tpu.memory_space<vmem>>, vector<1x1x16xf32>,
        %get3A_551 = vector.shape_cast %get3A_550 : vector<1x1x16xf32> to vector<16xf32>
        %add3A_552 = arith.addf %get3A_551, %get3A_439 : vector<16xf32>
        %swap3A_553 = arith.constant 3 : i32
        %swap3A_554 = arith.index_cast %swap3A_553 : i32 to index
        %swap3A_555 = arith.index_cast %add3A_545 : i32 to index
        %swap3A_556 = arith.constant 0 : index
        %swap3A_557 = tpu.vector_load %arg8[%swap3A_554, %swap3A_555, %swap3A_556] {strides = array<i32>} : memref<4x200x64xf32, #tpu.memory_space<vmem>>, vector<1x1x16xf32>,
        %swap3A_558 = vector.shape_cast %swap3A_557 : vector<1x1x16xf32> to vector<16xf32>
        %swap3A_559 = vector.shape_cast %add3A_552 : vector<16xf32> to vector<1x1x16xf32>
        tpu.vector_store %arg8[%swap3A_554, %swap3A_555, %swap3A_556], %swap3A_559 {strides = array<i32>} : memref<4x200x64xf32, #tpu.memory_space<vmem>>, vector<1x1x16xf32>,
        %get3A_560 = arith.constant 3 : i32
        %get3A_561 = arith.index_cast %get3A_560 : i32 to index
        %get3A_562 = arith.index_cast %add3A_545 : i32 to index
        %get3A_563 = arith.constant 16 : index
        %get3A_564 = tpu.vector_load %arg8[%get3A_561, %get3A_562, %get3A_563] {strides = array<i32>} : memref<4x200x64xf32, #tpu.memory_space<vmem>>, vector<1x1x16xf32>,
        %get3A_565 = vector.shape_cast %get3A_564 : vector<1x1x16xf32> to vector<16xf32>
        %add3A_566 = arith.addf %get3A_565, %get3A_443 : vector<16xf32>
        %swap3A_567 = arith.constant 3 : i32
        %swap3A_568 = arith.index_cast %swap3A_567 : i32 to index
        %swap3A_569 = arith.index_cast %add3A_545 : i32 to index
        %swap3A_570 = arith.constant 16 : index
        %swap3A_571 = tpu.vector_load %arg8[%swap3A_568, %swap3A_569, %swap3A_570] {strides = array<i32>} : memref<4x200x64xf32, #tpu.memory_space<vmem>>, vector<1x1x16xf32>,
        %swap3A_572 = vector.shape_cast %swap3A_571 : vector<1x1x16xf32> to vector<16xf32>
        %swap3A_573 = vector.shape_cast %add3A_566 : vector<16xf32> to vector<1x1x16xf32>
        tpu.vector_store %arg8[%swap3A_568, %swap3A_569, %swap3A_570], %swap3A_573 {strides = array<i32>} : memref<4x200x64xf32, #tpu.memory_space<vmem>>, vector<1x1x16xf32>,
        %get3A_574 = arith.constant 3 : i32
        %get3A_575 = arith.index_cast %get3A_574 : i32 to index
        %get3A_576 = arith.index_cast %add3A_545 : i32 to index
        %get3A_577 = arith.constant 32 : index
        %get3A_578 = tpu.vector_load %arg8[%get3A_575, %get3A_576, %get3A_577] {strides = array<i32>} : memref<4x200x64xf32, #tpu.memory_space<vmem>>, vector<1x1x16xf32>,
        %get3A_579 = vector.shape_cast %get3A_578 : vector<1x1x16xf32> to vector<16xf32>
        %add3A_580 = arith.addf %get3A_579, %get3A_447 : vector<16xf32>
        %swap3A_581 = arith.constant 3 : i32
        %swap3A_582 = arith.index_cast %swap3A_581 : i32 to index
        %swap3A_583 = arith.index_cast %add3A_545 : i32 to index
        %swap3A_584 = arith.constant 32 : index
        %swap3A_585 = tpu.vector_load %arg8[%swap3A_582, %swap3A_583, %swap3A_584] {strides = array<i32>} : memref<4x200x64xf32, #tpu.memory_space<vmem>>, vector<1x1x16xf32>,
        %swap3A_586 = vector.shape_cast %swap3A_585 : vector<1x1x16xf32> to vector<16xf32>
        %swap3A_587 = vector.shape_cast %add3A_580 : vector<16xf32> to vector<1x1x16xf32>
        tpu.vector_store %arg8[%swap3A_582, %swap3A_583, %swap3A_584], %swap3A_587 {strides = array<i32>} : memref<4x200x64xf32, #tpu.memory_space<vmem>>, vector<1x1x16xf32>,
        %get3A_588 = arith.constant 3 : i32
        %get3A_589 = arith.index_cast %get3A_588 : i32 to index
        %get3A_590 = arith.index_cast %add3A_545 : i32 to index
        %get3A_591 = arith.constant 48 : index
        %get3A_592 = tpu.vector_load %arg8[%get3A_589, %get3A_590, %get3A_591] {strides = array<i32>} : memref<4x200x64xf32, #tpu.memory_space<vmem>>, vector<1x1x16xf32>,
        %get3A_593 = vector.shape_cast %get3A_592 : vector<1x1x16xf32> to vector<16xf32>
        %add3A_594 = arith.addf %get3A_593, %get3A_451 : vector<16xf32>
        %swap3A_595 = arith.constant 3 : i32
        %swap3A_596 = arith.index_cast %swap3A_595 : i32 to index
        %swap3A_597 = arith.index_cast %add3A_545 : i32 to index
        %swap3A_598 = arith.constant 48 : index
        %swap3A_599 = tpu.vector_load %arg8[%swap3A_596, %swap3A_597, %swap3A_598] {strides = array<i32>} : memref<4x200x64xf32, #tpu.memory_space<vmem>>, vector<1x1x16xf32>,
        %swap3A_600 = vector.shape_cast %swap3A_599 : vector<1x1x16xf32> to vector<16xf32>
        %swap3A_601 = vector.shape_cast %add3A_594 : vector<16xf32> to vector<1x1x16xf32>
        tpu.vector_store %arg8[%swap3A_596, %swap3A_597, %swap3A_598], %swap3A_601 {strides = array<i32>} : memref<4x200x64xf32, #tpu.memory_space<vmem>>, vector<1x1x16xf32>,
        %mul3A_602 = arith.constant 4 : i32
        %mul3A_603 = arith.muli %add3A_482, %mul3A_602 : i32
        %add3A_604 = arith.constant 2 : i32
        %add3A_605 = arith.addi %mul3A_603, %add3A_604 : i32
        %get3A_606 = arith.constant 3 : i32
        %get3A_607 = arith.index_cast %get3A_606 : i32 to index
        %get3A_608 = arith.index_cast %add3A_605 : i32 to index
        %get3A_609 = arith.constant 0 : index
        %get3A_610 = tpu.vector_load %arg8[%get3A_607, %get3A_608, %get3A_609] {strides = array<i32>} : memref<4x200x64xf32, #tpu.memory_space<vmem>>, vector<1x1x16xf32>,
        %get3A_611 = vector.shape_cast %get3A_610 : vector<1x1x16xf32> to vector<16xf32>
        %add3A_612 = arith.addf %get3A_611, %get3A_439 : vector<16xf32>
        %swap3A_613 = arith.constant 3 : i32
        %swap3A_614 = arith.index_cast %swap3A_613 : i32 to index
        %swap3A_615 = arith.index_cast %add3A_605 : i32 to index
        %swap3A_616 = arith.constant 0 : index
        %swap3A_617 = tpu.vector_load %arg8[%swap3A_614, %swap3A_615, %swap3A_616] {strides = array<i32>} : memref<4x200x64xf32, #tpu.memory_space<vmem>>, vector<1x1x16xf32>,
        %swap3A_618 = vector.shape_cast %swap3A_617 : vector<1x1x16xf32> to vector<16xf32>
        %swap3A_619 = vector.shape_cast %add3A_612 : vector<16xf32> to vector<1x1x16xf32>
        tpu.vector_store %arg8[%swap3A_614, %swap3A_615, %swap3A_616], %swap3A_619 {strides = array<i32>} : memref<4x200x64xf32, #tpu.memory_space<vmem>>, vector<1x1x16xf32>,
        %get3A_620 = arith.constant 3 : i32
        %get3A_621 = arith.index_cast %get3A_620 : i32 to index
        %get3A_622 = arith.index_cast %add3A_605 : i32 to index
        %get3A_623 = arith.constant 16 : index
        %get3A_624 = tpu.vector_load %arg8[%get3A_621, %get3A_622, %get3A_623] {strides = array<i32>} : memref<4x200x64xf32, #tpu.memory_space<vmem>>, vector<1x1x16xf32>,
        %get3A_625 = vector.shape_cast %get3A_624 : vector<1x1x16xf32> to vector<16xf32>
        %add3A_626 = arith.addf %get3A_625, %get3A_443 : vector<16xf32>
        %swap3A_627 = arith.constant 3 : i32
        %swap3A_628 = arith.index_cast %swap3A_627 : i32 to index
        %swap3A_629 = arith.index_cast %add3A_605 : i32 to index
        %swap3A_630 = arith.constant 16 : index
        %swap3A_631 = tpu.vector_load %arg8[%swap3A_628, %swap3A_629, %swap3A_630] {strides = array<i32>} : memref<4x200x64xf32, #tpu.memory_space<vmem>>, vector<1x1x16xf32>,
        %swap3A_632 = vector.shape_cast %swap3A_631 : vector<1x1x16xf32> to vector<16xf32>
        %swap3A_633 = vector.shape_cast %add3A_626 : vector<16xf32> to vector<1x1x16xf32>
        tpu.vector_store %arg8[%swap3A_628, %swap3A_629, %swap3A_630], %swap3A_633 {strides = array<i32>} : memref<4x200x64xf32, #tpu.memory_space<vmem>>, vector<1x1x16xf32>,
        %get3A_634 = arith.constant 3 : i32
        %get3A_635 = arith.index_cast %get3A_634 : i32 to index
        %get3A_636 = arith.index_cast %add3A_605 : i32 to index
        %get3A_637 = arith.constant 32 : index
        %get3A_638 = tpu.vector_load %arg8[%get3A_635, %get3A_636, %get3A_637] {strides = array<i32>} : memref<4x200x64xf32, #tpu.memory_space<vmem>>, vector<1x1x16xf32>,
        %get3A_639 = vector.shape_cast %get3A_638 : vector<1x1x16xf32> to vector<16xf32>
        %add3A_640 = arith.addf %get3A_639, %get3A_447 : vector<16xf32>
        %swap3A_641 = arith.constant 3 : i32
        %swap3A_642 = arith.index_cast %swap3A_641 : i32 to index
        %swap3A_643 = arith.index_cast %add3A_605 : i32 to index
        %swap3A_644 = arith.constant 32 : index
        %swap3A_645 = tpu.vector_load %arg8[%swap3A_642, %swap3A_643, %swap3A_644] {strides = array<i32>} : memref<4x200x64xf32, #tpu.memory_space<vmem>>, vector<1x1x16xf32>,
        %swap3A_646 = vector.shape_cast %swap3A_645 : vector<1x1x16xf32> to vector<16xf32>
        %swap3A_647 = vector.shape_cast %add3A_640 : vector<16xf32> to vector<1x1x16xf32>
        tpu.vector_store %arg8[%swap3A_642, %swap3A_643, %swap3A_644], %swap3A_647 {strides = array<i32>} : memref<4x200x64xf32, #tpu.memory_space<vmem>>, vector<1x1x16xf32>,
        %get3A_648 = arith.constant 3 : i32
        %get3A_649 = arith.index_cast %get3A_648 : i32 to index
        %get3A_650 = arith.index_cast %add3A_605 : i32 to index
        %get3A_651 = arith.constant 48 : index
        %get3A_652 = tpu.vector_load %arg8[%get3A_649, %get3A_650, %get3A_651] {strides = array<i32>} : memref<4x200x64xf32, #tpu.memory_space<vmem>>, vector<1x1x16xf32>,
        %get3A_653 = vector.shape_cast %get3A_652 : vector<1x1x16xf32> to vector<16xf32>
        %add3A_654 = arith.addf %get3A_653, %get3A_451 : vector<16xf32>
        %swap3A_655 = arith.constant 3 : i32
        %swap3A_656 = arith.index_cast %swap3A_655 : i32 to index
        %swap3A_657 = arith.index_cast %add3A_605 : i32 to index
        %swap3A_658 = arith.constant 48 : index
        %swap3A_659 = tpu.vector_load %arg8[%swap3A_656, %swap3A_657, %swap3A_658] {strides = array<i32>} : memref<4x200x64xf32, #tpu.memory_space<vmem>>, vector<1x1x16xf32>,
        %swap3A_660 = vector.shape_cast %swap3A_659 : vector<1x1x16xf32> to vector<16xf32>
        %swap3A_661 = vector.shape_cast %add3A_654 : vector<16xf32> to vector<1x1x16xf32>
        tpu.vector_store %arg8[%swap3A_656, %swap3A_657, %swap3A_658], %swap3A_661 {strides = array<i32>} : memref<4x200x64xf32, #tpu.memory_space<vmem>>, vector<1x1x16xf32>,
        %mul3A_662 = arith.constant 4 : i32
        %mul3A_663 = arith.muli %add3A_482, %mul3A_662 : i32
        %add3A_664 = arith.constant 3 : i32
        %add3A_665 = arith.addi %mul3A_663, %add3A_664 : i32
        %get3A_666 = arith.constant 3 : i32
        %get3A_667 = arith.index_cast %get3A_666 : i32 to index
        %get3A_668 = arith.index_cast %add3A_665 : i32 to index
        %get3A_669 = arith.constant 0 : index
        %get3A_670 = tpu.vector_load %arg8[%get3A_667, %get3A_668, %get3A_669] {strides = array<i32>} : memref<4x200x64xf32, #tpu.memory_space<vmem>>, vector<1x1x16xf32>,
        %get3A_671 = vector.shape_cast %get3A_670 : vector<1x1x16xf32> to vector<16xf32>
        %add3A_672 = arith.addf %get3A_671, %get3A_439 : vector<16xf32>
        %swap3A_673 = arith.constant 3 : i32
        %swap3A_674 = arith.index_cast %swap3A_673 : i32 to index
        %swap3A_675 = arith.index_cast %add3A_665 : i32 to index
        %swap3A_676 = arith.constant 0 : index
        %swap3A_677 = tpu.vector_load %arg8[%swap3A_674, %swap3A_675, %swap3A_676] {strides = array<i32>} : memref<4x200x64xf32, #tpu.memory_space<vmem>>, vector<1x1x16xf32>,
        %swap3A_678 = vector.shape_cast %swap3A_677 : vector<1x1x16xf32> to vector<16xf32>
        %swap3A_679 = vector.shape_cast %add3A_672 : vector<16xf32> to vector<1x1x16xf32>
        tpu.vector_store %arg8[%swap3A_674, %swap3A_675, %swap3A_676], %swap3A_679 {strides = array<i32>} : memref<4x200x64xf32, #tpu.memory_space<vmem>>, vector<1x1x16xf32>,
        %get3A_680 = arith.constant 3 : i32
        %get3A_681 = arith.index_cast %get3A_680 : i32 to index
        %get3A_682 = arith.index_cast %add3A_665 : i32 to index
        %get3A_683 = arith.constant 16 : index
        %get3A_684 = tpu.vector_load %arg8[%get3A_681, %get3A_682, %get3A_683] {strides = array<i32>} : memref<4x200x64xf32, #tpu.memory_space<vmem>>, vector<1x1x16xf32>,
        %get3A_685 = vector.shape_cast %get3A_684 : vector<1x1x16xf32> to vector<16xf32>
        %add3A_686 = arith.addf %get3A_685, %get3A_443 : vector<16xf32>
        %swap3A_687 = arith.constant 3 : i32
        %swap3A_688 = arith.index_cast %swap3A_687 : i32 to index
        %swap3A_689 = arith.index_cast %add3A_665 : i32 to index
        %swap3A_690 = arith.constant 16 : index
        %swap3A_691 = tpu.vector_load %arg8[%swap3A_688, %swap3A_689, %swap3A_690] {strides = array<i32>} : memref<4x200x64xf32, #tpu.memory_space<vmem>>, vector<1x1x16xf32>,
        %swap3A_692 = vector.shape_cast %swap3A_691 : vector<1x1x16xf32> to vector<16xf32>
        %swap3A_693 = vector.shape_cast %add3A_686 : vector<16xf32> to vector<1x1x16xf32>
        tpu.vector_store %arg8[%swap3A_688, %swap3A_689, %swap3A_690], %swap3A_693 {strides = array<i32>} : memref<4x200x64xf32, #tpu.memory_space<vmem>>, vector<1x1x16xf32>,
        %get3A_694 = arith.constant 3 : i32
        %get3A_695 = arith.index_cast %get3A_694 : i32 to index
        %get3A_696 = arith.index_cast %add3A_665 : i32 to index
        %get3A_697 = arith.constant 32 : index
        %get3A_698 = tpu.vector_load %arg8[%get3A_695, %get3A_696, %get3A_697] {strides = array<i32>} : memref<4x200x64xf32, #tpu.memory_space<vmem>>, vector<1x1x16xf32>,
        %get3A_699 = vector.shape_cast %get3A_698 : vector<1x1x16xf32> to vector<16xf32>
        %add3A_700 = arith.addf %get3A_699, %get3A_447 : vector<16xf32>
        %swap3A_701 = arith.constant 3 : i32
        %swap3A_702 = arith.index_cast %swap3A_701 : i32 to index
        %swap3A_703 = arith.index_cast %add3A_665 : i32 to index
        %swap3A_704 = arith.constant 32 : index
        %swap3A_705 = tpu.vector_load %arg8[%swap3A_702, %swap3A_703, %swap3A_704] {strides = array<i32>} : memref<4x200x64xf32, #tpu.memory_space<vmem>>, vector<1x1x16xf32>,
        %swap3A_706 = vector.shape_cast %swap3A_705 : vector<1x1x16xf32> to vector<16xf32>
        %swap3A_707 = vector.shape_cast %add3A_700 : vector<16xf32> to vector<1x1x16xf32>
        tpu.vector_store %arg8[%swap3A_702, %swap3A_703, %swap3A_704], %swap3A_707 {strides = array<i32>} : memref<4x200x64xf32, #tpu.memory_space<vmem>>, vector<1x1x16xf32>,
        %get3A_708 = arith.constant 3 : i32
        %get3A_709 = arith.index_cast %get3A_708 : i32 to index
        %get3A_710 = arith.index_cast %add3A_665 : i32 to index
        %get3A_711 = arith.constant 48 : index
        %get3A_712 = tpu.vector_load %arg8[%get3A_709, %get3A_710, %get3A_711] {strides = array<i32>} : memref<4x200x64xf32, #tpu.memory_space<vmem>>, vector<1x1x16xf32>,
        %get3A_713 = vector.shape_cast %get3A_712 : vector<1x1x16xf32> to vector<16xf32>
        %add3A_714 = arith.addf %get3A_713, %get3A_451 : vector<16xf32>
        %swap3A_715 = arith.constant 3 : i32
        %swap3A_716 = arith.index_cast %swap3A_715 : i32 to index
        %swap3A_717 = arith.index_cast %add3A_665 : i32 to index
        %swap3A_718 = arith.constant 48 : index
        %swap3A_719 = tpu.vector_load %arg8[%swap3A_716, %swap3A_717, %swap3A_718] {strides = array<i32>} : memref<4x200x64xf32, #tpu.memory_space<vmem>>, vector<1x1x16xf32>,
        %swap3A_720 = vector.shape_cast %swap3A_719 : vector<1x1x16xf32> to vector<16xf32>
        %swap3A_721 = vector.shape_cast %add3A_714 : vector<16xf32> to vector<1x1x16xf32>
        tpu.vector_store %arg8[%swap3A_716, %swap3A_717, %swap3A_718], %swap3A_721 {strides = array<i32>} : memref<4x200x64xf32, #tpu.memory_space<vmem>>, vector<1x1x16xf32>,
      }
      %scan3A_456 = arith.constant 50 : i32
      %add3A_457 = arith.addi %mul3A_2, %add3A_400 : i32
      %dma_start3A_458 = arith.constant 3 : i32
      %dma_start3A_459 = arith.constant 3 : i32
      %dma_start3A_460 = arith.constant 0 : i32
      %dma_start3A_461 = arith.constant 0 : i32
      %dma_start3A_462 = tpu.memref_slice %arg8[%dma_start3A_458, %dma_start3A_460, %dma_start3A_461] : memref<4x200x64xf32, #tpu.memory_space<vmem>> -> memref<1x200x64xf32, #tpu.memory_space<vmem>>
      %dma_start3A_463 = tpu.memref_squeeze %dma_start3A_462 : memref<1x200x64xf32, #tpu.memory_space<vmem>> -> memref<200x64xf32, #tpu.memory_space<vmem>>
      %dma_start3A_464 = arith.constant 0 : i32
      %dma_start3A_465 = arith.constant 0 : i32
      %dma_start3A_466 = tpu.memref_slice %arg5[%add3A_457, %dma_start3A_464, %dma_start3A_465] : memref<4096x200x64xf32, #tpu.memory_space<hbm>> -> memref<1x200x64xf32, #tpu.memory_space<hbm>>
      %dma_start3A_467 = tpu.memref_squeeze %dma_start3A_466 : memref<1x200x64xf32, #tpu.memory_space<hbm>> -> memref<200x64xf32, #tpu.memory_space<hbm>>
      %dma_start3A_468 = tpu.memref_slice %arg10[%dma_start3A_459] : memref<4x!tpu.dma_semaphore, #tpu.memory_space<semaphore_mem>> -> memref<1x!tpu.dma_semaphore, #tpu.memory_space<semaphore_mem>>
      %dma_start3A_469 = tpu.memref_squeeze %dma_start3A_468 : memref<1x!tpu.dma_semaphore, #tpu.memory_space<semaphore_mem>> -> memref<!tpu.dma_semaphore, #tpu.memory_space<semaphore_mem>>
      %dma_start3A_470 = arith.constant 0 : i32
      %dma_start3A_471 = arith.constant 0 : i32
      %dma_start3A_472 = tpu.memref_slice %arg5[%add3A_457, %dma_start3A_470, %dma_start3A_471] : memref<4096x200x64xf32, #tpu.memory_space<hbm>> -> memref<1x200x64xf32, #tpu.memory_space<hbm>>
      %dma_start3A_473 = tpu.memref_squeeze %dma_start3A_472 : memref<1x200x64xf32, #tpu.memory_space<hbm>> -> memref<200x64xf32, #tpu.memory_space<hbm>>
      %dma_start3A_474 = arith.constant 0 : i32
      %dma_start3A_475 = arith.constant 0 : i32
      %dma_start3A_476 = tpu.memref_slice %arg8[%dma_start3A_458, %dma_start3A_474, %dma_start3A_475] : memref<4x200x64xf32, #tpu.memory_space<vmem>> -> memref<1x200x64xf32, #tpu.memory_space<vmem>>
      %dma_start3A_477 = tpu.memref_squeeze %dma_start3A_476 : memref<1x200x64xf32, #tpu.memory_space<vmem>> -> memref<200x64xf32, #tpu.memory_space<vmem>>
      tpu.enqueue_dma source(%dma_start3A_477 : memref<200x64xf32, #tpu.memory_space<vmem>>) target(%dma_start3A_473 : memref<200x64xf32, #tpu.memory_space<hbm>>) target_semaphore(%dma_start3A_469 : memref<!tpu.dma_semaphore, #tpu.memory_space<semaphore_mem>>)
    }
    %scan3A_65 = arith.constant 32 : i32
    %add3A_66 = arith.constant 124 : i32
    %add3A_67 = arith.addi %mul3A_2, %add3A_66 : i32
    %dma_wait3A = arith.constant 0 : i32
    %dma_wait3A_68 = arith.constant 0 : i32
    %dma_wait3A_69 = arith.constant 0 : i32
    %dma_wait3A_70 = arith.constant 0 : i32
    %dma_wait3A_71 = tpu.memref_slice %arg8[%dma_wait3A, %dma_wait3A_69, %dma_wait3A_70] : memref<4x200x64xf32, #tpu.memory_space<vmem>> -> memref<1x200x64xf32, #tpu.memory_space<vmem>>
    %dma_wait3A_72 = tpu.memref_squeeze %dma_wait3A_71 : memref<1x200x64xf32, #tpu.memory_space<vmem>> -> memref<200x64xf32, #tpu.memory_space<vmem>>
    %dma_wait3A_73 = arith.constant 0 : i32
    %dma_wait3A_74 = arith.constant 0 : i32
    %dma_wait3A_75 = tpu.memref_slice %arg5[%add3A_67, %dma_wait3A_73, %dma_wait3A_74] : memref<4096x200x64xf32, #tpu.memory_space<hbm>> -> memref<1x200x64xf32, #tpu.memory_space<hbm>>
    %dma_wait3A_76 = tpu.memref_squeeze %dma_wait3A_75 : memref<1x200x64xf32, #tpu.memory_space<hbm>> -> memref<200x64xf32, #tpu.memory_space<hbm>>
    %dma_wait3A_77 = tpu.memref_slice %arg10[%dma_wait3A_68] : memref<4x!tpu.dma_semaphore, #tpu.memory_space<semaphore_mem>> -> memref<1x!tpu.dma_semaphore, #tpu.memory_space<semaphore_mem>>
    %dma_wait3A_78 = tpu.memref_squeeze %dma_wait3A_77 : memref<1x!tpu.dma_semaphore, #tpu.memory_space<semaphore_mem>> -> memref<!tpu.dma_semaphore, #tpu.memory_space<semaphore_mem>>
    %dma_wait3A_79 = arith.constant 0 : i32
    %dma_wait3A_80 = arith.constant 0 : i32
    %dma_wait3A_81 = tpu.memref_slice %arg5[%add3A_67, %dma_wait3A_79, %dma_wait3A_80] : memref<4096x200x64xf32, #tpu.memory_space<hbm>> -> memref<1x200x64xf32, #tpu.memory_space<hbm>>
    %dma_wait3A_82 = tpu.memref_squeeze %dma_wait3A_81 : memref<1x200x64xf32, #tpu.memory_space<hbm>> -> memref<200x64xf32, #tpu.memory_space<hbm>>
    %dma_wait3A_83 = arith.constant 0 : i32
    %dma_wait3A_84 = arith.constant 0 : i32
    %dma_wait3A_85 = tpu.memref_slice %arg8[%dma_wait3A, %dma_wait3A_83, %dma_wait3A_84] : memref<4x200x64xf32, #tpu.memory_space<vmem>> -> memref<1x200x64xf32, #tpu.memory_space<vmem>>
    %dma_wait3A_86 = tpu.memref_squeeze %dma_wait3A_85 : memref<1x200x64xf32, #tpu.memory_space<vmem>> -> memref<200x64xf32, #tpu.memory_space<vmem>>
    tpu.wait_dma2 semaphore(%dma_wait3A_78 : memref<!tpu.dma_semaphore, #tpu.memory_space<semaphore_mem>>) src(%dma_wait3A_86 : memref<200x64xf32, #tpu.memory_space<vmem>>) dst(%dma_wait3A_82 : memref<200x64xf32, #tpu.memory_space<hbm>>)
    %add3A_87 = arith.constant 125 : i32
    %add3A_88 = arith.addi %mul3A_2, %add3A_87 : i32
    %dma_wait3A_89 = arith.constant 1 : i32
    %dma_wait3A_90 = arith.constant 1 : i32
    %dma_wait3A_91 = arith.constant 0 : i32
    %dma_wait3A_92 = arith.constant 0 : i32
    %dma_wait3A_93 = tpu.memref_slice %arg8[%dma_wait3A_89, %dma_wait3A_91, %dma_wait3A_92] : memref<4x200x64xf32, #tpu.memory_space<vmem>> -> memref<1x200x64xf32, #tpu.memory_space<vmem>>
    %dma_wait3A_94 = tpu.memref_squeeze %dma_wait3A_93 : memref<1x200x64xf32, #tpu.memory_space<vmem>> -> memref<200x64xf32, #tpu.memory_space<vmem>>
    %dma_wait3A_95 = arith.constant 0 : i32
    %dma_wait3A_96 = arith.constant 0 : i32
    %dma_wait3A_97 = tpu.memref_slice %arg5[%add3A_88, %dma_wait3A_95, %dma_wait3A_96] : memref<4096x200x64xf32, #tpu.memory_space<hbm>> -> memref<1x200x64xf32, #tpu.memory_space<hbm>>
    %dma_wait3A_98 = tpu.memref_squeeze %dma_wait3A_97 : memref<1x200x64xf32, #tpu.memory_space<hbm>> -> memref<200x64xf32, #tpu.memory_space<hbm>>
    %dma_wait3A_99 = tpu.memref_slice %arg10[%dma_wait3A_90] : memref<4x!tpu.dma_semaphore, #tpu.memory_space<semaphore_mem>> -> memref<1x!tpu.dma_semaphore, #tpu.memory_space<semaphore_mem>>
    %dma_wait3A_100 = tpu.memref_squeeze %dma_wait3A_99 : memref<1x!tpu.dma_semaphore, #tpu.memory_space<semaphore_mem>> -> memref<!tpu.dma_semaphore, #tpu.memory_space<semaphore_mem>>
    %dma_wait3A_101 = arith.constant 0 : i32
    %dma_wait3A_102 = arith.constant 0 : i32
    %dma_wait3A_103 = tpu.memref_slice %arg5[%add3A_88, %dma_wait3A_101, %dma_wait3A_102] : memref<4096x200x64xf32, #tpu.memory_space<hbm>> -> memref<1x200x64xf32, #tpu.memory_space<hbm>>
    %dma_wait3A_104 = tpu.memref_squeeze %dma_wait3A_103 : memref<1x200x64xf32, #tpu.memory_space<hbm>> -> memref<200x64xf32, #tpu.memory_space<hbm>>
    %dma_wait3A_105 = arith.constant 0 : i32
    %dma_wait3A_106 = arith.constant 0 : i32
    %dma_wait3A_107 = tpu.memref_slice %arg8[%dma_wait3A_89, %dma_wait3A_105, %dma_wait3A_106] : memref<4x200x64xf32, #tpu.memory_space<vmem>> -> memref<1x200x64xf32, #tpu.memory_space<vmem>>
    %dma_wait3A_108 = tpu.memref_squeeze %dma_wait3A_107 : memref<1x200x64xf32, #tpu.memory_space<vmem>> -> memref<200x64xf32, #tpu.memory_space<vmem>>
    tpu.wait_dma2 semaphore(%dma_wait3A_100 : memref<!tpu.dma_semaphore, #tpu.memory_space<semaphore_mem>>) src(%dma_wait3A_108 : memref<200x64xf32, #tpu.memory_space<vmem>>) dst(%dma_wait3A_104 : memref<200x64xf32, #tpu.memory_space<hbm>>)
    %add3A_109 = arith.constant 126 : i32
    %add3A_110 = arith.addi %mul3A_2, %add3A_109 : i32
    %dma_wait3A_111 = arith.constant 2 : i32
    %dma_wait3A_112 = arith.constant 2 : i32
    %dma_wait3A_113 = arith.constant 0 : i32
    %dma_wait3A_114 = arith.constant 0 : i32
    %dma_wait3A_115 = tpu.memref_slice %arg8[%dma_wait3A_111, %dma_wait3A_113, %dma_wait3A_114] : memref<4x200x64xf32, #tpu.memory_space<vmem>> -> memref<1x200x64xf32, #tpu.memory_space<vmem>>
    %dma_wait3A_116 = tpu.memref_squeeze %dma_wait3A_115 : memref<1x200x64xf32, #tpu.memory_space<vmem>> -> memref<200x64xf32, #tpu.memory_space<vmem>>
    %dma_wait3A_117 = arith.constant 0 : i32
    %dma_wait3A_118 = arith.constant 0 : i32
    %dma_wait3A_119 = tpu.memref_slice %arg5[%add3A_110, %dma_wait3A_117, %dma_wait3A_118] : memref<4096x200x64xf32, #tpu.memory_space<hbm>> -> memref<1x200x64xf32, #tpu.memory_space<hbm>>
    %dma_wait3A_120 = tpu.memref_squeeze %dma_wait3A_119 : memref<1x200x64xf32, #tpu.memory_space<hbm>> -> memref<200x64xf32, #tpu.memory_space<hbm>>
    %dma_wait3A_121 = tpu.memref_slice %arg10[%dma_wait3A_112] : memref<4x!tpu.dma_semaphore, #tpu.memory_space<semaphore_mem>> -> memref<1x!tpu.dma_semaphore, #tpu.memory_space<semaphore_mem>>
    %dma_wait3A_122 = tpu.memref_squeeze %dma_wait3A_121 : memref<1x!tpu.dma_semaphore, #tpu.memory_space<semaphore_mem>> -> memref<!tpu.dma_semaphore, #tpu.memory_space<semaphore_mem>>
    %dma_wait3A_123 = arith.constant 0 : i32
    %dma_wait3A_124 = arith.constant 0 : i32
    %dma_wait3A_125 = tpu.memref_slice %arg5[%add3A_110, %dma_wait3A_123, %dma_wait3A_124] : memref<4096x200x64xf32, #tpu.memory_space<hbm>> -> memref<1x200x64xf32, #tpu.memory_space<hbm>>
    %dma_wait3A_126 = tpu.memref_squeeze %dma_wait3A_125 : memref<1x200x64xf32, #tpu.memory_space<hbm>> -> memref<200x64xf32, #tpu.memory_space<hbm>>
    %dma_wait3A_127 = arith.constant 0 : i32
    %dma_wait3A_128 = arith.constant 0 : i32
    %dma_wait3A_129 = tpu.memref_slice %arg8[%dma_wait3A_111, %dma_wait3A_127, %dma_wait3A_128] : memref<4x200x64xf32, #tpu.memory_space<vmem>> -> memref<1x200x64xf32, #tpu.memory_space<vmem>>
    %dma_wait3A_130 = tpu.memref_squeeze %dma_wait3A_129 : memref<1x200x64xf32, #tpu.memory_space<vmem>> -> memref<200x64xf32, #tpu.memory_space<vmem>>
    tpu.wait_dma2 semaphore(%dma_wait3A_122 : memref<!tpu.dma_semaphore, #tpu.memory_space<semaphore_mem>>) src(%dma_wait3A_130 : memref<200x64xf32, #tpu.memory_space<vmem>>) dst(%dma_wait3A_126 : memref<200x64xf32, #tpu.memory_space<hbm>>)
    %add3A_131 = arith.constant 127 : i32
    %add3A_132 = arith.addi %mul3A_2, %add3A_131 : i32
    %dma_wait3A_133 = arith.constant 3 : i32
    %dma_wait3A_134 = arith.constant 3 : i32
    %dma_wait3A_135 = arith.constant 0 : i32
    %dma_wait3A_136 = arith.constant 0 : i32
    %dma_wait3A_137 = tpu.memref_slice %arg8[%dma_wait3A_133, %dma_wait3A_135, %dma_wait3A_136] : memref<4x200x64xf32, #tpu.memory_space<vmem>> -> memref<1x200x64xf32, #tpu.memory_space<vmem>>
    %dma_wait3A_138 = tpu.memref_squeeze %dma_wait3A_137 : memref<1x200x64xf32, #tpu.memory_space<vmem>> -> memref<200x64xf32, #tpu.memory_space<vmem>>
    %dma_wait3A_139 = arith.constant 0 : i32
    %dma_wait3A_140 = arith.constant 0 : i32
    %dma_wait3A_141 = tpu.memref_slice %arg5[%add3A_132, %dma_wait3A_139, %dma_wait3A_140] : memref<4096x200x64xf32, #tpu.memory_space<hbm>> -> memref<1x200x64xf32, #tpu.memory_space<hbm>>
    %dma_wait3A_142 = tpu.memref_squeeze %dma_wait3A_141 : memref<1x200x64xf32, #tpu.memory_space<hbm>> -> memref<200x64xf32, #tpu.memory_space<hbm>>
    %dma_wait3A_143 = tpu.memref_slice %arg10[%dma_wait3A_134] : memref<4x!tpu.dma_semaphore, #tpu.memory_space<semaphore_mem>> -> memref<1x!tpu.dma_semaphore, #tpu.memory_space<semaphore_mem>>
    %dma_wait3A_144 = tpu.memref_squeeze %dma_wait3A_143 : memref<1x!tpu.dma_semaphore, #tpu.memory_space<semaphore_mem>> -> memref<!tpu.dma_semaphore, #tpu.memory_space<semaphore_mem>>
    %dma_wait3A_145 = arith.constant 0 : i32
    %dma_wait3A_146 = arith.constant 0 : i32
    %dma_wait3A_147 = tpu.memref_slice %arg5[%add3A_132, %dma_wait3A_145, %dma_wait3A_146] : memref<4096x200x64xf32, #tpu.memory_space<hbm>> -> memref<1x200x64xf32, #tpu.memory_space<hbm>>
    %dma_wait3A_148 = tpu.memref_squeeze %dma_wait3A_147 : memref<1x200x64xf32, #tpu.memory_space<hbm>> -> memref<200x64xf32, #tpu.memory_space<hbm>>
    %dma_wait3A_149 = arith.constant 0 : i32
    %dma_wait3A_150 = arith.constant 0 : i32
    %dma_wait3A_151 = tpu.memref_slice %arg8[%dma_wait3A_133, %dma_wait3A_149, %dma_wait3A_150] : memref<4x200x64xf32, #tpu.memory_space<vmem>> -> memref<1x200x64xf32, #tpu.memory_space<vmem>>
    %dma_wait3A_152 = tpu.memref_squeeze %dma_wait3A_151 : memref<1x200x64xf32, #tpu.memory_space<vmem>> -> memref<200x64xf32, #tpu.memory_space<vmem>>
    tpu.wait_dma2 semaphore(%dma_wait3A_144 : memref<!tpu.dma_semaphore, #tpu.memory_space<semaphore_mem>>) src(%dma_wait3A_152 : memref<200x64xf32, #tpu.memory_space<vmem>>) dst(%dma_wait3A_148 : memref<200x64xf32, #tpu.memory_space<hbm>>)
    return
  }
}

module attributes {stable_mosaic.version = 14 : i64} {
  func.func @body(%arg0: i32, %arg1: memref<512x768xf32, #tpu.memory_space<vmem>>, %arg2: memref<512x512xf32, #tpu.memory_space<vmem>>, %arg3: memref<768x64xf32, #tpu.memory_space<vmem>>, %arg4: memref<512x64xf32, #tpu.memory_space<vmem>>, %arg5: memref<1x64xf32, #tpu.memory_space<vmem>>, %arg6: memref<512x64xf32, #tpu.memory_space<vmem>>) attributes {dimension_semantics = [#tpu.dimension_semantics<arbitrary>], iteration_bounds = array<i64: 8>, scalar_prefetch = 0 : i64, scratch_operands = 0 : i64, tpu.core_type = #tpu.core_type<tc>, window_params = [{transform_indices = @transform_0, window_bounds = array<i64: 512, 768>}, {transform_indices = @transform_1, window_bounds = array<i64: 512, 512>}, {pipeline_mode = #tpu.pipeline_mode<synchronous>, transform_indices = @transform_2, window_bounds = array<i64: 768, 64>}, {pipeline_mode = #tpu.pipeline_mode<synchronous>, transform_indices = @transform_3, window_bounds = array<i64: 512, 64>}, {pipeline_mode = #tpu.pipeline_mode<synchronous>, transform_indices = @transform_4, window_bounds = array<i64: 1, 64>}, {transform_indices = @transform_5, window_bounds = array<i64: 512, 64>}]} {
    %get3A = arith.constant 0 : index
    %get3A_0 = arith.constant 0 : index
    %get3A_1 = vector.load %arg1[%get3A, %get3A_0] : memref<512x768xf32, #tpu.memory_space<vmem>>, vector<512x768xf32>
    %get3A_2 = arith.constant 0 : index
    %get3A_3 = arith.constant 0 : index
    %get3A_4 = vector.load %arg3[%get3A_2, %get3A_3] : memref<768x64xf32, #tpu.memory_space<vmem>>, vector<768x64xf32>
    %dot_general3A = arith.constant dense<0.000000e+00> : vector<512x64xf32>
    %dot_general3A_5 = tpu.matmul %get3A_1, %get3A_4, %dot_general3A {dimension_numbers = #tpu.dot_dimension_numbers<[1], [0], [0], [1], [0, 0, 1, 1], [], []>, transpose_lhs_hint = false} : vector<512x768xf32>, vector<768x64xf32>, vector<512x64xf32> -> vector<512x64xf32>
    %get3A_6 = arith.constant 0 : index
    %get3A_7 = arith.constant 0 : index
    %get3A_8 = vector.load %arg2[%get3A_6, %get3A_7] : memref<512x512xf32, #tpu.memory_space<vmem>>, vector<512x512xf32>
    %get3A_9 = arith.constant 0 : index
    %get3A_10 = arith.constant 0 : index
    %get3A_11 = vector.load %arg4[%get3A_9, %get3A_10] : memref<512x64xf32, #tpu.memory_space<vmem>>, vector<512x64xf32>
    %dot_general3A_12 = arith.constant dense<0.000000e+00> : vector<512x64xf32>
    %dot_general3A_13 = tpu.matmul %get3A_8, %get3A_11, %dot_general3A_12 {dimension_numbers = #tpu.dot_dimension_numbers<[1], [0], [0], [1], [0, 0, 1, 1], [], []>, transpose_lhs_hint = false} : vector<512x512xf32>, vector<512x64xf32>, vector<512x64xf32> -> vector<512x64xf32>
    %add3A = arith.addf %dot_general3A_5, %dot_general3A_13 : vector<512x64xf32>
    %get3A_14 = arith.constant 0 : index
    %get3A_15 = arith.constant 0 : index
    %get3A_16 = vector.load %arg5[%get3A_14, %get3A_15] : memref<1x64xf32, #tpu.memory_space<vmem>>, vector<1x64xf32>
    %add3A_17 = vector.broadcast %get3A_16 : vector<1x64xf32> to vector<512x64xf32>
    %add3A_18 = arith.addf %add3A, %add3A_17 : vector<512x64xf32>
    %swap3A = arith.constant 0 : index
    %swap3A_19 = arith.constant 0 : index
    %swap3A_20 = vector.load %arg6[%swap3A, %swap3A_19] : memref<512x64xf32, #tpu.memory_space<vmem>>, vector<512x64xf32>
    tpu.vector_store %arg6[%swap3A, %swap3A_19], %add3A_18 {strides = array<i32>} : memref<512x64xf32, #tpu.memory_space<vmem>>, vector<512x64xf32>,
    return
  }
  func.func @transform_0(%arg0: i32) -> (i32, i32) {
    %c0_i32 = arith.constant 0 : i32
    %c0_i32_0 = arith.constant 0 : i32
    return %arg0, %c0_i32 : i32, i32
  }
  func.func @transform_1(%arg0: i32) -> (i32, i32) {
    %c0_i32 = arith.constant 0 : i32
    %c0_i32_0 = arith.constant 0 : i32
    return %arg0, %c0_i32 : i32, i32
  }
  func.func @transform_2(%arg0: i32) -> (i32, i32) {
    %c0_i32 = arith.constant 0 : i32
    %c0_i32_0 = arith.constant 0 : i32
    %c0_i32_1 = arith.constant 0 : i32
    return %c0_i32, %c0_i32_0 : i32, i32
  }
  func.func @transform_3(%arg0: i32) -> (i32, i32) {
    %c0_i32 = arith.constant 0 : i32
    %c0_i32_0 = arith.constant 0 : i32
    %c0_i32_1 = arith.constant 0 : i32
    return %c0_i32, %c0_i32_0 : i32, i32
  }
  func.func @transform_4(%arg0: i32) -> (i32, i32) {
    %c0_i32 = arith.constant 0 : i32
    %c0_i32_0 = arith.constant 0 : i32
    %c0_i32_1 = arith.constant 0 : i32
    return %c0_i32, %c0_i32_0 : i32, i32
  }
  func.func @transform_5(%arg0: i32) -> (i32, i32) {
    %c0_i32 = arith.constant 0 : i32
    %c0_i32_0 = arith.constant 0 : i32
    return %arg0, %c0_i32 : i32, i32
  }
}

module attributes {stable_mosaic.version = 14 : i64} {
  func.func @body(%arg0: i32, %arg1: memref<64x8192xf32, #tpu.memory_space<vmem>>, %arg2: memref<64x8192xf32, #tpu.memory_space<vmem>>, %arg3: memref<8192x128xf32, #tpu.memory_space<vmem>>) attributes {dimension_semantics = [#tpu.dimension_semantics<arbitrary>], iteration_bounds = array<i64: 62>, scalar_prefetch = 0 : i64, scratch_operands = 0 : i64, tpu.core_type = #tpu.core_type<tc>, window_params = [{transform_indices = @transform_0, window_bounds = array<i64: 64, 8192>}, {transform_indices = @transform_1, window_bounds = array<i64: 64, 8192>}, {transform_indices = @transform_2, window_bounds = array<i64: 8192, 128>}]} {
    %get3A = arith.constant 0 : index
    %get3A_0 = arith.constant 0 : index
    %get3A_1 = vector.load %arg1[%get3A, %get3A_0] : memref<64x8192xf32, #tpu.memory_space<vmem>>, vector<64x8192xf32>
    %transpose3A = tpu.transpose %get3A_1, [1, 0] : vector<64x8192xf32> -> vector<8192x64xf32>
    %get3A_2 = arith.constant 0 : index
    %get3A_3 = arith.constant 0 : index
    %get3A_4 = vector.load %arg2[%get3A_2, %get3A_3] : memref<64x8192xf32, #tpu.memory_space<vmem>>, vector<64x8192xf32>
    %transpose3A_5 = tpu.transpose %get3A_4, [1, 0] : vector<64x8192xf32> -> vector<8192x64xf32>
    %concatenate3A = tpu.concatenate %transpose3A, %transpose3A_5 in 1 : vector<8192x64xf32>, vector<8192x64xf32> -> vector<8192x128xf32>
    %swap3A = arith.constant 0 : index
    %swap3A_6 = arith.constant 0 : index
    %swap3A_7 = vector.load %arg3[%swap3A, %swap3A_6] : memref<8192x128xf32, #tpu.memory_space<vmem>>, vector<8192x128xf32>
    tpu.vector_store %arg3[%swap3A, %swap3A_6], %concatenate3A {strides = array<i32>} : memref<8192x128xf32, #tpu.memory_space<vmem>>, vector<8192x128xf32>,
    return
  }
  func.func @transform_0(%arg0: i32) -> (i32, i32) {
    %mul3A = arith.constant 2 : i32
    %mul3A_0 = arith.muli %mul3A, %arg0 : i32
    %c0_i32 = arith.constant 0 : i32
    %c0_i32_1 = arith.constant 0 : i32
    return %c0_i32, %mul3A_0 : i32, i32
  }
  func.func @transform_1(%arg0: i32) -> (i32, i32) {
    %mul3A = arith.constant 2 : i32
    %mul3A_0 = arith.muli %mul3A, %arg0 : i32
    %add3A = arith.constant 1 : i32
    %add3A_1 = arith.addi %mul3A_0, %add3A : i32
    %min3A = arith.constant 122 : i32
    %min3A_2 = arith.minsi %add3A_1, %min3A : i32
    %c0_i32 = arith.constant 0 : i32
    %c0_i32_3 = arith.constant 0 : i32
    return %c0_i32, %min3A_2 : i32, i32
  }
  func.func @transform_2(%arg0: i32) -> (i32, i32) {
    %c0_i32 = arith.constant 0 : i32
    %c0_i32_0 = arith.constant 0 : i32
    return %arg0, %c0_i32 : i32, i32
  }
}

module attributes {stable_mosaic.version = 14 : i64} {
  func.func @body(%arg0: i32, %arg1: i32, %arg2: memref<512x2560xf32, #tpu.memory_space<vmem>>, %arg3: memref<2560x512xf32, #tpu.memory_space<vmem>>) attributes {dimension_semantics = [#tpu.dimension_semantics<arbitrary>, #tpu.dimension_semantics<arbitrary>], iteration_bounds = array<i64: 8, 5>, scalar_prefetch = 0 : i64, scratch_operands = 0 : i64, tpu.core_type = #tpu.core_type<tc>, window_params = [{transform_indices = @transform_0, window_bounds = array<i64: 512, 2560>}, {transform_indices = @transform_1, window_bounds = array<i64: 2560, 512>}]} {
    %get3A = arith.constant 0 : index
    %get3A_0 = arith.constant 0 : index
    %get3A_1 = vector.load %arg2[%get3A, %get3A_0] : memref<512x2560xf32, #tpu.memory_space<vmem>>, vector<512x2560xf32>
    %transpose3A = tpu.transpose %get3A_1, [1, 0] : vector<512x2560xf32> -> vector<2560x512xf32>
    %swap3A = arith.constant 0 : index
    %swap3A_2 = arith.constant 0 : index
    %swap3A_3 = vector.load %arg3[%swap3A, %swap3A_2] : memref<2560x512xf32, #tpu.memory_space<vmem>>, vector<2560x512xf32>
    tpu.vector_store %arg3[%swap3A, %swap3A_2], %transpose3A {strides = array<i32>} : memref<2560x512xf32, #tpu.memory_space<vmem>>, vector<2560x512xf32>,
    return
  }
  func.func @transform_0(%arg0: i32, %arg1: i32) -> (i32, i32) {
    %c0_i32 = arith.constant 0 : i32
    return %arg0, %arg1 : i32, i32
  }
  func.func @transform_1(%arg0: i32, %arg1: i32) -> (i32, i32) {
    %c0_i32 = arith.constant 0 : i32
    return %arg1, %arg0 : i32, i32
  }
}

</mosaic_0001>

<sc_bundles>
// kernel: kernel.6.cloned.1.call-start
scs
__scs_entry_jumppad:
0x0: {  	(pc) =	sbr.rel $0x88, $3  }
0x1: {  	(tag) =	ssettag $0x0;
	lr =	simm.s32 $0x1  }
0x2: {  	[smem:$0x3F9B] =	sst lr;
	_ =	strace $0xD0000000  }
0x3: {  	_ = 	snop  }
0x4: {  	_ = 	snop  }
0x5: {  	_ = 	snop  }
0x6: {  	_ = 	snop  }
0x7: {  	_ = 	snop  }
__scs_overlays_trampoline_lowered:
0x8: {  	[smem:$0x3FAA] =	sst s0  }
0x9: {  	[smem:$0x3FAB] =	sst s1  }
0xa: {  	[smem:$0x3FAC] =	sst s2  }
0xb: {  	[smem:$0x3FAD] =	sst s3  }
0xc: {  	[smem:$0x3FAE] =	sst s4  }
0xd: {  	[smem:$0x3FAF] =	sst s5  }
0xe: {  	[smem:$0x3FB0] =	sst s6  }
0xf: {  	[smem:$0x3FB1] =	sst s7  }
0x10: {  	[smem:$0x3FB2] =	sst s8  }
0x11: {  	[smem:$0x3FB3] =	sst s9;
	s0 =	simm.s32 @!p0 $0x0  }
0x12: {  	s1 =	sld [smem:$0x3F99];
	s0 =	simm.s32 @p0 $0x1  }
0x13: {  	[smem:$0x3FB4] =	sst s0;
	s0 =	simm.s32 @!p1 $0x0  }
0x14: {  	s2 =	sld [smem:$0x3F98];
	s0 =	simm.s32 @p1 $0x1  }
0x15: {  	[smem:$0x3FB5] =	sst s0;
	s0 =	simm.s32 @!p2 $0x0  }
0x16: {  	s3 =	sld [smem:$0x3FDB];
	s0 =	simm.s32 @p2 $0x1  }
0x17: {  	s4 =	simm.s32 $0x1BF5;
	[smem:$0x3FB7] =	sst s0  }
0x18: {  	s0 =	sld [smem:$0x3F9A];
	_ =	swait.ge [sflag:s4], $0x0  }
0x19: {  	s7 =	sld [smem:$0x3F9B]  }
0x1a: {  	s8 =	sadd.s32 $0xFFFFE003, lr  }
0x1b: {  	s9 =	sadd.s32 $0xFFFFFEF7, lr;
	s5 =	simm.s32 $0xFFFFFFFF;
	p2 =	slt.u32 s8, $0xFFFFF086  }
0x1c: {  	p1 =	slt.u32 s9, $0xF7A;
	s5 =	simm.s32 @!p2 $0x0  }
0x1d: {  	s5 =	simm.s32 @p1 $0x1;
	p0 =	seq.s32 s7, s2  }
0x1e: {  	s7 =	smul.u32 @!p0 $0xF7A, s2;
	p2 =	seq.s32 @!p0 s5, $0x0  }
0x1f: {  	s9 =	smul.u32 $0xF7A, s1;
	s8 =	simm.s32 @!p0 $0x1BF5;
	p2 =	por !p2, p0  }
0x20: {  	[sflag:s8] =	ssyncset.s32 @!p0 $0xFFFFF086;
	s6 =	sadd.s32 @!p0 s3, s7;
	s7 =	simm.s32 @!p0 $0x108  }
0x21: {  	s3 =	sadd.s32 s3, s9;
	s6 =	sadd.s32 @!p0 $0x88, s6;
	s7 =	simm.s32 @p2 $0x1082  }
0x22: {  	[simem:s7], [sflag:s8] =	dma.local @!p0 [hbm:s6], $0xF7A  }
0x23: {  	s9 =	sor.u32 $0xD0000000, s2;
	s6 =	simm.s32 $0x108;
	_ =	swait.ge @!p0 [sflag:s8], $0x0  }
0x24: {  	s3 =	sadd.s32 $0x88, s3;
	s6 =	simm.s32 @!p1 $0x1082;
	[sflag:s4] =	ssyncset.s32 $0xFFFFF086  }
0x25: {  	[simem:s6], [sflag:s4] =	dma.local [hbm:s3], $0xF7A  }
0x26: {  	[smem:$0x3F9B] =	sst s1;
	(tag) =	ssettag s2;
	_ =	strace s9  }
0x27: {  	s1 =	sld [smem:$0x3FAB]  }
0x28: {  	s2 =	sld [smem:$0x3FAC]  }
0x29: {  	s4 =	sld [smem:$0x3FAE]  }
0x2a: {  	p0 =	seq.s32 s5, $0x0;
	s5 =	sld [smem:$0x3FAF]  }
0x2b: {  	s6 =	sld [smem:$0x3FB0]  }
0x2c: {  	s7 =	sld [smem:$0x3FB1]  }
0x2d: {  	s3 =	simm.s32 $0x108;
	s8 =	sld [smem:$0x3FB2]  }
0x2e: {  	s3 =	simm.s32 @!p0 $0x1082;
	s9 =	sld [smem:$0x3FB3]  }
0x2f: {  	lr =	sadd.s32 s0, s3;
	s0 =	sld [smem:$0x3FAA]  }
0x30: {  	s3 =	sld [smem:$0x3FAD]  }
0x31: {  	[smem:$0x3FB6] =	sst s10  }
0x32: {  	s10 =	sld [smem:$0x3FB4];
	_ =	sdelay $0x3  }
0x33: {  	p0 =	seq.s32 s10, $0x1;
	s10 =	sld [smem:$0x3FB6];
	_ =	sdelay $0x3  }
0x34: {  	[smem:$0x3FB6] =	sst s10  }
0x35: {  	s10 =	sld [smem:$0x3FB5];
	_ =	sdelay $0x3  }
0x36: {  	p1 =	seq.s32 s10, $0x1;
	s10 =	sld [smem:$0x3FB6];
	_ =	sdelay $0x3  }
0x37: {  	[smem:$0x3FB6] =	sst s10  }
0x38: {  	s10 =	sld [smem:$0x3FB7]  }
0x39: {  	_ = 	snop;
	(pc) =	sbr.ind lr, $3  }
0x3a: {  	_ = 	snop  }
0x3b: {  	_ = 	snop  }
0x3c: {  	p2 =	seq.s32 s10, $0x1;
	s10 =	sld [smem:$0x3FB6]  }
0x3d: {  	_ =	shalt  }
0x3e: {  	_ =	shalt  }
0x3f: {  	_ =	shalt  }
0x40: {  	_ =	shalt  }
0x41: {  	_ =	shalt  }
0x42: {  	_ =	shalt  }
0x43: {  	_ =	shalt  }
0x44: {  	_ =	shalt  }
0x45: {  	_ =	shalt  }
0x46: {  	_ =	shalt  }
0x47: {  	_ =	shalt  }
0x48: {  	_ =	shalt  }
0x49: {  	_ =	shalt  }
0x4a: {  	_ =	shalt  }
0x4b: {  	_ =	shalt  }
0x4c: {  	_ =	shalt  }
0x4d: {  	_ =	shalt  }
0x4e: {  	_ =	shalt  }
0x4f: {  	_ =	shalt  }
0x50: {  	_ =	shalt  }
0x51: {  	_ =	shalt  }
0x52: {  	_ =	shalt  }
0x53: {  	_ =	shalt  }
0x54: {  	_ =	shalt  }
0x55: {  	_ =	shalt  }
0x56: {  	_ =	shalt  }
0x57: {  	_ =	shalt  }
0x58: {  	_ =	shalt  }
0x59: {  	_ =	shalt  }
0x5a: {  	_ =	shalt  }
0x5b: {  	_ =	shalt  }
0x5c: {  	_ =	shalt  }
0x5d: {  	_ =	shalt  }
0x5e: {  	_ =	shalt  }
0x5f: {  	_ =	shalt  }
0x60: {  	_ =	shalt  }
0x61: {  	_ =	shalt  }
0x62: {  	_ =	shalt  }
0x63: {  	_ =	shalt  }
0x64: {  	_ =	shalt  }
0x65: {  	_ =	shalt  }
0x66: {  	_ =	shalt  }
0x67: {  	_ =	shalt  }
0x68: {  	_ =	shalt  }
0x69: {  	_ =	shalt  }
0x6a: {  	_ =	shalt  }
0x6b: {  	_ =	shalt  }
0x6c: {  	_ =	shalt  }
0x6d: {  	_ =	shalt  }
0x6e: {  	_ =	shalt  }
0x6f: {  	_ =	shalt  }
0x70: {  	_ =	shalt  }
0x71: {  	_ =	shalt  }
0x72: {  	_ =	shalt  }
0x73: {  	_ =	shalt  }
0x74: {  	_ =	shalt  }
0x75: {  	_ =	shalt  }
0x76: {  	_ =	shalt  }
0x77: {  	_ =	shalt  }
0x78: {  	_ =	shalt  }
0x79: {  	_ =	shalt  }
0x7a: {  	_ =	shalt  }
0x7b: {  	_ =	shalt  }
0x7c: {  	_ =	shalt  }
0x7d: {  	_ =	shalt  }
0x7e: {  	_ =	shalt  }
0x7f: {  	_ =	shalt  }
0x80: {  	_ =	shalt  }
0x81: {  	_ =	shalt  }
0x82: {  	_ =	shalt  }
0x83: {  	_ =	shalt  }
0x84: {  	_ =	shalt  }
0x85: {  	_ =	shalt  }
0x86: {  	_ =	shalt  }
0x87: {  	_ =	shalt  }
.Lfunc_end0:
.L_simem_size_0:
called_computation_lowered:
.L_overlay_start_0:
0x88: {  	s2 =	sld [smem:$0x3FD9]  }
0x89: {  	s3 =	sld [smem:$0x3FFE];
	_ =	sdelay $0x1  }
0x8a: {  	s1 =	srdreg.scid  }
0x8b: {  	s0 =	sand.u32 $0x1, s1  }
0x8c: {  	s17 =	sshll.u32 s0, $0xA;
	s2 =	sadd.s32 s3, s2  }
0x8d: {  	s2 =	sadd.s32 s2, s17  }
0x8e: {  	[smem:$0x3FC2] =	sst s2  }
0x8f: {  	_ = 	snop  }
0x90: {  	s2 =	sld [smem:$0x3FD0];
	(tm) =	ssettm $0x1  }
0x91: {  	s18 =	sld [smem:$0x3FFB];
	_ =	sdelay $0x3  }
0x92: {  	_ =	strace s18  }
0x93: {  	s3 =	sld [smem:$0x3FFC];
	_ =	sdelay $0x3  }
0x94: {  	_ =	strace s3  }
0x95: {  	s3 =	sld [smem:$0x3FFD];
	_ =	sdelay $0x3  }
0x96: {  	_ =	strace s3  }
0x97: {  	_ =	strace $0x8FFFFFFF  }
0x98: {  	s19 =	sld [smem:$0x3FDB];
	_ =	sdelay $0x1  }
0x99: {  	s4 =	simm.s32 $_scs_section_size  }
0x9a: {  	s5 =	simm.s32 $_size__tile_overlayer_lowered;
	s6 =	simm.s32 $_tile_overlayer_lowered  }
0x9b: {  	s22 =	simm.s32 $0x1BFF;
	s21 =	sshll.u32 s6, $0x1;
	s3 =	sadd.s32 s4, s19  }
0x9c: {  	s7 =	simm.s32 $0x0;
	s20 =	sshll.u32 s5, $0x1;
	s5 =	sadd.s32 s21, s3  }
0x9d: {  	[timem:s7], [sflag:s22] =	dma.local [hbm:s5], s20  }
0x9e: {  	_ =	swait.ge [sflag:s22], s20  }
0x9f: {  	s4 =	ssub.s32 $0x0, s20;
	[sflag:s22] =	ssyncset.done $0x0  }
0xa0: {  	[sflag:s22] =	ssyncadd.s32 s4;
	_ =	sdelay $0x1  }
0xa1: {  	s23 =	simm.s32 $0x1B8B  }
0xa2: {  	_ =	swait.ge [sflag:s23], $0x1  }
0xa3: {  	[sflag:s23] =	ssyncset.done $0x0  }
0xa4: {  	s25 =	simm.s32 $0x1B8E;
	s24 =	sld [smem:$0x3FFE];
	[sflag:s23] =	ssyncadd.s32 $0xFFFFFFFF  }
0xa5: {  	s26 =	simm.s32 $execute0_lowered;
	[smem:$0x3FD2] =	sst s25  }
0xa6: {  	s5 =	sshll.u32 s26, $0x1;
	_ =	strace $0x80000046;
	[dreg:$0x1] =	wrdreg $0xFFFFFFFF  }
0xa7: {  	s28 =	simm.s32 $_size_execute0_lowered;
	s3 =	sadd.s32 s3, s5;
	[dreg:$0x0] =	wrdreg $0x0  }
0xa8: {  	s5 =	sshll.u32 s28, $0x1;
	[dreg:$0x2] =	wrdreg s3  }
0xa9: {  	[dreg:$0x3] =	wrdreg s5  }
0xaa: {  	[dreg:$0x4] =	wrdreg $0xC0  }
0xab: {  	_ =	task [dreg:s7], $0x5FFFF  }
0xac: {  	[dreg:$0x1] =	wrdreg $0xFFFFFFFF  }
0xad: {  	[dreg:$0x0] =	wrdreg $0x60  }
0xae: {  	[dreg:$0x2] =	wrdreg s24  }
0xaf: {  	[dreg:$0x3] =	wrdreg s2  }
0xb0: {  	[dreg:$0x4] =	wrdreg $0x9  }
0xb1: {  	_ =	task.clear_ibuf [dreg:s7], $0x5FFFF;
	_ =	strace $0x90000046  }
0xb2: {  	s29 =	simm.s32 $0x9;
	_ =	strace $0x80000048  }
0xb3: {  	_ =	swait.ge [sflag:s29], $0x1  }
0xb4: {  	[sflag:s29] =	ssyncadd.s32 $0xFFFFFFFF  }
0xb5: {  	_ =	strace $0x90000048  }
0xb6: {  	_ =	sfence  }
0xb7: {  	s30 =	sld [smem:$0x0];
	_ =	sdelay $0x2  }
0xb8: {  	s31 =	sshll.u32 s1, $0xD;
	s1 =	sshrl.u32 s1, $0x2  }
0xb9: {  	s3 =	sand.u32 $0x4000, s31;
	s1 =	sadd.s32 s1, s30  }
0xba: {  	s0 =	sor.u32 s3, s0;
	s1 =	sshll.u32 s1, $0x11  }
0xbb: {  	s0 =	sor.u32 s1, s0  }
0xbc: {  	s0 =	sadd.s32 $0x8F2B, s0  }
0xbd: {  	[sflag:s0] =	ssyncadd.remote.s32 $0x1  }
0xbe: {  	_ =	sfence.sel $0xFFFF  }
0xbf: {  	[dreg:$0x0] =	wrdreg $0xFFFFFFFF;
	(pc) =	sbr.abs _section_cstart, $3  }
0xc0: {  	[dreg:$0x1] =	wrdreg $0xFFFFFFFF  }
0xc1: {  	_ =	task.clear_ibuf [dreg:s7], $0x2FFFF;
	_ =	strace $0x9FFFFFFF  }
0xc2: {  	(tm) =	ssettm $0x7FFFFFFF  }
0xc3: {  	_ =	shalt  }
tec
execute0_lowered:
.L_overlay_start_1:
0x0: {  	(tag) =	ssettag $0x1  }
0x1: {  	s0 =	srdreg.scid;
	s1 =	rddreg [dreg:$0x0]  }
0x2: {  	s3 =	stileid.u32;
	s2 =	rddreg [dreg:$0x1];
	s9 =	simm.s32 $0x9  }
0x3: {  	s11 =	simm.s32 $0x80;
	s12 =	simm.s32 $0x8400;
	s13 =	simm.s32 $0x48  }
0x4: {  	s16 =	simm.s32 $0xB600;
	s19 =	simm.s32 $0xE800;
	s20 =	simm.s32 $0x10800  }
0x5: {  	s21 =	simm.s32 $0x1;
	s22 =	simm.s32 $0x11A00;
	s23 =	simm.s32 $0x13A00  }
0x6: {  	s28 =	simm.s32 $0x5;
	s29 =	simm.s32 $0x6;
	s30 =	simm.s32 $0x7  }
0x7: {  	s0 =	sand.u32 $0x1, s0;
	s4 =	sshll.u32 s3, $0x8;
	s3 =	simm.s32 $0x0  }
0x8: {  	s31 =	simm.s32 $0x8;
	s5 =	sshll.u32 s0, $0x7;
	[smem:$0x7FF] =	sst s3  }
0x9: {  	s0 =	ssub.s32 $0x2, s0;
	s4 =	sor.u32 s5, s4;
	_ =	strace $0x80000047  }
0xa: {  	s25 =	sshrl.u32 s0, $0x1;
	s5 =	smul.u32 $0x19, s4;
	s24 =	sshll.u32 s4, $0x3  }
0xb: {  	s0 =	ssub.s32 s0, s25;
	s25 =	simm.s32 $0x3;
	s7 =	sadd.s32 s24, s1  }
0xc: {  	s8 =	smax.u32 s0, $0x1;
	s24 =	simm.s32 $0x2;
	s6 =	sadd.s32 s5, s1  }
0xd: {  	s5 =	sadd.s32 $0x21A00, s1;
	s7 =	sadd.s32 $0xA00, s7;
	s26 =	sadd.s32 $0x8A00, s6  }
0xe: {  	s1 =	simm.s32 $0x0;
	[dreg:$0x3] =	wrdreg s26;
	s26 =	simm.s32 $0x4  }
.LBB2_1:
0xf: {  	s0 =	rddreg [dreg:$0x3]  }
0x10: {  	[tilespmem:s3], [sflag:$0x9] =	stream.linear.gather [hbm4b:s0+s3], $0x6400, $0x38;
	[tilespmem:$0x14C00] =	vst v63  }
0x11: {  	_ =	swait.ge [sflag:s9], $0x6400  }
0x12: {  	[sflag:s9] =	ssyncset.done $0x0  }
0x13: {  	s14 =	simm.s32 $0x6400;
	[sflag:s9] =	ssyncadd.s32 $0xFFFF9C00  }
0x14: {  	[tilespmem:s14], [sflag:$0x9] =	stream.linear.gather [hbm4b:s7+s3], $0x2000, $0x38;
	[tilespmem:$0x14C00] =	vst v63  }
0x15: {  	_ =	swait.ge [sflag:s9], $0x2000  }
0x16: {  	[sflag:s9] =	ssyncset.done $0x0  }
0x17: {  	[sflag:s9] =	ssyncadd.s32 $0xFFFFE000  }
0x18: {  	[tilespmem:s12], [sflag:$0x1] =	stream.indirect.gather [hbm4b:s5+s11], $0x40, s3, s11, $0xb8;
	[tilespmem:$0x14C00] =	vst v63  }
0x19: {  	s15 =	simm.s32 $0xA400  }
0x1a: {  	[tilespmem:s15], [sflag:$0x1] =	stream.indirect.gather [hbm4b:s5+s13], $0x40, s11, s13, $0xb8;
	[tilespmem:$0x14C00] =	vst v63  }
0x1b: {  	s17 =	simm.s32 $0xC8  }
0x1c: {  	[tilespmem:s16], [sflag:$0x2] =	stream.indirect.gather [hbm4b:s5+s11], $0x40, s17, s11, $0xb8;
	[tilespmem:$0x14C00] =	vst v63  }
0x1d: {  	s18 =	simm.s32 $0x148;
	s6 =	simm.s32 $0xD600;
	s0 =	simm.s32 $0x0  }
0x1e: {  	[tilespmem:s6], [sflag:$0x2] =	stream.indirect.gather [hbm4b:s5+s13], $0x40, s18, s13, $0xb8;
	[tilespmem:$0x14C00] =	vst v63  }
.LBB2_2:
0x1f: {  	s15 =	sshll.u32 s0, $0x2;
	p0 =	seq.s32 s0, $0x0  }
0x20: {  	s14 =	sor.u32 $0x2, s15;
	s10 =	simm.s32 @!p0 $0x7  }
0x21: {  	_ =	swait.ge @!p0 [sflag:s10], $0x3200;
	s17 =	smul.u32 $0x320, s14  }
0x22: {  	[sflag:s10] =	ssyncset.done @!p0 $0x0  }
0x23: {  	[sflag:s10] =	ssyncadd.s32 @!p0 $0xFFFFCE00;
	s17 =	sshra.s32 s17, $0x2  }
0x24: {  	[tilespmem:s19], [sflag:$0x3] =	stream.indirect.gather [hbm4b:s5+s11], $0x40, s17, s11, $0xb8;
	[tilespmem:$0x14C00] =	vst v63  }
0x25: {  	s10 =	sadd.s32 $0x80, s17  }
0x26: {  	[tilespmem:s20], [sflag:$0x3] =	stream.indirect.gather [hbm4b:s5+s13], $0x40, s10, s13, $0xb8;
	[tilespmem:$0x14C00] =	vst v63  }
0x27: {  	_ =	swait.ge [sflag:s21], $0x2000  }
0x28: {  	[sflag:s21] =	ssyncset.done $0x0  }
0x29: {  	[sflag:s21] =	ssyncadd.s32 $0xFFFFE000  }
0x2a: {  	_ =	swait.ge [sflag:s21], $0x1200  }
0x2b: {  	s18 =	sshll.u32 s0, $0x8;
	[sflag:s21] =	ssyncset.done $0x0  }
0x2c: {  	s10 =	sand.u32 $0x3FFFFF00, s18;
	[sflag:s21] =	ssyncadd.s32 $0xFFFFEE00  }
0x2d: {  	v3 =	vld [tilespmem:s10+$0x6400]  }
0x2e: {  	v2 =	vld [tilespmem:s10+$0x6410]  }
0x2f: {  	v1 =	vld [tilespmem:s10+$0x6420]  }
0x30: {  	v0 =	vld [tilespmem:s10+$0x6430];
	s10 =	simm.s32 $0x0  }
0x31: {  	v4 =	vld [tilespmem:s10+$0x8400]  }
0x32: {  	v5 =	vld [tilespmem:s10+$0x8410]  }
0x33: {  	v6 =	vld [tilespmem:s10+$0x8420]  }
0x34: {  	v7 =	vld [tilespmem:s10+$0x8430]  }
0x35: {  	v8 =	vld [tilespmem:s10+$0x8440]  }
0x36: {  	v9 =	vld [tilespmem:s10+$0x8450];
	v4 =	vadd.f32 v4, v3  }
0x37: {  	v10 =	vld [tilespmem:s10+$0x8460];
	v5 =	vadd.f32 v5, v2  }
0x38: {  	v11 =	vld [tilespmem:s10+$0x8470];
	[tilespmem:s10+$0x8400] =	vst v4;
	v4 =	vadd.f32 v6, v1  }
0x39: {  	v12 =	vld [tilespmem:s10+$0x8480];
	[tilespmem:s10+$0x8410] =	vst v5;
	v5 =	vadd.f32 v7, v0  }
0x3a: {  	v13 =	vld [tilespmem:s10+$0x8490];
	[tilespmem:s10+$0x8420] =	vst v4;
	v4 =	vadd.f32 v8, v3  }
0x3b: {  	v6 =	vadd.f32 v9, v2;
	[tilespmem:s10+$0x8430] =	vst v5;
	v5 =	vld [tilespmem:s10+$0x84A0]  }
0x3c: {  	v7 =	vadd.f32 v10, v1;
	[tilespmem:s10+$0x8440] =	vst v4;
	v4 =	vld [tilespmem:s10+$0x84B0]  }
0x3d: {  	[tilespmem:s10+$0x8450] =	vst v6;
	v6 =	vld [tilespmem:s10+$0x84C0];
	v8 =	vadd.f32 v11, v0  }
0x3e: {  	v10 =	vadd.f32 v12, v3;
	[tilespmem:s10+$0x8460] =	vst v7;
	v7 =	vld [tilespmem:s10+$0x84D0]  }
0x3f: {  	s17 =	simm.s32 $0x400;
	v9 =	vadd.f32 v13, v2;
	[tilespmem:s10+$0x8470] =	vst v8;
	v8 =	vld [tilespmem:s10+$0x84E0]  }
.LBB2_3:
0x40: {  	s18 =	sshra.s32 s17, $0x2;
	p1 =	sne.s32 s17, $0xC400;
	[tilespmem:s10+$0x8480] =	vst v10;
	v5 =	vadd.f32 v5, v1;
	v10 =	vld [tilespmem:s10+$0x84F0]  }
0x41: {  	v11 =	vld [tilespmem:s18+$0x8400];
	[tilespmem:s10+$0x8490] =	vst v9;
	v4 =	vadd.f32 v4, v0  }
0x42: {  	v9 =	vld [tilespmem:s18+$0x8410];
	[tilespmem:s10+$0x84A0] =	vst v5;
	v5 =	vadd.f32 v6, v3  }
0x43: {  	v6 =	vld [tilespmem:s18+$0x8420];
	[tilespmem:s10+$0x84B0] =	vst v4;
	v4 =	vadd.f32 v7, v2  }
0x44: {  	v7 =	vld [tilespmem:s18+$0x8430];
	[tilespmem:s10+$0x84C0] =	vst v5;
	v5 =	vadd.f32 v8, v1  }
0x45: {  	v8 =	vld [tilespmem:s18+$0x8440];
	[tilespmem:s10+$0x84D0] =	vst v4;
	v4 =	vadd.f32 v10, v0  }
0x46: {  	v10 =	vadd.f32 v11, v3;
	v11 =	vld [tilespmem:s18+$0x8450];
	[tilespmem:s10+$0x84E0] =	vst v5  }
0x47: {  	v5 =	vadd.f32 v9, v2;
	v9 =	vld [tilespmem:s18+$0x8460];
	[tilespmem:s10+$0x84F0] =	vst v4;
	s10 =	smov.u32 s18  }
0x48: {  	[tilespmem:s10+$0x8400] =	vst v10;
	v4 =	vadd.f32 v6, v1;
	v6 =	vld [tilespmem:s10+$0x8470]  }
0x49: {  	[tilespmem:s10+$0x8410] =	vst v5;
	v5 =	vadd.f32 v7, v0;
	v7 =	vld [tilespmem:s10+$0x8480]  }
0x4a: {  	[tilespmem:s10+$0x8420] =	vst v4;
	v4 =	vadd.f32 v8, v3;
	v8 =	vld [tilespmem:s10+$0x8490]  }
.Ltmp0:
0x4b: {  	[tilespmem:s10+$0x8430] =	vst v5;
	v10 =	vadd.f32 v11, v2;
	v5 =	vld [tilespmem:s10+$0x84A0];
	(pc) =	sbr.rel @p1 .LBB2_3-.Ltmp0, $4  }
0x4c: {  	[tilespmem:s10+$0x8440] =	vst v4;
	v9 =	vadd.f32 v9, v1;
	v4 =	vld [tilespmem:s10+$0x84B0]  }
0x4d: {  	[tilespmem:s10+$0x8450] =	vst v10;
	v11 =	vadd.f32 v6, v0;
	v6 =	vld [tilespmem:s10+$0x84C0]  }
0x4e: {  	[tilespmem:s10+$0x8460] =	vst v9;
	v10 =	vadd.f32 v7, v3;
	v7 =	vld [tilespmem:s10+$0x84D0]  }
0x4f: {  	s17 =	sadd.s32 $0x400, s17;
	[tilespmem:s10+$0x8470] =	vst v11;
	v9 =	vadd.f32 v8, v2;
	v8 =	vld [tilespmem:s10+$0x84E0]  }
0x50: {  	[tilespmem:s10+$0x8480] =	vst v10;
	v5 =	vadd.f32 v5, v1;
	v10 =	vld [tilespmem:s10+$0x84F0]  }
0x51: {  	[tilespmem:s10+$0x8490] =	vst v9;
	v4 =	vadd.f32 v4, v0  }
0x52: {  	[tilespmem:s10+$0x84A0] =	vst v5;
	v3 =	vadd.f32 v6, v3  }
0x53: {  	[tilespmem:s10+$0x84B0] =	vst v4;
	v2 =	vadd.f32 v7, v2  }
0x54: {  	s17 =	sadd.s32 s4, s15;
	[tilespmem:s10+$0x84C0] =	vst v3;
	v1 =	vadd.f32 v8, v1  }
0x55: {  	s17 =	smul.u32 $0x640, s17;
	[tilespmem:s10+$0x84D0] =	vst v2;
	v0 =	vadd.f32 v10, v0  }
0x56: {  	[tilespmem:s10+$0x84E0] =	vst v1  }
0x57: {  	s18 =	sadd.s32 s2, s17;
	s17 =	simm.s32 @!p0 $0x8;
	[tilespmem:s10+$0x84F0] =	vst v0;
	s10 =	sor.u32 $0x3, s15  }
0x58: {  	[hbm4b:s18+s3] =	stream.linear.scatter [tilespmem:s12], [sflag:$0x5], $0x3200, $0x38;
	[tilespmem:$0x14C00] =	vst v63  }
0x59: {  	s18 =	smul.u32 $0x320, s10;
	_ =	swait.ge @!p0 [sflag:s17], $0x3200  }
0x5a: {  	[sflag:s17] =	ssyncset.done @!p0 $0x0  }
0x5b: {  	s6 =	sshra.s32 s18, $0x2;
	[sflag:s17] =	ssyncadd.s32 @!p0 $0xFFFFCE00  }
0x5c: {  	[tilespmem:s22], [sflag:$0x4] =	stream.indirect.gather [hbm4b:s5+s11], $0x40, s6, s11, $0xb8;
	[tilespmem:$0x14C00] =	vst v63  }
0x5d: {  	s17 =	sadd.s32 $0x80, s6  }
0x5e: {  	[tilespmem:s23], [sflag:$0x4] =	stream.indirect.gather [hbm4b:s5+s13], $0x40, s17, s13, $0xb8;
	[tilespmem:$0x14C00] =	vst v63  }
0x5f: {  	_ =	swait.ge [sflag:s24], $0x2000  }
0x60: {  	[sflag:s24] =	ssyncset.done $0x0  }
0x61: {  	[sflag:s24] =	ssyncadd.s32 $0xFFFFE000  }
0x62: {  	s15 =	sor.u32 $0x1, s15;
	_ =	swait.ge [sflag:s24], $0x1200  }
0x63: {  	s18 =	sshll.u32 s15, $0x6;
	[sflag:s24] =	ssyncset.done $0x0  }
0x64: {  	s17 =	sand.u32 $0x3FFFFFC0, s18;
	[sflag:s24] =	ssyncadd.s32 $0xFFFFEE00  }
0x65: {  	v3 =	vld [tilespmem:s17+$0x6400]  }
0x66: {  	v2 =	vld [tilespmem:s17+$0x6410]  }
0x67: {  	v1 =	vld [tilespmem:s17+$0x6420]  }
0x68: {  	v0 =	vld [tilespmem:s17+$0x6430];
	s17 =	simm.s32 $0x0  }
0x69: {  	v4 =	vld [tilespmem:s17+$0xB600]  }
0x6a: {  	v5 =	vld [tilespmem:s17+$0xB610]  }
0x6b: {  	v6 =	vld [tilespmem:s17+$0xB620]  }
0x6c: {  	v7 =	vld [tilespmem:s17+$0xB630]  }
0x6d: {  	v8 =	vld [tilespmem:s17+$0xB640]  }
0x6e: {  	v9 =	vld [tilespmem:s17+$0xB650];
	v4 =	vadd.f32 v4, v3  }
0x6f: {  	v10 =	vld [tilespmem:s17+$0xB660];
	v5 =	vadd.f32 v5, v2  }
0x70: {  	v11 =	vld [tilespmem:s17+$0xB670];
	[tilespmem:s17+$0xB600] =	vst v4;
	v4 =	vadd.f32 v6, v1  }
0x71: {  	v12 =	vld [tilespmem:s17+$0xB680];
	[tilespmem:s17+$0xB610] =	vst v5;
	v5 =	vadd.f32 v7, v0  }
0x72: {  	v13 =	vld [tilespmem:s17+$0xB690];
	[tilespmem:s17+$0xB620] =	vst v4;
	v4 =	vadd.f32 v8, v3  }
0x73: {  	v6 =	vadd.f32 v9, v2;
	[tilespmem:s17+$0xB630] =	vst v5;
	v5 =	vld [tilespmem:s17+$0xB6A0]  }
0x74: {  	v7 =	vadd.f32 v10, v1;
	[tilespmem:s17+$0xB640] =	vst v4;
	v4 =	vld [tilespmem:s17+$0xB6B0]  }
0x75: {  	[tilespmem:s17+$0xB650] =	vst v6;
	v6 =	vld [tilespmem:s17+$0xB6C0];
	v8 =	vadd.f32 v11, v0  }
0x76: {  	v10 =	vadd.f32 v12, v3;
	[tilespmem:s17+$0xB660] =	vst v7;
	v7 =	vld [tilespmem:s17+$0xB6D0]  }
0x77: {  	s18 =	simm.s32 $0x400;
	v9 =	vadd.f32 v13, v2;
	[tilespmem:s17+$0xB670] =	vst v8;
	v8 =	vld [tilespmem:s17+$0xB6E0]  }
.LBB2_5:
0x78: {  	s6 =	sshra.s32 s18, $0x2;
	p0 =	sne.s32 s18, $0xC400;
	[tilespmem:s17+$0xB680] =	vst v10;
	v5 =	vadd.f32 v5, v1;
	v10 =	vld [tilespmem:s17+$0xB6F0]  }
0x79: {  	v11 =	vld [tilespmem:s6+$0xB600];
	[tilespmem:s17+$0xB690] =	vst v9;
	v4 =	vadd.f32 v4, v0  }
0x7a: {  	v9 =	vld [tilespmem:s6+$0xB610];
	[tilespmem:s17+$0xB6A0] =	vst v5;
	v5 =	vadd.f32 v6, v3  }
0x7b: {  	v6 =	vld [tilespmem:s6+$0xB620];
	[tilespmem:s17+$0xB6B0] =	vst v4;
	v4 =	vadd.f32 v7, v2  }
0x7c: {  	v7 =	vld [tilespmem:s6+$0xB630];
	[tilespmem:s17+$0xB6C0] =	vst v5;
	v5 =	vadd.f32 v8, v1  }
0x7d: {  	v8 =	vld [tilespmem:s6+$0xB640];
	[tilespmem:s17+$0xB6D0] =	vst v4;
	v4 =	vadd.f32 v10, v0  }
0x7e: {  	v10 =	vadd.f32 v11, v3;
	v11 =	vld [tilespmem:s6+$0xB650];
	[tilespmem:s17+$0xB6E0] =	vst v5  }
0x7f: {  	v5 =	vadd.f32 v9, v2;
	v9 =	vld [tilespmem:s6+$0xB660];
	[tilespmem:s17+$0xB6F0] =	vst v4;
	s17 =	smov.u32 s6  }
0x80: {  	[tilespmem:s17+$0xB600] =	vst v10;
	v4 =	vadd.f32 v6, v1;
	v6 =	vld [tilespmem:s17+$0xB670]  }
0x81: {  	[tilespmem:s17+$0xB610] =	vst v5;
	v5 =	vadd.f32 v7, v0;
	v7 =	vld [tilespmem:s17+$0xB680]  }
0x82: {  	[tilespmem:s17+$0xB620] =	vst v4;
	v4 =	vadd.f32 v8, v3;
	v8 =	vld [tilespmem:s17+$0xB690]  }
.Ltmp1:
0x83: {  	[tilespmem:s17+$0xB630] =	vst v5;
	v10 =	vadd.f32 v11, v2;
	v5 =	vld [tilespmem:s17+$0xB6A0];
	(pc) =	sbr.rel @p0 .LBB2_5-.Ltmp1, $4  }
0x84: {  	[tilespmem:s17+$0xB640] =	vst v4;
	v9 =	vadd.f32 v9, v1;
	v4 =	vld [tilespmem:s17+$0xB6B0]  }
0x85: {  	[tilespmem:s17+$0xB650] =	vst v10;
	v11 =	vadd.f32 v6, v0;
	v6 =	vld [tilespmem:s17+$0xB6C0]  }
0x86: {  	[tilespmem:s17+$0xB660] =	vst v9;
	v10 =	vadd.f32 v7, v3;
	v7 =	vld [tilespmem:s17+$0xB6D0]  }
0x87: {  	s18 =	sadd.s32 $0x400, s18;
	[tilespmem:s17+$0xB670] =	vst v11;
	v9 =	vadd.f32 v8, v2;
	v8 =	vld [tilespmem:s17+$0xB6E0]  }
0x88: {  	[tilespmem:s17+$0xB680] =	vst v10;
	v5 =	vadd.f32 v5, v1;
	v10 =	vld [tilespmem:s17+$0xB6F0]  }
0x89: {  	[tilespmem:s17+$0xB690] =	vst v9;
	v4 =	vadd.f32 v4, v0  }
0x8a: {  	[tilespmem:s17+$0xB6A0] =	vst v5;
	v3 =	vadd.f32 v6, v3  }
0x8b: {  	[tilespmem:s17+$0xB6B0] =	vst v4;
	v2 =	vadd.f32 v7, v2  }
0x8c: {  	s6 =	sadd.s32 s4, s15;
	[tilespmem:s17+$0xB6C0] =	vst v3;
	v1 =	vadd.f32 v8, v1  }
0x8d: {  	s6 =	smul.u32 $0x640, s6;
	[tilespmem:s17+$0xB6D0] =	vst v2;
	v0 =	vadd.f32 v10, v0  }
0x8e: {  	[tilespmem:s17+$0xB6E0] =	vst v1  }
0x8f: {  	p0 =	seq.s32 s0, $0x1F;
	s6 =	sadd.s32 s2, s6;
	[tilespmem:s17+$0xB6F0] =	vst v0  }
0x90: {  	[hbm4b:s6+s3] =	stream.linear.scatter [tilespmem:s16], [sflag:$0x6], $0x3200, $0x38;
	[tilespmem:$0x14C00] =	vst v63  }
0x91: {  	s15 =	smul.u32 @!p0 $0xC80, s0;
	s6 =	simm.s32 @!p0 $0x5  }
0x92: {  	_ =	swait.ge @!p0 [sflag:s6], $0x3200  }
0x93: {  	s18 =	simm.s32 @!p0 $0x8400;
	s15 =	sshra.s32 @!p0 s15, $0x2;
	[sflag:s6] =	ssyncset.done @!p0 $0x0  }
0x94: {  	s17 =	simm.s32 @!p0 $0x80;
	[sflag:s6] =	ssyncadd.s32 @!p0 $0xFFFFCE00;
	s6 =	sadd.s32 @!p0 $0x320, s15  }
0x95: {  	[tilespmem:s18], [sflag:$0x1] =	stream.indirect.gather @!p0 [hbm4b:s5+s17], $0x40, s6, s17, $0xb8;
	[tilespmem:$0x14C00] =	vst v63  }
0x96: {  	s6 =	sadd.s32 @!p0 $0x3A0, s15;
	s17 =	simm.s32 @!p0 $0x48;
	s18 =	simm.s32 @!p0 $0xA400  }
0x97: {  	[tilespmem:s18], [sflag:$0x1] =	stream.indirect.gather @!p0 [hbm4b:s5+s17], $0x40, s6, s17, $0xb8;
	[tilespmem:$0x14C00] =	vst v63  }
0x98: {  	_ =	swait.ge [sflag:s25], $0x2000  }
0x99: {  	[sflag:s25] =	ssyncset.done $0x0  }
0x9a: {  	[sflag:s25] =	ssyncadd.s32 $0xFFFFE000  }
0x9b: {  	_ =	swait.ge [sflag:s25], $0x1200  }
0x9c: {  	s18 =	sshll.u32 s14, $0x6;
	[sflag:s25] =	ssyncset.done $0x0  }
0x9d: {  	s6 =	sand.u32 $0x3FFFFFC0, s18;
	[sflag:s25] =	ssyncadd.s32 $0xFFFFEE00  }
0x9e: {  	v3 =	vld [tilespmem:s6+$0x6400]  }
0x9f: {  	v2 =	vld [tilespmem:s6+$0x6410]  }
0xa0: {  	v1 =	vld [tilespmem:s6+$0x6420]  }
0xa1: {  	s17 =	simm.s32 $0x0;
	v0 =	vld [tilespmem:s6+$0x6430]  }
0xa2: {  	v4 =	vld [tilespmem:s17+$0xE800]  }
0xa3: {  	v5 =	vld [tilespmem:s17+$0xE810]  }
0xa4: {  	v6 =	vld [tilespmem:s17+$0xE820]  }
0xa5: {  	v7 =	vld [tilespmem:s17+$0xE830]  }
0xa6: {  	v8 =	vld [tilespmem:s17+$0xE840]  }
0xa7: {  	v9 =	vld [tilespmem:s17+$0xE850];
	v4 =	vadd.f32 v4, v3  }
0xa8: {  	v10 =	vld [tilespmem:s17+$0xE860];
	v5 =	vadd.f32 v5, v2  }
0xa9: {  	v11 =	vld [tilespmem:s17+$0xE870];
	[tilespmem:s17+$0xE800] =	vst v4;
	v4 =	vadd.f32 v6, v1  }
0xaa: {  	v12 =	vld [tilespmem:s17+$0xE880];
	[tilespmem:s17+$0xE810] =	vst v5;
	v5 =	vadd.f32 v7, v0  }
0xab: {  	v13 =	vld [tilespmem:s17+$0xE890];
	[tilespmem:s17+$0xE820] =	vst v4;
	v4 =	vadd.f32 v8, v3  }
0xac: {  	v6 =	vadd.f32 v9, v2;
	[tilespmem:s17+$0xE830] =	vst v5;
	v5 =	vld [tilespmem:s17+$0xE8A0]  }
0xad: {  	v7 =	vadd.f32 v10, v1;
	[tilespmem:s17+$0xE840] =	vst v4;
	v4 =	vld [tilespmem:s17+$0xE8B0]  }
0xae: {  	[tilespmem:s17+$0xE850] =	vst v6;
	v6 =	vld [tilespmem:s17+$0xE8C0];
	v8 =	vadd.f32 v11, v0  }
0xaf: {  	v10 =	vadd.f32 v12, v3;
	[tilespmem:s17+$0xE860] =	vst v7;
	v7 =	vld [tilespmem:s17+$0xE8D0]  }
0xb0: {  	s18 =	simm.s32 $0x400;
	v9 =	vadd.f32 v13, v2;
	[tilespmem:s17+$0xE870] =	vst v8;
	v8 =	vld [tilespmem:s17+$0xE8E0]  }
.LBB2_7:
0xb1: {  	s6 =	sshra.s32 s18, $0x2;
	p1 =	sne.s32 s18, $0xC400;
	[tilespmem:s17+$0xE880] =	vst v10;
	v5 =	vadd.f32 v5, v1;
	v10 =	vld [tilespmem:s17+$0xE8F0]  }
0xb2: {  	v11 =	vld [tilespmem:s6+$0xE800];
	[tilespmem:s17+$0xE890] =	vst v9;
	v4 =	vadd.f32 v4, v0  }
0xb3: {  	v9 =	vld [tilespmem:s6+$0xE810];
	[tilespmem:s17+$0xE8A0] =	vst v5;
	v5 =	vadd.f32 v6, v3  }
0xb4: {  	v6 =	vld [tilespmem:s6+$0xE820];
	[tilespmem:s17+$0xE8B0] =	vst v4;
	v4 =	vadd.f32 v7, v2  }
0xb5: {  	v7 =	vld [tilespmem:s6+$0xE830];
	[tilespmem:s17+$0xE8C0] =	vst v5;
	v5 =	vadd.f32 v8, v1  }
0xb6: {  	v8 =	vld [tilespmem:s6+$0xE840];
	[tilespmem:s17+$0xE8D0] =	vst v4;
	v4 =	vadd.f32 v10, v0  }
0xb7: {  	v10 =	vadd.f32 v11, v3;
	v11 =	vld [tilespmem:s6+$0xE850];
	[tilespmem:s17+$0xE8E0] =	vst v5  }
0xb8: {  	v5 =	vadd.f32 v9, v2;
	v9 =	vld [tilespmem:s6+$0xE860];
	[tilespmem:s17+$0xE8F0] =	vst v4;
	s17 =	smov.u32 s6  }
0xb9: {  	[tilespmem:s17+$0xE800] =	vst v10;
	v4 =	vadd.f32 v6, v1;
	v6 =	vld [tilespmem:s17+$0xE870]  }
0xba: {  	[tilespmem:s17+$0xE810] =	vst v5;
	v5 =	vadd.f32 v7, v0;
	v7 =	vld [tilespmem:s17+$0xE880]  }
0xbb: {  	[tilespmem:s17+$0xE820] =	vst v4;
	v4 =	vadd.f32 v8, v3;
	v8 =	vld [tilespmem:s17+$0xE890]  }
.Ltmp2:
0xbc: {  	[tilespmem:s17+$0xE830] =	vst v5;
	v10 =	vadd.f32 v11, v2;
	v5 =	vld [tilespmem:s17+$0xE8A0];
	(pc) =	sbr.rel @p1 .LBB2_7-.Ltmp2, $4  }
0xbd: {  	[tilespmem:s17+$0xE840] =	vst v4;
	v9 =	vadd.f32 v9, v1;
	v4 =	vld [tilespmem:s17+$0xE8B0]  }
0xbe: {  	[tilespmem:s17+$0xE850] =	vst v10;
	v11 =	vadd.f32 v6, v0;
	v6 =	vld [tilespmem:s17+$0xE8C0]  }
0xbf: {  	[tilespmem:s17+$0xE860] =	vst v9;
	v10 =	vadd.f32 v7, v3;
	v7 =	vld [tilespmem:s17+$0xE8D0]  }
0xc0: {  	s18 =	sadd.s32 $0x400, s18;
	[tilespmem:s17+$0xE870] =	vst v11;
	v9 =	vadd.f32 v8, v2;
	v8 =	vld [tilespmem:s17+$0xE8E0]  }
0xc1: {  	[tilespmem:s17+$0xE880] =	vst v10;
	v5 =	vadd.f32 v5, v1;
	v10 =	vld [tilespmem:s17+$0xE8F0]  }
0xc2: {  	[tilespmem:s17+$0xE890] =	vst v9;
	v4 =	vadd.f32 v4, v0  }
0xc3: {  	[tilespmem:s17+$0xE8A0] =	vst v5;
	v3 =	vadd.f32 v6, v3  }
0xc4: {  	[tilespmem:s17+$0xE8B0] =	vst v4;
	v2 =	vadd.f32 v7, v2  }
0xc5: {  	s6 =	sadd.s32 s4, s14;
	[tilespmem:s17+$0xE8C0] =	vst v3;
	v1 =	vadd.f32 v8, v1  }
0xc6: {  	s6 =	smul.u32 $0x640, s6;
	[tilespmem:s17+$0xE8D0] =	vst v2;
	v0 =	vadd.f32 v10, v0  }
0xc7: {  	[tilespmem:s17+$0xE8E0] =	vst v1  }
0xc8: {  	s6 =	sadd.s32 s2, s6;
	[tilespmem:s17+$0xE8F0] =	vst v0  }
0xc9: {  	[hbm4b:s6+s3] =	stream.linear.scatter [tilespmem:s19], [sflag:$0x7], $0x3200, $0x38;
	[tilespmem:$0x14C00] =	vst v63  }
0xca: {  	s6 =	simm.s32 @!p0 $0x6  }
0xcb: {  	_ =	swait.ge @!p0 [sflag:s6], $0x3200  }
0xcc: {  	s14 =	simm.s32 @!p0 $0x80;
	[sflag:s6] =	ssyncset.done @!p0 $0x0  }
0xcd: {  	s17 =	simm.s32 @!p0 $0xB600;
	[sflag:s6] =	ssyncadd.s32 @!p0 $0xFFFFCE00;
	s6 =	sadd.s32 @!p0 $0x3E8, s15  }
0xce: {  	[tilespmem:s17], [sflag:$0x2] =	stream.indirect.gather @!p0 [hbm4b:s5+s14], $0x40, s6, s14, $0xb8;
	[tilespmem:$0x14C00] =	vst v63  }
0xcf: {  	s6 =	sadd.s32 @!p0 $0x468, s15;
	s14 =	simm.s32 @!p0 $0x48;
	s15 =	simm.s32 @!p0 $0xD600  }
0xd0: {  	[tilespmem:s15], [sflag:$0x2] =	stream.indirect.gather @!p0 [hbm4b:s5+s14], $0x40, s6, s14, $0xb8;
	[tilespmem:$0x14C00] =	vst v63  }
0xd1: {  	_ =	swait.ge [sflag:s26], $0x2000  }
0xd2: {  	[sflag:s26] =	ssyncset.done $0x0  }
0xd3: {  	[sflag:s26] =	ssyncadd.s32 $0xFFFFE000  }
0xd4: {  	_ =	swait.ge [sflag:s26], $0x1200  }
0xd5: {  	s18 =	sshll.u32 s10, $0x6;
	[sflag:s26] =	ssyncset.done $0x0  }
0xd6: {  	s6 =	sand.u32 $0x3FFFFFC0, s18;
	[sflag:s26] =	ssyncadd.s32 $0xFFFFEE00  }
0xd7: {  	v3 =	vld [tilespmem:s6+$0x6400]  }
0xd8: {  	v2 =	vld [tilespmem:s6+$0x6410]  }
0xd9: {  	v1 =	vld [tilespmem:s6+$0x6420]  }
0xda: {  	s14 =	simm.s32 $0x0;
	v0 =	vld [tilespmem:s6+$0x6430]  }
0xdb: {  	v4 =	vld [tilespmem:s14+$0x11A00]  }
0xdc: {  	v5 =	vld [tilespmem:s14+$0x11A10]  }
0xdd: {  	v6 =	vld [tilespmem:s14+$0x11A20]  }
0xde: {  	v7 =	vld [tilespmem:s14+$0x11A30]  }
0xdf: {  	v8 =	vld [tilespmem:s14+$0x11A40]  }
0xe0: {  	v9 =	vld [tilespmem:s14+$0x11A50];
	v4 =	vadd.f32 v4, v3  }
0xe1: {  	v10 =	vld [tilespmem:s14+$0x11A60];
	v5 =	vadd.f32 v5, v2  }
0xe2: {  	v11 =	vld [tilespmem:s14+$0x11A70];
	[tilespmem:s14+$0x11A00] =	vst v4;
	v4 =	vadd.f32 v6, v1  }
0xe3: {  	v12 =	vld [tilespmem:s14+$0x11A80];
	[tilespmem:s14+$0x11A10] =	vst v5;
	v5 =	vadd.f32 v7, v0  }
0xe4: {  	v13 =	vld [tilespmem:s14+$0x11A90];
	[tilespmem:s14+$0x11A20] =	vst v4;
	v4 =	vadd.f32 v8, v3  }
0xe5: {  	v6 =	vadd.f32 v9, v2;
	[tilespmem:s14+$0x11A30] =	vst v5;
	v5 =	vld [tilespmem:s14+$0x11AA0]  }
0xe6: {  	v7 =	vadd.f32 v10, v1;
	[tilespmem:s14+$0x11A40] =	vst v4;
	v4 =	vld [tilespmem:s14+$0x11AB0]  }
0xe7: {  	[tilespmem:s14+$0x11A50] =	vst v6;
	v6 =	vld [tilespmem:s14+$0x11AC0];
	v8 =	vadd.f32 v11, v0  }
0xe8: {  	v10 =	vadd.f32 v12, v3;
	[tilespmem:s14+$0x11A60] =	vst v7;
	v7 =	vld [tilespmem:s14+$0x11AD0]  }
0xe9: {  	s15 =	simm.s32 $0x400;
	v9 =	vadd.f32 v13, v2;
	[tilespmem:s14+$0x11A70] =	vst v8;
	v8 =	vld [tilespmem:s14+$0x11AE0]  }
.LBB2_9:
0xea: {  	s6 =	sshra.s32 s15, $0x2;
	p0 =	sne.s32 s15, $0xC400;
	[tilespmem:s14+$0x11A80] =	vst v10;
	v5 =	vadd.f32 v5, v1;
	v10 =	vld [tilespmem:s14+$0x11AF0]  }
0xeb: {  	v11 =	vld [tilespmem:s6+$0x11A00];
	[tilespmem:s14+$0x11A90] =	vst v9;
	v4 =	vadd.f32 v4, v0  }
0xec: {  	v9 =	vld [tilespmem:s6+$0x11A10];
	[tilespmem:s14+$0x11AA0] =	vst v5;
	v5 =	vadd.f32 v6, v3  }
0xed: {  	v6 =	vld [tilespmem:s6+$0x11A20];
	[tilespmem:s14+$0x11AB0] =	vst v4;
	v4 =	vadd.f32 v7, v2  }
0xee: {  	v7 =	vld [tilespmem:s6+$0x11A30];
	[tilespmem:s14+$0x11AC0] =	vst v5;
	v5 =	vadd.f32 v8, v1  }
0xef: {  	v8 =	vld [tilespmem:s6+$0x11A40];
	[tilespmem:s14+$0x11AD0] =	vst v4;
	v4 =	vadd.f32 v10, v0  }
0xf0: {  	v10 =	vadd.f32 v11, v3;
	v11 =	vld [tilespmem:s6+$0x11A50];
	[tilespmem:s14+$0x11AE0] =	vst v5  }
0xf1: {  	v5 =	vadd.f32 v9, v2;
	v9 =	vld [tilespmem:s6+$0x11A60];
	[tilespmem:s14+$0x11AF0] =	vst v4;
	s14 =	smov.u32 s6  }
0xf2: {  	[tilespmem:s14+$0x11A00] =	vst v10;
	v4 =	vadd.f32 v6, v1;
	v6 =	vld [tilespmem:s14+$0x11A70]  }
0xf3: {  	[tilespmem:s14+$0x11A10] =	vst v5;
	v5 =	vadd.f32 v7, v0;
	v7 =	vld [tilespmem:s14+$0x11A80]  }
0xf4: {  	[tilespmem:s14+$0x11A20] =	vst v4;
	v4 =	vadd.f32 v8, v3;
	v8 =	vld [tilespmem:s14+$0x11A90]  }
.Ltmp3:
0xf5: {  	[tilespmem:s14+$0x11A30] =	vst v5;
	v10 =	vadd.f32 v11, v2;
	v5 =	vld [tilespmem:s14+$0x11AA0];
	(pc) =	sbr.rel @p0 .LBB2_9-.Ltmp3, $4  }
0xf6: {  	[tilespmem:s14+$0x11A40] =	vst v4;
	v9 =	vadd.f32 v9, v1;
	v4 =	vld [tilespmem:s14+$0x11AB0]  }
0xf7: {  	[tilespmem:s14+$0x11A50] =	vst v10;
	v11 =	vadd.f32 v6, v0;
	v6 =	vld [tilespmem:s14+$0x11AC0]  }
0xf8: {  	[tilespmem:s14+$0x11A60] =	vst v9;
	v10 =	vadd.f32 v7, v3;
	v7 =	vld [tilespmem:s14+$0x11AD0]  }
0xf9: {  	s15 =	sadd.s32 $0x400, s15;
	[tilespmem:s14+$0x11A70] =	vst v11;
	v9 =	vadd.f32 v8, v2;
	v8 =	vld [tilespmem:s14+$0x11AE0]  }
0xfa: {  	[tilespmem:s14+$0x11A80] =	vst v10;
	v5 =	vadd.f32 v5, v1;
	v61 =	vld [tilespmem:s14+$0x11AF0]  }
0xfb: {  	[tilespmem:s14+$0x11A90] =	vst v9;
	v4 =	vadd.f32 v4, v0  }
0xfc: {  	s0 =	sadd.s32 $0x1, s0;
	[tilespmem:s14+$0x11AA0] =	vst v5;
	v3 =	vadd.f32 v6, v3  }
0xfd: {  	p0 =	sne.s32 s0, $0x20;
	[tilespmem:s14+$0x11AB0] =	vst v4;
	v2 =	vadd.f32 v7, v2  }
.Ltmp4:
0xfe: {  	s6 =	sadd.s32 s4, s10;
	[tilespmem:s14+$0x11AC0] =	vst v3;
	v62 =	vadd.f32 v8, v1;
	(pc) =	sbr.rel @p0 .LBB2_2-.Ltmp4, $4  }
0xff: {  	s6 =	smul.u32 $0x640, s6;
	[tilespmem:s14+$0x11AD0] =	vst v2;
	v63 =	vadd.f32 v61, v0  }
0x100: {  	[tilespmem:s14+$0x11AE0] =	vst v62  }
0x101: {  	s6 =	sadd.s32 s2, s6;
	[tilespmem:s14+$0x11AF0] =	vst v63  }
0x102: {  	[hbm4b:s6+s3] =	stream.linear.scatter [tilespmem:s22], [sflag:$0x8], $0x3200, $0x38;
	[tilespmem:$0x14C00] =	vst v63  }
0x103: {  	_ =	swait.ge [sflag:s28], $0x3200  }
0x104: {  	[sflag:s28] =	ssyncset.done $0x0  }
0x105: {  	[sflag:s28] =	ssyncadd.s32 $0xFFFFCE00  }
0x106: {  	_ =	swait.ge [sflag:s29], $0x3200  }
0x107: {  	[sflag:s29] =	ssyncset.done $0x0  }
0x108: {  	s1 =	sadd.s32 $0x1, s1;
	[sflag:s29] =	ssyncadd.s32 $0xFFFFCE00  }
0x109: {  	p0 =	sne.s32 s1, s8;
	_ =	swait.ge [sflag:s30], $0x3200  }
.Ltmp5:
0x10a: {  	[sflag:s30] =	ssyncset.done $0x0;
	(pc) =	sbr.rel @p0 .LBB2_1-.Ltmp5, $4  }
0x10b: {  	[sflag:s30] =	ssyncadd.s32 $0xFFFFCE00  }
0x10c: {  	_ =	swait.ge [sflag:s31], $0x3200  }
0x10d: {  	[sflag:s31] =	ssyncset.done $0x0  }
0x10e: {  	[sflag:s31] =	ssyncadd.s32 $0xFFFFCE00  }
0x10f: {  	_ =	sfence.sel $0x180000  }
0x110: {  	[bflag:$0x0] =	sbarrier.arrive $0xFFFF  }
0x111: {  	_ =	strace $0x90000047  }
0x112: {  	s0 =	stileid.u32;
	[bflag:$0x2] =	sbarrier.arrive $0xFFFF  }
0x113: {  	p0 =	sne.s32 s0, $0x0;
	s0 =	rddreg [dreg:$0x2]  }
0x114: {  	s0 =	sadd.s32 @!p0 $0x100000, s0  }
0x115: {  	[sflag:s0] =	ssyncadd.tile.s32 @!p0 $0x1;
	_ =	shalt  }
.Lfunc_end2:
_tile_overlayer_lowered:
.L_overlay_start_2:
0x116: {  	(tag) =	ssettag $0x2  }
0x117: {  	s0 =	rddreg [dreg:$0x0];
	s2 =	stileid.u32  }
0x118: {  	s1 =	rddreg [dreg:$0x1];
	p0 =	sne.s32 s2, $0x0  }
0x119: {  	s3 =	rddreg [dreg:$0x2];
	[bflag:$0x3] =	sbarrier.arrive $0xFFFF;
	s2 =	simm.s32 @!p0 $0x1C09  }
0x11a: {  	[timem:s3], [sflag:s2] =	dma.local @!p0 [hbm:s0], s1  }
0x11b: {  	s0 =	simm.s32 @!p0 $0x9  }
0x11c: {  	_ =	swait.ge @!p0 [sflag:s0], s1  }
0x11d: {  	s1 =	ssub.s32 @!p0 $0x0, s1;
	[sflag:s0] =	ssyncset.done @!p0 $0x0  }
0x11e: {  	[sflag:s0] =	ssyncadd.s32 @!p0 s1  }
0x11f: {  	[bflag:$0x3] =	sbarrier.arrive $0xFFFF  }
0x120: {  	_ =	shalt  }

</sc_bundles>
